<compile_context>
chip_gen: v7x
topology: tpu7x:2x2x1
jax: 0.10.2.dev20260603
libtpu: 0.0.44.dev20260713+nightly
codegen_flags: <defaults>
</compile_context>

<pallas_src>
import functools

import jax
import jax.numpy as jnp
from jax import lax
from jax.experimental import pallas as pl
from jax.experimental.pallas import tpu as pltpu
from jax.experimental.pallas import tpu_sc as plsc

N = 10000
E = 160000
F = 256
HF = 128
L = 4

NCORES = 2
NTILES = 16
CHUNK = 128
NSPLIT = 1
CPT = 80
E_PAD = NTILES * NSPLIT * CPT * CHUNK
NPASS = 2
CPP = CPT // NPASS
ZROWS = 632
ACC_ROWS = NTILES * ZROWS
TRASH = N



NBUF = 2


def _agg_body(h_ref, src_ref, dst_ref, z_ref, out_ref, src_v, dst_v, rows_v,
              acc, *gsems):
    c = lax.axis_index("c")
    s = lax.axis_index("s")
    pltpu.sync_copy(z_ref, acc.at[pl.ds(s * ZROWS, ZROWS)])
    plsc.subcore_barrier()

    def pass_body(p, carry):
        base = pl.multiple_of(s * CPT + p * CPP, 8)
        pltpu.sync_copy(src_ref.at[c, pl.ds(base, CPP)], src_v)
        pltpu.sync_copy(dst_ref.at[pl.ds(base, CPP)], dst_v)
        for b in range(NBUF):
            pltpu.async_copy(h_ref.at[src_v.at[b]], rows_v.at[b], gsems[b])

        def group(g, carry2):
            for b in range(NBUF):
                j = g * NBUF + b
                pltpu.make_async_copy(h_ref.at[src_v.at[j]], rows_v.at[b],
                                      gsems[b]).wait()
                pltpu.sync_copy(rows_v.at[b], acc.at[dst_v.at[j]], add=True)

                @pl.when(j + NBUF < CPP)
                def _():
                    pltpu.async_copy(h_ref.at[src_v.at[j + NBUF]],
                                     rows_v.at[b], gsems[b])
            return carry2

        lax.fori_loop(0, CPP // NBUF, group, 0)
        return carry

    lax.fori_loop(0, NPASS, pass_body, 0)
    plsc.subcore_barrier()
    pltpu.sync_copy(acc.at[pl.ds(s * ZROWS, ZROWS)],
                    out_ref.at[c, pl.ds(s * ZROWS, ZROWS)])


_agg_call = functools.partial(
    pl.kernel,
    out_type=jax.ShapeDtypeStruct((NCORES, ACC_ROWS, HF), jnp.float32),
    mesh=plsc.VectorSubcoreMesh(core_axis_name="c", subcore_axis_name="s"),
    scratch_types=[
        pltpu.VMEM((CPP, CHUNK), jnp.int32),
        pltpu.VMEM((CPP, CHUNK), jnp.int32),
        pltpu.VMEM((NBUF, CHUNK, HF), jnp.float32),
        pltpu.VMEM_SHARED((ACC_ROWS, HF), jnp.float32),
    ] + [pltpu.SemaphoreType.DMA] * NBUF,
)(_agg_body)



BN_ROWS = 1000


def _layer_body(eps_ref, h_ref, a_ref, w1_ref, c1_ref, w2_ref, c2_ref,
                sp_ref, tp_ref, o_ref, *, last):
    h = jnp.concatenate([h_ref[0], h_ref[1]], axis=1)
    agg = jnp.concatenate([a_ref[0], a_ref[1]], axis=1)
    z = (1.0 + eps_ref[0, 0]) * h + agg
    z = jnp.dot(z, w1_ref[...], preferred_element_type=jnp.float32) + c1_ref[...]
    z = jnp.maximum(z, 0.0)
    u = jnp.dot(z, w2_ref[...], preferred_element_type=jnp.float32) + c2_ref[...]
    if not last:
        u = jnp.maximum(u, 0.0)
        u = u * sp_ref[...] + tp_ref[...]
        u = jnp.maximum(u, 0.0)
    h2 = u + h
    o_ref[0] = h2[:, :HF]
    o_ref[1] = h2[:, HF:]


def _make_layer_call(last):
    body = functools.partial(_layer_body, last=last)
    block = pl.BlockSpec((NCORES, BN_ROWS, HF), lambda i: (0, i, 0))
    full2 = pl.BlockSpec((F, F), lambda i: (0, 0))
    vec = pl.BlockSpec((1, F), lambda i: (0, 0))
    return pl.pallas_call(
        body,
        grid=(N // BN_ROWS,),
        in_specs=[
            pl.BlockSpec(memory_space=pltpu.SMEM),
            block, block, full2, vec, full2, vec, vec, vec,
        ],
        out_specs=block,
        out_shape=jax.ShapeDtypeStruct((NCORES, N, HF), jnp.float32),
    )


_layer_mid = _make_layer_call(last=False)
_layer_last = _make_layer_call(last=True)




def _ln(x, g, b):
    mu = jnp.mean(x, axis=-1, keepdims=True)
    xc = x - mu
    var = jnp.mean(xc * xc, axis=-1, keepdims=True)
    return xc * lax.rsqrt(var + 1e-5) * g + b


def _head_body(h_ref, lng_ref, lnb_ref, w1_ref, b1_ref, g1_ref, t1_ref,
               w2_ref, b2_ref, g2_ref, t2_ref, o_ref):
    h = jnp.concatenate([h_ref[0], h_ref[1]], axis=1)
    h = _ln(h, lng_ref[...], lnb_ref[...])
    a = jnp.dot(h, w1_ref[...], preferred_element_type=jnp.float32) + b1_ref[...]
    a = jnp.maximum(_ln(a, g1_ref[...], t1_ref[...]), 0.0)
    o = jnp.dot(a, w2_ref[...], preferred_element_type=jnp.float32) + b2_ref[...]
    o_ref[...] = jnp.maximum(_ln(o, g2_ref[...], t2_ref[...]), 0.0)


_head_call = pl.pallas_call(
    _head_body,
    grid=(N // BN_ROWS,),
    in_specs=[
        pl.BlockSpec((NCORES, BN_ROWS, HF), lambda i: (0, i, 0)),
        pl.BlockSpec((1, F), lambda i: (0, 0)),
        pl.BlockSpec((1, F), lambda i: (0, 0)),
        pl.BlockSpec((F, 2 * F), lambda i: (0, 0)),
        pl.BlockSpec((1, 2 * F), lambda i: (0, 0)),
        pl.BlockSpec((1, 2 * F), lambda i: (0, 0)),
        pl.BlockSpec((1, 2 * F), lambda i: (0, 0)),
        pl.BlockSpec((2 * F, F), lambda i: (0, 0)),
        pl.BlockSpec((1, F), lambda i: (0, 0)),
        pl.BlockSpec((1, F), lambda i: (0, 0)),
        pl.BlockSpec((1, F), lambda i: (0, 0)),
    ],
    out_specs=pl.BlockSpec((BN_ROWS, F), lambda i: (i, 0)),
    out_shape=jax.ShapeDtypeStruct((N, F), jnp.float32),
)




def _bn_affine(p):
    s = p["gamma"] * lax.rsqrt(p["var"] + 1e-5)
    t = p["beta"] - p["mean"] * s
    return s, t


def kernel(x, edge_index, params):
    pad = E_PAD - E
    src = jnp.concatenate([edge_index[0], jnp.zeros((pad,), jnp.int32)])
    pad_dst = TRASH + (jnp.arange(pad, dtype=jnp.int32) % (ACC_ROWS - N))
    dst = jnp.concatenate([edge_index[1], pad_dst])
    src4 = src.reshape(NTILES, NSPLIT, CPT, CHUNK)
    dst4 = dst.reshape(NTILES, NSPLIT, CPT, CHUNK)
    src_splits, dst_splits = [], []
    for k in range(NSPLIT):
        s2 = src4[:, k].reshape(NTILES * CPT, CHUNK)
        src_splits.append(jnp.stack([s2, s2 + N]))
        dst_splits.append(dst4[:, k].reshape(NTILES * CPT, CHUNK))
    zeros = jnp.zeros((ZROWS, HF), jnp.float32)

    H = jnp.stack([x[:, :HF], x[:, HF:]])

    for i in range(L):
        c = params["convs"][i]
        s1, t1 = _bn_affine(c["bn1"])
        w1 = c["W1"] * s1[None, :]
        c1 = (c["b1"] * s1 + t1)[None, :]
        s2, t2 = _bn_affine(c["bn2"])
        w2 = c["W2"] * s2[None, :]
        c2 = c["b2"] * s2 + t2
        sp, tp = _bn_affine(params["post_bn"][i])
        last = i == L - 1
        if last:
            w2 = w2 * sp[None, :]
            c2 = c2 * sp + tp
        epsw = (params["eps"][i]).reshape(1, 1)

        agg = _agg_call(H.reshape(NCORES * N, HF),
                        src_splits[0], dst_splits[0], zeros)
        call = _layer_last if last else _layer_mid
        H = call(epsw, H, agg, w1, c1, w2, c2[None, :], sp[None, :], tp[None, :])

    return _head_call(
        H,
        params["ln_g"][None, :], params["ln_b"][None, :],
        params["Wf1"], params["bf1"][None, :],
        params["lnf1_g"][None, :], params["lnf1_b"][None, :],
        params["Wf2"], params["bf2"][None, :],
        params["lnf2_g"][None, :], params["lnf2_b"][None, :],
    )

# --- scband reference (transcript-rebuilt; emitter-appended) ---
"""Pipeline reference for scband-gin-48610439856579 (READ-ONLY COPY).

The authoritative reference and input builder live on the scoring server;
editing this copy changes nothing except your own understanding.
"""

import jax
import jax.numpy as jnp
import numpy as np

N = 10000
E = 160000
NFEAT = 256
NHID = 256
MH = 256
L = 4

def _glorot(key, fan_in, fan_out):
    lim = (6.0 / (fan_in + fan_out)) ** 0.5
    return jax.random.uniform(key, (fan_in, fan_out), minval=-lim, maxval=lim, dtype=jnp.float32)

def _bn_params(d):
    return {'gamma': jnp.ones((d,), jnp.float32), 'beta': jnp.zeros((d,), jnp.float32), 'mean': jnp.zeros((d,), jnp.float32), 'var': jnp.ones((d,), jnp.float32)}

def setup_inputs(seed: int = 0):
    key = jax.random.key(seed)
    ks = jax.random.split(key, 32)
    x = jax.random.normal(ks[0], (N, NFEAT), dtype=jnp.float32)
    edge_index = jax.random.randint(ks[1], (2, E), 0, N, dtype=jnp.int32)
    dims = [(NFEAT, MH, NHID)] + [(NHID, MH, NHID)] * (L - 1)
    convs = []
    k = 2
    for (din, dm, dout) in dims:
        convs.append({
            'W1': _glorot(ks[k], din, dm), 'b1': jnp.zeros((dm,), jnp.float32), 'bn1': _bn_params(dm),
            'W2': _glorot(ks[k + 1], dm, dout), 'b2': jnp.zeros((dout,), jnp.float32), 'bn2': _bn_params(dout),
        })
        k += 2
    params = {
        'eps': jnp.zeros((L,), jnp.float32),
        'convs': convs,
        'post_bn': [_bn_params(NHID) for _ in range(L)],
        'ln_g': jnp.ones((NHID,), jnp.float32), 'ln_b': jnp.zeros((NHID,), jnp.float32),
        'Wf1': _glorot(ks[k], NHID, 2 * NHID), 'bf1': jnp.zeros((2 * NHID,), jnp.float32),
        'lnf1_g': jnp.ones((2 * NHID,), jnp.float32), 'lnf1_b': jnp.zeros((2 * NHID,), jnp.float32),
        'Wf2': _glorot(ks[k + 1], 2 * NHID, NHID), 'bf2': jnp.zeros((NHID,), jnp.float32),
        'lnf2_g': jnp.ones((NHID,), jnp.float32), 'lnf2_b': jnp.zeros((NHID,), jnp.float32),
    }
    return {'x': x, 'edge_index': edge_index, 'params': params}

def _bn(x, p):
    # eval-mode BatchNorm1d: uses running stats (mean=0, var=1 at init)
    return p['gamma'] * (x - p['mean']) / jnp.sqrt(p['var'] + 1e-5) + p['beta']

def _ln(x, g, b):
    mu = jnp.mean(x, axis=-1, keepdims=True)
    var = jnp.mean((x - mu) ** 2, axis=-1, keepdims=True)
    return (x - mu) / jnp.sqrt(var + 1e-5) * g + b

def _forward(x, edge_index, params):
    src = edge_index[0]
    dst = edge_index[1]
    h = x
    for i in range(L):
        c = params['convs'][i]
        # GINConv: mlp((1 + eps) * x + sum_{j in N(i)} x_j), sum aggregation via scatter-add
        agg = jnp.zeros_like(h).at[dst].add(h[src])
        z = (1.0 + params['eps'][i]) * h + agg
        z = z @ c['W1'] + c['b1']
        z = jax.nn.relu(_bn(z, c['bn1']))
        # dropout is a no-op in eval mode
        z = z @ c['W2'] + c['b2']
        z = _bn(z, c['bn2'])
        if i < L - 1:
            z = jax.nn.relu(z)  # last conv mlp ends with BN only
        z = _bn(z, params['post_bn'][i])
        if i < L - 1:
            z = jax.nn.relu(z)
        # residual: nfeat == nhid so residual_projs are Identity and dims always match
        h = z + h
    h = _ln(h, params['ln_g'], params['ln_b'])
    h = jax.nn.relu(_ln(h @ params['Wf1'] + params['bf1'], params['lnf1_g'], params['lnf1_b']))
    h = jax.nn.relu(_ln(h @ params['Wf2'] + params['bf2'], params['lnf2_g'], params['lnf2_b']))
    return h

def reference(x, edge_index, params):
    return _forward(x, edge_index, params)

if __name__ == "__main__":
    import jax
    _d = setup_inputs()
    print(jax.jit(kernel)(*tuple(_d.values())))

</pallas_src>

<mosaic_0001>
#map = affine_map<(d0, d1) -> (0, 0)>
#map1 = affine_map<(d0, d1) -> (0, 0, 0)>
module attributes {stable_mosaic.version = 14 : i64} {
  func.func @_agg_body(%arg0: i32, %arg1: i32, %arg2: memref<20000x128xf32, #tpu.memory_space<hbm>>, %arg3: memref<2x1280x128xi32, #tpu.memory_space<hbm>>, %arg4: memref<1280x128xi32, #tpu.memory_space<hbm>>, %arg5: memref<632x128xf32, #tpu.memory_space<hbm>>, %arg6: memref<2x10112x128xf32, #tpu.memory_space<hbm>>, %arg7: memref<40x128xi32, #tpu.memory_space<vmem>>, %arg8: memref<40x128xi32, #tpu.memory_space<vmem>>, %arg9: memref<2x128x128xf32, #tpu.memory_space<vmem>>, %arg10: memref<10112x128xf32, #tpu.memory_space<vmem_shared>>, %arg11: memref<!tpu.dma_semaphore, #tpu.memory_space<semaphore_mem>>, %arg12: memref<!tpu.dma_semaphore, #tpu.memory_space<semaphore_mem>>) attributes {dimension_semantics = [#tpu.dimension_semantics<core_parallel>, #tpu.dimension_semantics<subcore_parallel>], iteration_bounds = array<i64: 2, 16>, scalar_prefetch = 0 : i64, scratch_operands = 6 : i64, tpu.core_type = #tpu.core_type<sc_vector_subcore>, window_params = [{transform_indices = #map}, {transform_indices = #map1}, {transform_indices = #map}, {transform_indices = #map}, {transform_indices = #map1}]} {
    %mul3A = arith.constant 632 : i32
    %mul3A_0 = arith.muli %arg1, %mul3A : i32
    "tpu.region"() ({
      %run_scoped3A = tpu.sem_alloc : memref<!tpu.dma_semaphore, #tpu.memory_space<semaphore_mem>>
      %dma_start3A = arith.constant 0 : i32
      %dma_start3A_11 = tpu.memref_slice %arg10[%mul3A_0, %dma_start3A] : memref<10112x128xf32, #tpu.memory_space<vmem_shared>> -> memref<632x128xf32, #tpu.memory_space<vmem_shared>>
      tpu.enqueue_dma source(%arg5 : memref<632x128xf32, #tpu.memory_space<hbm>>) target(%dma_start3A_11 : memref<632x128xf32, #tpu.memory_space<vmem_shared>>) target_semaphore(%run_scoped3A : memref<!tpu.dma_semaphore, #tpu.memory_space<semaphore_mem>>)
      %dma_wait3A = arith.constant 0 : i32
      %dma_wait3A_12 = tpu.memref_slice %arg10[%mul3A_0, %dma_wait3A] : memref<10112x128xf32, #tpu.memory_space<vmem_shared>> -> memref<632x128xf32, #tpu.memory_space<vmem_shared>>
      tpu.wait_dma2 semaphore(%run_scoped3A : memref<!tpu.dma_semaphore, #tpu.memory_space<semaphore_mem>>) src(%arg5 : memref<632x128xf32, #tpu.memory_space<hbm>>) dst(%dma_wait3A_12 : memref<632x128xf32, #tpu.memory_space<vmem_shared>>)
      tpu.yield
    }) : () -> ()
    %barrier3A = arith.constant 0 : index
    tpu.barrier barrier_id(%barrier3A)
    %scan3A = arith.constant 0 : i32
    %scan3A_1 = arith.constant 0 : i32
    %scan3A_2 = arith.constant 2 : i32
    %scan3A_3 = arith.addi %scan3A_1, %scan3A_2 : i32
    %scan3A_4 = arith.constant 1 : i32
    scf.for %scan3A_11 = %scan3A_1 to %scan3A_3 step %scan3A_4  : i32 {
      %mul3A_12 = arith.constant 80 : i32
      %mul3A_13 = arith.muli %arg1, %mul3A_12 : i32
      %mul3A_14 = arith.constant 40 : i32
      %mul3A_15 = arith.muli %scan3A_11, %mul3A_14 : i32
      %add3A = arith.addi %mul3A_13, %mul3A_15 : i32
      %multiple_of3A = tpu.assume_multiple %add3A, 8 : i32
      "tpu.region"() ({
        %run_scoped3A = tpu.sem_alloc : memref<!tpu.dma_semaphore, #tpu.memory_space<semaphore_mem>>
        %dma_start3A_45 = arith.constant 0 : i32
        %dma_start3A_46 = tpu.memref_slice %arg3[%arg0, %multiple_of3A, %dma_start3A_45] : memref<2x1280x128xi32, #tpu.memory_space<hbm>> -> memref<1x40x128xi32, #tpu.memory_space<hbm>>
        %dma_start3A_47 = tpu.memref_squeeze %dma_start3A_46 : memref<1x40x128xi32, #tpu.memory_space<hbm>> -> memref<40x128xi32, #tpu.memory_space<hbm>>
        %dma_start3A_48 = arith.constant 0 : i32
        %dma_start3A_49 = tpu.memref_slice %arg3[%arg0, %multiple_of3A, %dma_start3A_48] : memref<2x1280x128xi32, #tpu.memory_space<hbm>> -> memref<1x40x128xi32, #tpu.memory_space<hbm>>
        %dma_start3A_50 = tpu.memref_squeeze %dma_start3A_49 : memref<1x40x128xi32, #tpu.memory_space<hbm>> -> memref<40x128xi32, #tpu.memory_space<hbm>>
        tpu.enqueue_dma source(%dma_start3A_50 : memref<40x128xi32, #tpu.memory_space<hbm>>) target(%arg7 : memref<40x128xi32, #tpu.memory_space<vmem>>) target_semaphore(%run_scoped3A : memref<!tpu.dma_semaphore, #tpu.memory_space<semaphore_mem>>)
        %dma_wait3A = arith.constant 0 : i32
        %dma_wait3A_51 = tpu.memref_slice %arg3[%arg0, %multiple_of3A, %dma_wait3A] : memref<2x1280x128xi32, #tpu.memory_space<hbm>> -> memref<1x40x128xi32, #tpu.memory_space<hbm>>
        %dma_wait3A_52 = tpu.memref_squeeze %dma_wait3A_51 : memref<1x40x128xi32, #tpu.memory_space<hbm>> -> memref<40x128xi32, #tpu.memory_space<hbm>>
        %dma_wait3A_53 = arith.constant 0 : i32
        %dma_wait3A_54 = tpu.memref_slice %arg3[%arg0, %multiple_of3A, %dma_wait3A_53] : memref<2x1280x128xi32, #tpu.memory_space<hbm>> -> memref<1x40x128xi32, #tpu.memory_space<hbm>>
        %dma_wait3A_55 = tpu.memref_squeeze %dma_wait3A_54 : memref<1x40x128xi32, #tpu.memory_space<hbm>> -> memref<40x128xi32, #tpu.memory_space<hbm>>
        tpu.wait_dma2 semaphore(%run_scoped3A : memref<!tpu.dma_semaphore, #tpu.memory_space<semaphore_mem>>) src(%dma_wait3A_55 : memref<40x128xi32, #tpu.memory_space<hbm>>) dst(%arg7 : memref<40x128xi32, #tpu.memory_space<vmem>>)
        tpu.yield
      }) : () -> ()
      "tpu.region"() ({
        %run_scoped3A = tpu.sem_alloc : memref<!tpu.dma_semaphore, #tpu.memory_space<semaphore_mem>>
        %dma_start3A_45 = arith.constant 0 : i32
        %dma_start3A_46 = tpu.memref_slice %arg4[%multiple_of3A, %dma_start3A_45] : memref<1280x128xi32, #tpu.memory_space<hbm>> -> memref<40x128xi32, #tpu.memory_space<hbm>>
        %dma_start3A_47 = arith.constant 0 : i32
        %dma_start3A_48 = tpu.memref_slice %arg4[%multiple_of3A, %dma_start3A_47] : memref<1280x128xi32, #tpu.memory_space<hbm>> -> memref<40x128xi32, #tpu.memory_space<hbm>>
        tpu.enqueue_dma source(%dma_start3A_48 : memref<40x128xi32, #tpu.memory_space<hbm>>) target(%arg8 : memref<40x128xi32, #tpu.memory_space<vmem>>) target_semaphore(%run_scoped3A : memref<!tpu.dma_semaphore, #tpu.memory_space<semaphore_mem>>)
        %dma_wait3A = arith.constant 0 : i32
        %dma_wait3A_49 = tpu.memref_slice %arg4[%multiple_of3A, %dma_wait3A] : memref<1280x128xi32, #tpu.memory_space<hbm>> -> memref<40x128xi32, #tpu.memory_space<hbm>>
        %dma_wait3A_50 = arith.constant 0 : i32
        %dma_wait3A_51 = tpu.memref_slice %arg4[%multiple_of3A, %dma_wait3A_50] : memref<1280x128xi32, #tpu.memory_space<hbm>> -> memref<40x128xi32, #tpu.memory_space<hbm>>
        tpu.wait_dma2 semaphore(%run_scoped3A : memref<!tpu.dma_semaphore, #tpu.memory_space<semaphore_mem>>) src(%dma_wait3A_51 : memref<40x128xi32, #tpu.memory_space<hbm>>) dst(%arg8 : memref<40x128xi32, #tpu.memory_space<vmem>>)
        tpu.yield
      }) : () -> ()
      %dma_start3A = arith.constant 0 : i32
      %dma_start3A_16 = arith.constant 0 : i32
      %dma_start3A_17 = arith.constant 0 : i32
      %dma_start3A_18 = arith.constant 0 : i32
      %dma_start3A_19 = tpu.memref_slice %arg9[%dma_start3A_16, %dma_start3A_17, %dma_start3A_18] : memref<2x128x128xf32, #tpu.memory_space<vmem>> -> memref<1x128x128xf32, #tpu.memory_space<vmem>>
      %dma_start3A_20 = tpu.memref_squeeze %dma_start3A_19 : memref<1x128x128xf32, #tpu.memory_space<vmem>> -> memref<128x128xf32, #tpu.memory_space<vmem>>
      %dma_start3A_21 = arith.constant 0 : i32
      %dma_start3A_22 = tpu.memref_slice %arg7[%dma_start3A, %dma_start3A_21] : memref<40x128xi32, #tpu.memory_space<vmem>> -> memref<1x128xi32, #tpu.memory_space<vmem>>
      %dma_start3A_23 = tpu.memref_squeeze %dma_start3A_22 : memref<1x128xi32, #tpu.memory_space<vmem>> -> memref<128xi32, #tpu.memory_space<vmem>>
      %dma_start3A_24 = arith.constant 0 : i32
      %dma_start3A_25 = arith.constant 0 : i32
      %dma_start3A_26 = tpu.memref_slice %arg2[%dma_start3A_24, %dma_start3A_25] : memref<20000x128xf32, #tpu.memory_space<hbm>> -> memref<20000x128xf32, #tpu.memory_space<hbm>>
      tpu.enqueue_indirect_dma source(%dma_start3A_26 : memref<20000x128xf32, #tpu.memory_space<hbm>>) target(%dma_start3A_20 : memref<128x128xf32, #tpu.memory_space<vmem>>) offsets(%dma_start3A_23 : memref<128xi32, #tpu.memory_space<vmem>>) semaphore(%arg11 : memref<!tpu.dma_semaphore, #tpu.memory_space<semaphore_mem>>)
      %dma_start3A_27 = arith.constant 1 : i32
      %dma_start3A_28 = arith.constant 1 : i32
      %dma_start3A_29 = arith.constant 0 : i32
      %dma_start3A_30 = arith.constant 0 : i32
      %dma_start3A_31 = tpu.memref_slice %arg9[%dma_start3A_28, %dma_start3A_29, %dma_start3A_30] : memref<2x128x128xf32, #tpu.memory_space<vmem>> -> memref<1x128x128xf32, #tpu.memory_space<vmem>>
      %dma_start3A_32 = tpu.memref_squeeze %dma_start3A_31 : memref<1x128x128xf32, #tpu.memory_space<vmem>> -> memref<128x128xf32, #tpu.memory_space<vmem>>
      %dma_start3A_33 = arith.constant 0 : i32
      %dma_start3A_34 = tpu.memref_slice %arg7[%dma_start3A_27, %dma_start3A_33] : memref<40x128xi32, #tpu.memory_space<vmem>> -> memref<1x128xi32, #tpu.memory_space<vmem>>
      %dma_start3A_35 = tpu.memref_squeeze %dma_start3A_34 : memref<1x128xi32, #tpu.memory_space<vmem>> -> memref<128xi32, #tpu.memory_space<vmem>>
      %dma_start3A_36 = arith.constant 0 : i32
      %dma_start3A_37 = arith.constant 0 : i32
      %dma_start3A_38 = tpu.memref_slice %arg2[%dma_start3A_36, %dma_start3A_37] : memref<20000x128xf32, #tpu.memory_space<hbm>> -> memref<20000x128xf32, #tpu.memory_space<hbm>>
      tpu.enqueue_indirect_dma source(%dma_start3A_38 : memref<20000x128xf32, #tpu.memory_space<hbm>>) target(%dma_start3A_32 : memref<128x128xf32, #tpu.memory_space<vmem>>) offsets(%dma_start3A_35 : memref<128xi32, #tpu.memory_space<vmem>>) semaphore(%arg12 : memref<!tpu.dma_semaphore, #tpu.memory_space<semaphore_mem>>)
      %scan3A_39 = arith.constant 0 : i32
      %scan3A_40 = arith.constant 0 : i32
      %scan3A_41 = arith.constant 20 : i32
      %scan3A_42 = arith.addi %scan3A_40, %scan3A_41 : i32
      %scan3A_43 = arith.constant 1 : i32
      scf.for %scan3A_45 = %scan3A_40 to %scan3A_42 step %scan3A_43  : i32 {
        %mul3A_46 = arith.constant 2 : i32
        %mul3A_47 = arith.muli %scan3A_45, %mul3A_46 : i32
        %add3A_48 = arith.constant 0 : i32
        %add3A_49 = arith.addi %mul3A_47, %add3A_48 : i32
        %dma_wait3A = arith.constant 0 : i32
        %dma_wait3A_50 = arith.constant 0 : i32
        %dma_wait3A_51 = arith.constant 0 : i32
        %dma_wait3A_52 = tpu.memref_slice %arg9[%dma_wait3A, %dma_wait3A_50, %dma_wait3A_51] : memref<2x128x128xf32, #tpu.memory_space<vmem>> -> memref<1x128x128xf32, #tpu.memory_space<vmem>>
        %dma_wait3A_53 = tpu.memref_squeeze %dma_wait3A_52 : memref<1x128x128xf32, #tpu.memory_space<vmem>> -> memref<128x128xf32, #tpu.memory_space<vmem>>
        %dma_wait3A_54 = arith.constant 0 : i32
        %dma_wait3A_55 = tpu.memref_slice %arg7[%add3A_49, %dma_wait3A_54] : memref<40x128xi32, #tpu.memory_space<vmem>> -> memref<1x128xi32, #tpu.memory_space<vmem>>
        %dma_wait3A_56 = tpu.memref_squeeze %dma_wait3A_55 : memref<1x128xi32, #tpu.memory_space<vmem>> -> memref<128xi32, #tpu.memory_space<vmem>>
        %dma_wait3A_57 = arith.constant 0 : i32
        %dma_wait3A_58 = arith.constant 0 : i32
        %dma_wait3A_59 = tpu.memref_slice %arg2[%dma_wait3A_57, %dma_wait3A_58] : memref<20000x128xf32, #tpu.memory_space<hbm>> -> memref<20000x128xf32, #tpu.memory_space<hbm>>
        tpu.wait_indirect_dma semaphore(%arg11 : memref<!tpu.dma_semaphore, #tpu.memory_space<semaphore_mem>>) src(%dma_wait3A_59 : memref<20000x128xf32, #tpu.memory_space<hbm>>) dst(%dma_wait3A_53 : memref<128x128xf32, #tpu.memory_space<vmem>>)
        %run_scoped3A = arith.constant 0 : i32
        "tpu.region"() ({
          %run_scoped3A_87 = tpu.sem_alloc : memref<!tpu.dma_semaphore, #tpu.memory_space<semaphore_mem>>
          %dma_start3A_88 = arith.constant 0 : i32
          %dma_start3A_89 = arith.constant 0 : i32
          %dma_start3A_90 = tpu.memref_slice %arg9[%run_scoped3A, %dma_start3A_88, %dma_start3A_89] : memref<2x128x128xf32, #tpu.memory_space<vmem>> -> memref<1x128x128xf32, #tpu.memory_space<vmem>>
          %dma_start3A_91 = tpu.memref_squeeze %dma_start3A_90 : memref<1x128x128xf32, #tpu.memory_space<vmem>> -> memref<128x128xf32, #tpu.memory_space<vmem>>
          %dma_start3A_92 = arith.constant 0 : i32
          %dma_start3A_93 = tpu.memref_slice %arg8[%add3A_49, %dma_start3A_92] : memref<40x128xi32, #tpu.memory_space<vmem>> -> memref<1x128xi32, #tpu.memory_space<vmem>>
          %dma_start3A_94 = tpu.memref_squeeze %dma_start3A_93 : memref<1x128xi32, #tpu.memory_space<vmem>> -> memref<128xi32, #tpu.memory_space<vmem>>
          %dma_start3A_95 = arith.constant 0 : i32
          %dma_start3A_96 = arith.constant 0 : i32
          %dma_start3A_97 = tpu.memref_slice %arg10[%dma_start3A_95, %dma_start3A_96] : memref<10112x128xf32, #tpu.memory_space<vmem_shared>> -> memref<10112x128xf32, #tpu.memory_space<vmem_shared>>
          tpu.enqueue_indirect_dma source(%dma_start3A_91 : memref<128x128xf32, #tpu.memory_space<vmem>>) target(%dma_start3A_97 : memref<10112x128xf32, #tpu.memory_space<vmem_shared>>) offsets(%dma_start3A_94 : memref<128xi32, #tpu.memory_space<vmem>>) semaphore(%run_scoped3A_87 : memref<!tpu.dma_semaphore, #tpu.memory_space<semaphore_mem>>) {add = true}
          %dma_wait3A_98 = arith.constant 0 : i32
          %dma_wait3A_99 = arith.constant 0 : i32
          %dma_wait3A_100 = tpu.memref_slice %arg9[%run_scoped3A, %dma_wait3A_98, %dma_wait3A_99] : memref<2x128x128xf32, #tpu.memory_space<vmem>> -> memref<1x128x128xf32, #tpu.memory_space<vmem>>
          %dma_wait3A_101 = tpu.memref_squeeze %dma_wait3A_100 : memref<1x128x128xf32, #tpu.memory_space<vmem>> -> memref<128x128xf32, #tpu.memory_space<vmem>>
          %dma_wait3A_102 = arith.constant 0 : i32
          %dma_wait3A_103 = tpu.memref_slice %arg8[%add3A_49, %dma_wait3A_102] : memref<40x128xi32, #tpu.memory_space<vmem>> -> memref<1x128xi32, #tpu.memory_space<vmem>>
          %dma_wait3A_104 = tpu.memref_squeeze %dma_wait3A_103 : memref<1x128xi32, #tpu.memory_space<vmem>> -> memref<128xi32, #tpu.memory_space<vmem>>
          %dma_wait3A_105 = arith.constant 0 : i32
          %dma_wait3A_106 = arith.constant 0 : i32
          %dma_wait3A_107 = tpu.memref_slice %arg10[%dma_wait3A_105, %dma_wait3A_106] : memref<10112x128xf32, #tpu.memory_space<vmem_shared>> -> memref<10112x128xf32, #tpu.memory_space<vmem_shared>>
          tpu.wait_indirect_dma semaphore(%run_scoped3A_87 : memref<!tpu.dma_semaphore, #tpu.memory_space<semaphore_mem>>) src(%dma_wait3A_101 : memref<128x128xf32, #tpu.memory_space<vmem>>) dst(%dma_wait3A_107 : memref<10112x128xf32, #tpu.memory_space<vmem_shared>>)
          tpu.yield
        }) : () -> ()
        %add3A_60 = arith.constant 2 : i32
        %add3A_61 = arith.addi %add3A_49, %add3A_60 : i32
        %lt3A = arith.constant 40 : i32
        %lt3A_62 = arith.cmpi slt, %add3A_61, %lt3A : i32
        %convert_element_type3A = arith.extui %lt3A_62 : i1 to i32
        %cond3A = arith.constant 0 : i32
        %cond3A_63 = arith.cmpi ne, %convert_element_type3A, %cond3A : i32
        scf.if %cond3A_63 {
          %add3A_87 = arith.constant 2 : i32
          %add3A_88 = arith.addi %add3A_49, %add3A_87 : i32
          %dma_start3A_89 = arith.constant 0 : i32
          %dma_start3A_90 = arith.constant 0 : i32
          %dma_start3A_91 = arith.constant 0 : i32
          %dma_start3A_92 = tpu.memref_slice %arg9[%dma_start3A_89, %dma_start3A_90, %dma_start3A_91] : memref<2x128x128xf32, #tpu.memory_space<vmem>> -> memref<1x128x128xf32, #tpu.memory_space<vmem>>
          %dma_start3A_93 = tpu.memref_squeeze %dma_start3A_92 : memref<1x128x128xf32, #tpu.memory_space<vmem>> -> memref<128x128xf32, #tpu.memory_space<vmem>>
          %dma_start3A_94 = arith.constant 0 : i32
          %dma_start3A_95 = tpu.memref_slice %arg7[%add3A_88, %dma_start3A_94] : memref<40x128xi32, #tpu.memory_space<vmem>> -> memref<1x128xi32, #tpu.memory_space<vmem>>
          %dma_start3A_96 = tpu.memref_squeeze %dma_start3A_95 : memref<1x128xi32, #tpu.memory_space<vmem>> -> memref<128xi32, #tpu.memory_space<vmem>>
          %dma_start3A_97 = arith.constant 0 : i32
          %dma_start3A_98 = arith.constant 0 : i32
          %dma_start3A_99 = tpu.memref_slice %arg2[%dma_start3A_97, %dma_start3A_98] : memref<20000x128xf32, #tpu.memory_space<hbm>> -> memref<20000x128xf32, #tpu.memory_space<hbm>>
          tpu.enqueue_indirect_dma source(%dma_start3A_99 : memref<20000x128xf32, #tpu.memory_space<hbm>>) target(%dma_start3A_93 : memref<128x128xf32, #tpu.memory_space<vmem>>) offsets(%dma_start3A_96 : memref<128xi32, #tpu.memory_space<vmem>>) semaphore(%arg11 : memref<!tpu.dma_semaphore, #tpu.memory_space<semaphore_mem>>)
        } else {
        }
        %mul3A_64 = arith.constant 2 : i32
        %mul3A_65 = arith.muli %scan3A_45, %mul3A_64 : i32
        %add3A_66 = arith.constant 1 : i32
        %add3A_67 = arith.addi %mul3A_65, %add3A_66 : i32
        %dma_wait3A_68 = arith.constant 1 : i32
        %dma_wait3A_69 = arith.constant 0 : i32
        %dma_wait3A_70 = arith.constant 0 : i32
        %dma_wait3A_71 = tpu.memref_slice %arg9[%dma_wait3A_68, %dma_wait3A_69, %dma_wait3A_70] : memref<2x128x128xf32, #tpu.memory_space<vmem>> -> memref<1x128x128xf32, #tpu.memory_space<vmem>>
        %dma_wait3A_72 = tpu.memref_squeeze %dma_wait3A_71 : memref<1x128x128xf32, #tpu.memory_space<vmem>> -> memref<128x128xf32, #tpu.memory_space<vmem>>
        %dma_wait3A_73 = arith.constant 0 : i32
        %dma_wait3A_74 = tpu.memref_slice %arg7[%add3A_67, %dma_wait3A_73] : memref<40x128xi32, #tpu.memory_space<vmem>> -> memref<1x128xi32, #tpu.memory_space<vmem>>
        %dma_wait3A_75 = tpu.memref_squeeze %dma_wait3A_74 : memref<1x128xi32, #tpu.memory_space<vmem>> -> memref<128xi32, #tpu.memory_space<vmem>>
        %dma_wait3A_76 = arith.constant 0 : i32
        %dma_wait3A_77 = arith.constant 0 : i32
        %dma_wait3A_78 = tpu.memref_slice %arg2[%dma_wait3A_76, %dma_wait3A_77] : memref<20000x128xf32, #tpu.memory_space<hbm>> -> memref<20000x128xf32, #tpu.memory_space<hbm>>
        tpu.wait_indirect_dma semaphore(%arg12 : memref<!tpu.dma_semaphore, #tpu.memory_space<semaphore_mem>>) src(%dma_wait3A_78 : memref<20000x128xf32, #tpu.memory_space<hbm>>) dst(%dma_wait3A_72 : memref<128x128xf32, #tpu.memory_space<vmem>>)
        %run_scoped3A_79 = arith.constant 1 : i32
        "tpu.region"() ({
          %run_scoped3A_87 = tpu.sem_alloc : memref<!tpu.dma_semaphore, #tpu.memory_space<semaphore_mem>>
          %dma_start3A_88 = arith.constant 0 : i32
          %dma_start3A_89 = arith.constant 0 : i32
          %dma_start3A_90 = tpu.memref_slice %arg9[%run_scoped3A_79, %dma_start3A_88, %dma_start3A_89] : memref<2x128x128xf32, #tpu.memory_space<vmem>> -> memref<1x128x128xf32, #tpu.memory_space<vmem>>
          %dma_start3A_91 = tpu.memref_squeeze %dma_start3A_90 : memref<1x128x128xf32, #tpu.memory_space<vmem>> -> memref<128x128xf32, #tpu.memory_space<vmem>>
          %dma_start3A_92 = arith.constant 0 : i32
          %dma_start3A_93 = tpu.memref_slice %arg8[%add3A_67, %dma_start3A_92] : memref<40x128xi32, #tpu.memory_space<vmem>> -> memref<1x128xi32, #tpu.memory_space<vmem>>
          %dma_start3A_94 = tpu.memref_squeeze %dma_start3A_93 : memref<1x128xi32, #tpu.memory_space<vmem>> -> memref<128xi32, #tpu.memory_space<vmem>>
          %dma_start3A_95 = arith.constant 0 : i32
          %dma_start3A_96 = arith.constant 0 : i32
          %dma_start3A_97 = tpu.memref_slice %arg10[%dma_start3A_95, %dma_start3A_96] : memref<10112x128xf32, #tpu.memory_space<vmem_shared>> -> memref<10112x128xf32, #tpu.memory_space<vmem_shared>>
          tpu.enqueue_indirect_dma source(%dma_start3A_91 : memref<128x128xf32, #tpu.memory_space<vmem>>) target(%dma_start3A_97 : memref<10112x128xf32, #tpu.memory_space<vmem_shared>>) offsets(%dma_start3A_94 : memref<128xi32, #tpu.memory_space<vmem>>) semaphore(%run_scoped3A_87 : memref<!tpu.dma_semaphore, #tpu.memory_space<semaphore_mem>>) {add = true}
          %dma_wait3A_98 = arith.constant 0 : i32
          %dma_wait3A_99 = arith.constant 0 : i32
          %dma_wait3A_100 = tpu.memref_slice %arg9[%run_scoped3A_79, %dma_wait3A_98, %dma_wait3A_99] : memref<2x128x128xf32, #tpu.memory_space<vmem>> -> memref<1x128x128xf32, #tpu.memory_space<vmem>>
          %dma_wait3A_101 = tpu.memref_squeeze %dma_wait3A_100 : memref<1x128x128xf32, #tpu.memory_space<vmem>> -> memref<128x128xf32, #tpu.memory_space<vmem>>
          %dma_wait3A_102 = arith.constant 0 : i32
          %dma_wait3A_103 = tpu.memref_slice %arg8[%add3A_67, %dma_wait3A_102] : memref<40x128xi32, #tpu.memory_space<vmem>> -> memref<1x128xi32, #tpu.memory_space<vmem>>
          %dma_wait3A_104 = tpu.memref_squeeze %dma_wait3A_103 : memref<1x128xi32, #tpu.memory_space<vmem>> -> memref<128xi32, #tpu.memory_space<vmem>>
          %dma_wait3A_105 = arith.constant 0 : i32
          %dma_wait3A_106 = arith.constant 0 : i32
          %dma_wait3A_107 = tpu.memref_slice %arg10[%dma_wait3A_105, %dma_wait3A_106] : memref<10112x128xf32, #tpu.memory_space<vmem_shared>> -> memref<10112x128xf32, #tpu.memory_space<vmem_shared>>
          tpu.wait_indirect_dma semaphore(%run_scoped3A_87 : memref<!tpu.dma_semaphore, #tpu.memory_space<semaphore_mem>>) src(%dma_wait3A_101 : memref<128x128xf32, #tpu.memory_space<vmem>>) dst(%dma_wait3A_107 : memref<10112x128xf32, #tpu.memory_space<vmem_shared>>)
          tpu.yield
        }) : () -> ()
        %add3A_80 = arith.constant 2 : i32
        %add3A_81 = arith.addi %add3A_67, %add3A_80 : i32
        %lt3A_82 = arith.constant 40 : i32
        %lt3A_83 = arith.cmpi slt, %add3A_81, %lt3A_82 : i32
        %convert_element_type3A_84 = arith.extui %lt3A_83 : i1 to i32
        %cond3A_85 = arith.constant 0 : i32
        %cond3A_86 = arith.cmpi ne, %convert_element_type3A_84, %cond3A_85 : i32
        scf.if %cond3A_86 {
          %add3A_87 = arith.constant 2 : i32
          %add3A_88 = arith.addi %add3A_67, %add3A_87 : i32
          %dma_start3A_89 = arith.constant 1 : i32
          %dma_start3A_90 = arith.constant 0 : i32
          %dma_start3A_91 = arith.constant 0 : i32
          %dma_start3A_92 = tpu.memref_slice %arg9[%dma_start3A_89, %dma_start3A_90, %dma_start3A_91] : memref<2x128x128xf32, #tpu.memory_space<vmem>> -> memref<1x128x128xf32, #tpu.memory_space<vmem>>
          %dma_start3A_93 = tpu.memref_squeeze %dma_start3A_92 : memref<1x128x128xf32, #tpu.memory_space<vmem>> -> memref<128x128xf32, #tpu.memory_space<vmem>>
          %dma_start3A_94 = arith.constant 0 : i32
          %dma_start3A_95 = tpu.memref_slice %arg7[%add3A_88, %dma_start3A_94] : memref<40x128xi32, #tpu.memory_space<vmem>> -> memref<1x128xi32, #tpu.memory_space<vmem>>
          %dma_start3A_96 = tpu.memref_squeeze %dma_start3A_95 : memref<1x128xi32, #tpu.memory_space<vmem>> -> memref<128xi32, #tpu.memory_space<vmem>>
          %dma_start3A_97 = arith.constant 0 : i32
          %dma_start3A_98 = arith.constant 0 : i32
          %dma_start3A_99 = tpu.memref_slice %arg2[%dma_start3A_97, %dma_start3A_98] : memref<20000x128xf32, #tpu.memory_space<hbm>> -> memref<20000x128xf32, #tpu.memory_space<hbm>>
          tpu.enqueue_indirect_dma source(%dma_start3A_99 : memref<20000x128xf32, #tpu.memory_space<hbm>>) target(%dma_start3A_93 : memref<128x128xf32, #tpu.memory_space<vmem>>) offsets(%dma_start3A_96 : memref<128xi32, #tpu.memory_space<vmem>>) semaphore(%arg12 : memref<!tpu.dma_semaphore, #tpu.memory_space<semaphore_mem>>)
        } else {
        }
      }
      %scan3A_44 = arith.constant 20 : i32
    }
    %scan3A_5 = arith.constant 2 : i32
    %barrier3A_6 = arith.constant 0 : index
    tpu.barrier barrier_id(%barrier3A_6)
    %mul3A_7 = arith.constant 632 : i32
    %mul3A_8 = arith.muli %arg1, %mul3A_7 : i32
    %mul3A_9 = arith.constant 632 : i32
    %mul3A_10 = arith.muli %arg1, %mul3A_9 : i32
    "tpu.region"() ({
      %run_scoped3A = tpu.sem_alloc : memref<!tpu.dma_semaphore, #tpu.memory_space<semaphore_mem>>
      %dma_start3A = arith.constant 0 : i32
      %dma_start3A_11 = tpu.memref_slice %arg6[%arg0, %mul3A_10, %dma_start3A] : memref<2x10112x128xf32, #tpu.memory_space<hbm>> -> memref<1x632x128xf32, #tpu.memory_space<hbm>>
      %dma_start3A_12 = tpu.memref_squeeze %dma_start3A_11 : memref<1x632x128xf32, #tpu.memory_space<hbm>> -> memref<632x128xf32, #tpu.memory_space<hbm>>
      %dma_start3A_13 = arith.constant 0 : i32
      %dma_start3A_14 = tpu.memref_slice %arg10[%mul3A_8, %dma_start3A_13] : memref<10112x128xf32, #tpu.memory_space<vmem_shared>> -> memref<632x128xf32, #tpu.memory_space<vmem_shared>>
      tpu.enqueue_dma source(%dma_start3A_14 : memref<632x128xf32, #tpu.memory_space<vmem_shared>>) target(%dma_start3A_12 : memref<632x128xf32, #tpu.memory_space<hbm>>) target_semaphore(%run_scoped3A : memref<!tpu.dma_semaphore, #tpu.memory_space<semaphore_mem>>)
      %dma_wait3A = arith.constant 0 : i32
      %dma_wait3A_15 = tpu.memref_slice %arg6[%arg0, %mul3A_10, %dma_wait3A] : memref<2x10112x128xf32, #tpu.memory_space<hbm>> -> memref<1x632x128xf32, #tpu.memory_space<hbm>>
      %dma_wait3A_16 = tpu.memref_squeeze %dma_wait3A_15 : memref<1x632x128xf32, #tpu.memory_space<hbm>> -> memref<632x128xf32, #tpu.memory_space<hbm>>
      %dma_wait3A_17 = arith.constant 0 : i32
      %dma_wait3A_18 = tpu.memref_slice %arg10[%mul3A_8, %dma_wait3A_17] : memref<10112x128xf32, #tpu.memory_space<vmem_shared>> -> memref<632x128xf32, #tpu.memory_space<vmem_shared>>
      tpu.wait_dma2 semaphore(%run_scoped3A : memref<!tpu.dma_semaphore, #tpu.memory_space<semaphore_mem>>) src(%dma_wait3A_18 : memref<632x128xf32, #tpu.memory_space<vmem_shared>>) dst(%dma_wait3A_16 : memref<632x128xf32, #tpu.memory_space<hbm>>)
      tpu.yield
    }) : () -> ()
    return
  }
}

#map = affine_map<(d0, d1) -> (0, 0)>
#map1 = affine_map<(d0, d1) -> (0, 0, 0)>
module attributes {stable_mosaic.version = 14 : i64} {
  func.func @_agg_body(%arg0: i32, %arg1: i32, %arg2: memref<20000x128xf32, #tpu.memory_space<hbm>>, %arg3: memref<2x1280x128xi32, #tpu.memory_space<hbm>>, %arg4: memref<1280x128xi32, #tpu.memory_space<hbm>>, %arg5: memref<632x128xf32, #tpu.memory_space<hbm>>, %arg6: memref<2x10112x128xf32, #tpu.memory_space<hbm>>, %arg7: memref<40x128xi32, #tpu.memory_space<vmem>>, %arg8: memref<40x128xi32, #tpu.memory_space<vmem>>, %arg9: memref<2x128x128xf32, #tpu.memory_space<vmem>>, %arg10: memref<10112x128xf32, #tpu.memory_space<vmem_shared>>, %arg11: memref<!tpu.dma_semaphore, #tpu.memory_space<semaphore_mem>>, %arg12: memref<!tpu.dma_semaphore, #tpu.memory_space<semaphore_mem>>) attributes {dimension_semantics = [#tpu.dimension_semantics<core_parallel>, #tpu.dimension_semantics<subcore_parallel>], iteration_bounds = array<i64: 2, 16>, scalar_prefetch = 0 : i64, scratch_operands = 6 : i64, tpu.core_type = #tpu.core_type<sc_vector_subcore>, window_params = [{transform_indices = #map}, {transform_indices = #map1}, {transform_indices = #map}, {transform_indices = #map}, {transform_indices = #map1}]} {
    %mul3A = arith.constant 632 : i32
    %mul3A_0 = arith.muli %arg1, %mul3A : i32
    "tpu.region"() ({
      %run_scoped3A = tpu.sem_alloc : memref<!tpu.dma_semaphore, #tpu.memory_space<semaphore_mem>>
      %dma_start3A = arith.constant 0 : i32
      %dma_start3A_11 = tpu.memref_slice %arg10[%mul3A_0, %dma_start3A] : memref<10112x128xf32, #tpu.memory_space<vmem_shared>> -> memref<632x128xf32, #tpu.memory_space<vmem_shared>>
      tpu.enqueue_dma source(%arg5 : memref<632x128xf32, #tpu.memory_space<hbm>>) target(%dma_start3A_11 : memref<632x128xf32, #tpu.memory_space<vmem_shared>>) target_semaphore(%run_scoped3A : memref<!tpu.dma_semaphore, #tpu.memory_space<semaphore_mem>>)
      %dma_wait3A = arith.constant 0 : i32
      %dma_wait3A_12 = tpu.memref_slice %arg10[%mul3A_0, %dma_wait3A] : memref<10112x128xf32, #tpu.memory_space<vmem_shared>> -> memref<632x128xf32, #tpu.memory_space<vmem_shared>>
      tpu.wait_dma2 semaphore(%run_scoped3A : memref<!tpu.dma_semaphore, #tpu.memory_space<semaphore_mem>>) src(%arg5 : memref<632x128xf32, #tpu.memory_space<hbm>>) dst(%dma_wait3A_12 : memref<632x128xf32, #tpu.memory_space<vmem_shared>>)
      tpu.yield
    }) : () -> ()
    %barrier3A = arith.constant 0 : index
    tpu.barrier barrier_id(%barrier3A)
    %scan3A = arith.constant 0 : i32
    %scan3A_1 = arith.constant 0 : i32
    %scan3A_2 = arith.constant 2 : i32
    %scan3A_3 = arith.addi %scan3A_1, %scan3A_2 : i32
    %scan3A_4 = arith.constant 1 : i32
    scf.for %scan3A_11 = %scan3A_1 to %scan3A_3 step %scan3A_4  : i32 {
      %mul3A_12 = arith.constant 80 : i32
      %mul3A_13 = arith.muli %arg1, %mul3A_12 : i32
      %mul3A_14 = arith.constant 40 : i32
      %mul3A_15 = arith.muli %scan3A_11, %mul3A_14 : i32
      %add3A = arith.addi %mul3A_13, %mul3A_15 : i32
      %multiple_of3A = tpu.assume_multiple %add3A, 8 : i32
      "tpu.region"() ({
        %run_scoped3A = tpu.sem_alloc : memref<!tpu.dma_semaphore, #tpu.memory_space<semaphore_mem>>
        %dma_start3A_45 = arith.constant 0 : i32
        %dma_start3A_46 = tpu.memref_slice %arg3[%arg0, %multiple_of3A, %dma_start3A_45] : memref<2x1280x128xi32, #tpu.memory_space<hbm>> -> memref<1x40x128xi32, #tpu.memory_space<hbm>>
        %dma_start3A_47 = tpu.memref_squeeze %dma_start3A_46 : memref<1x40x128xi32, #tpu.memory_space<hbm>> -> memref<40x128xi32, #tpu.memory_space<hbm>>
        %dma_start3A_48 = arith.constant 0 : i32
        %dma_start3A_49 = tpu.memref_slice %arg3[%arg0, %multiple_of3A, %dma_start3A_48] : memref<2x1280x128xi32, #tpu.memory_space<hbm>> -> memref<1x40x128xi32, #tpu.memory_space<hbm>>
        %dma_start3A_50 = tpu.memref_squeeze %dma_start3A_49 : memref<1x40x128xi32, #tpu.memory_space<hbm>> -> memref<40x128xi32, #tpu.memory_space<hbm>>
        tpu.enqueue_dma source(%dma_start3A_50 : memref<40x128xi32, #tpu.memory_space<hbm>>) target(%arg7 : memref<40x128xi32, #tpu.memory_space<vmem>>) target_semaphore(%run_scoped3A : memref<!tpu.dma_semaphore, #tpu.memory_space<semaphore_mem>>)
        %dma_wait3A = arith.constant 0 : i32
        %dma_wait3A_51 = tpu.memref_slice %arg3[%arg0, %multiple_of3A, %dma_wait3A] : memref<2x1280x128xi32, #tpu.memory_space<hbm>> -> memref<1x40x128xi32, #tpu.memory_space<hbm>>
        %dma_wait3A_52 = tpu.memref_squeeze %dma_wait3A_51 : memref<1x40x128xi32, #tpu.memory_space<hbm>> -> memref<40x128xi32, #tpu.memory_space<hbm>>
        %dma_wait3A_53 = arith.constant 0 : i32
        %dma_wait3A_54 = tpu.memref_slice %arg3[%arg0, %multiple_of3A, %dma_wait3A_53] : memref<2x1280x128xi32, #tpu.memory_space<hbm>> -> memref<1x40x128xi32, #tpu.memory_space<hbm>>
        %dma_wait3A_55 = tpu.memref_squeeze %dma_wait3A_54 : memref<1x40x128xi32, #tpu.memory_space<hbm>> -> memref<40x128xi32, #tpu.memory_space<hbm>>
        tpu.wait_dma2 semaphore(%run_scoped3A : memref<!tpu.dma_semaphore, #tpu.memory_space<semaphore_mem>>) src(%dma_wait3A_55 : memref<40x128xi32, #tpu.memory_space<hbm>>) dst(%arg7 : memref<40x128xi32, #tpu.memory_space<vmem>>)
        tpu.yield
      }) : () -> ()
      "tpu.region"() ({
        %run_scoped3A = tpu.sem_alloc : memref<!tpu.dma_semaphore, #tpu.memory_space<semaphore_mem>>
        %dma_start3A_45 = arith.constant 0 : i32
        %dma_start3A_46 = tpu.memref_slice %arg4[%multiple_of3A, %dma_start3A_45] : memref<1280x128xi32, #tpu.memory_space<hbm>> -> memref<40x128xi32, #tpu.memory_space<hbm>>
        %dma_start3A_47 = arith.constant 0 : i32
        %dma_start3A_48 = tpu.memref_slice %arg4[%multiple_of3A, %dma_start3A_47] : memref<1280x128xi32, #tpu.memory_space<hbm>> -> memref<40x128xi32, #tpu.memory_space<hbm>>
        tpu.enqueue_dma source(%dma_start3A_48 : memref<40x128xi32, #tpu.memory_space<hbm>>) target(%arg8 : memref<40x128xi32, #tpu.memory_space<vmem>>) target_semaphore(%run_scoped3A : memref<!tpu.dma_semaphore, #tpu.memory_space<semaphore_mem>>)
        %dma_wait3A = arith.constant 0 : i32
        %dma_wait3A_49 = tpu.memref_slice %arg4[%multiple_of3A, %dma_wait3A] : memref<1280x128xi32, #tpu.memory_space<hbm>> -> memref<40x128xi32, #tpu.memory_space<hbm>>
        %dma_wait3A_50 = arith.constant 0 : i32
        %dma_wait3A_51 = tpu.memref_slice %arg4[%multiple_of3A, %dma_wait3A_50] : memref<1280x128xi32, #tpu.memory_space<hbm>> -> memref<40x128xi32, #tpu.memory_space<hbm>>
        tpu.wait_dma2 semaphore(%run_scoped3A : memref<!tpu.dma_semaphore, #tpu.memory_space<semaphore_mem>>) src(%dma_wait3A_51 : memref<40x128xi32, #tpu.memory_space<hbm>>) dst(%arg8 : memref<40x128xi32, #tpu.memory_space<vmem>>)
        tpu.yield
      }) : () -> ()
      %dma_start3A = arith.constant 0 : i32
      %dma_start3A_16 = arith.constant 0 : i32
      %dma_start3A_17 = arith.constant 0 : i32
      %dma_start3A_18 = arith.constant 0 : i32
      %dma_start3A_19 = tpu.memref_slice %arg9[%dma_start3A_16, %dma_start3A_17, %dma_start3A_18] : memref<2x128x128xf32, #tpu.memory_space<vmem>> -> memref<1x128x128xf32, #tpu.memory_space<vmem>>
      %dma_start3A_20 = tpu.memref_squeeze %dma_start3A_19 : memref<1x128x128xf32, #tpu.memory_space<vmem>> -> memref<128x128xf32, #tpu.memory_space<vmem>>
      %dma_start3A_21 = arith.constant 0 : i32
      %dma_start3A_22 = tpu.memref_slice %arg7[%dma_start3A, %dma_start3A_21] : memref<40x128xi32, #tpu.memory_space<vmem>> -> memref<1x128xi32, #tpu.memory_space<vmem>>
      %dma_start3A_23 = tpu.memref_squeeze %dma_start3A_22 : memref<1x128xi32, #tpu.memory_space<vmem>> -> memref<128xi32, #tpu.memory_space<vmem>>
      %dma_start3A_24 = arith.constant 0 : i32
      %dma_start3A_25 = arith.constant 0 : i32
      %dma_start3A_26 = tpu.memref_slice %arg2[%dma_start3A_24, %dma_start3A_25] : memref<20000x128xf32, #tpu.memory_space<hbm>> -> memref<20000x128xf32, #tpu.memory_space<hbm>>
      tpu.enqueue_indirect_dma source(%dma_start3A_26 : memref<20000x128xf32, #tpu.memory_space<hbm>>) target(%dma_start3A_20 : memref<128x128xf32, #tpu.memory_space<vmem>>) offsets(%dma_start3A_23 : memref<128xi32, #tpu.memory_space<vmem>>) semaphore(%arg11 : memref<!tpu.dma_semaphore, #tpu.memory_space<semaphore_mem>>)
      %dma_start3A_27 = arith.constant 1 : i32
      %dma_start3A_28 = arith.constant 1 : i32
      %dma_start3A_29 = arith.constant 0 : i32
      %dma_start3A_30 = arith.constant 0 : i32
      %dma_start3A_31 = tpu.memref_slice %arg9[%dma_start3A_28, %dma_start3A_29, %dma_start3A_30] : memref<2x128x128xf32, #tpu.memory_space<vmem>> -> memref<1x128x128xf32, #tpu.memory_space<vmem>>
      %dma_start3A_32 = tpu.memref_squeeze %dma_start3A_31 : memref<1x128x128xf32, #tpu.memory_space<vmem>> -> memref<128x128xf32, #tpu.memory_space<vmem>>
      %dma_start3A_33 = arith.constant 0 : i32
      %dma_start3A_34 = tpu.memref_slice %arg7[%dma_start3A_27, %dma_start3A_33] : memref<40x128xi32, #tpu.memory_space<vmem>> -> memref<1x128xi32, #tpu.memory_space<vmem>>
      %dma_start3A_35 = tpu.memref_squeeze %dma_start3A_34 : memref<1x128xi32, #tpu.memory_space<vmem>> -> memref<128xi32, #tpu.memory_space<vmem>>
      %dma_start3A_36 = arith.constant 0 : i32
      %dma_start3A_37 = arith.constant 0 : i32
      %dma_start3A_38 = tpu.memref_slice %arg2[%dma_start3A_36, %dma_start3A_37] : memref<20000x128xf32, #tpu.memory_space<hbm>> -> memref<20000x128xf32, #tpu.memory_space<hbm>>
      tpu.enqueue_indirect_dma source(%dma_start3A_38 : memref<20000x128xf32, #tpu.memory_space<hbm>>) target(%dma_start3A_32 : memref<128x128xf32, #tpu.memory_space<vmem>>) offsets(%dma_start3A_35 : memref<128xi32, #tpu.memory_space<vmem>>) semaphore(%arg12 : memref<!tpu.dma_semaphore, #tpu.memory_space<semaphore_mem>>)
      %scan3A_39 = arith.constant 0 : i32
      %scan3A_40 = arith.constant 0 : i32
      %scan3A_41 = arith.constant 20 : i32
      %scan3A_42 = arith.addi %scan3A_40, %scan3A_41 : i32
      %scan3A_43 = arith.constant 1 : i32
      scf.for %scan3A_45 = %scan3A_40 to %scan3A_42 step %scan3A_43  : i32 {
        %mul3A_46 = arith.constant 2 : i32
        %mul3A_47 = arith.muli %scan3A_45, %mul3A_46 : i32
        %add3A_48 = arith.constant 0 : i32
        %add3A_49 = arith.addi %mul3A_47, %add3A_48 : i32
        %dma_wait3A = arith.constant 0 : i32
        %dma_wait3A_50 = arith.constant 0 : i32
        %dma_wait3A_51 = arith.constant 0 : i32
        %dma_wait3A_52 = tpu.memref_slice %arg9[%dma_wait3A, %dma_wait3A_50, %dma_wait3A_51] : memref<2x128x128xf32, #tpu.memory_space<vmem>> -> memref<1x128x128xf32, #tpu.memory_space<vmem>>
        %dma_wait3A_53 = tpu.memref_squeeze %dma_wait3A_52 : memref<1x128x128xf32, #tpu.memory_space<vmem>> -> memref<128x128xf32, #tpu.memory_space<vmem>>
        %dma_wait3A_54 = arith.constant 0 : i32
        %dma_wait3A_55 = tpu.memref_slice %arg7[%add3A_49, %dma_wait3A_54] : memref<40x128xi32, #tpu.memory_space<vmem>> -> memref<1x128xi32, #tpu.memory_space<vmem>>
        %dma_wait3A_56 = tpu.memref_squeeze %dma_wait3A_55 : memref<1x128xi32, #tpu.memory_space<vmem>> -> memref<128xi32, #tpu.memory_space<vmem>>
        %dma_wait3A_57 = arith.constant 0 : i32
        %dma_wait3A_58 = arith.constant 0 : i32
        %dma_wait3A_59 = tpu.memref_slice %arg2[%dma_wait3A_57, %dma_wait3A_58] : memref<20000x128xf32, #tpu.memory_space<hbm>> -> memref<20000x128xf32, #tpu.memory_space<hbm>>
        tpu.wait_indirect_dma semaphore(%arg11 : memref<!tpu.dma_semaphore, #tpu.memory_space<semaphore_mem>>) src(%dma_wait3A_59 : memref<20000x128xf32, #tpu.memory_space<hbm>>) dst(%dma_wait3A_53 : memref<128x128xf32, #tpu.memory_space<vmem>>)
        %run_scoped3A = arith.constant 0 : i32
        "tpu.region"() ({
          %run_scoped3A_87 = tpu.sem_alloc : memref<!tpu.dma_semaphore, #tpu.memory_space<semaphore_mem>>
          %dma_start3A_88 = arith.constant 0 : i32
          %dma_start3A_89 = arith.constant 0 : i32
          %dma_start3A_90 = tpu.memref_slice %arg9[%run_scoped3A, %dma_start3A_88, %dma_start3A_89] : memref<2x128x128xf32, #tpu.memory_space<vmem>> -> memref<1x128x128xf32, #tpu.memory_space<vmem>>
          %dma_start3A_91 = tpu.memref_squeeze %dma_start3A_90 : memref<1x128x128xf32, #tpu.memory_space<vmem>> -> memref<128x128xf32, #tpu.memory_space<vmem>>
          %dma_start3A_92 = arith.constant 0 : i32
          %dma_start3A_93 = tpu.memref_slice %arg8[%add3A_49, %dma_start3A_92] : memref<40x128xi32, #tpu.memory_space<vmem>> -> memref<1x128xi32, #tpu.memory_space<vmem>>
          %dma_start3A_94 = tpu.memref_squeeze %dma_start3A_93 : memref<1x128xi32, #tpu.memory_space<vmem>> -> memref<128xi32, #tpu.memory_space<vmem>>
          %dma_start3A_95 = arith.constant 0 : i32
          %dma_start3A_96 = arith.constant 0 : i32
          %dma_start3A_97 = tpu.memref_slice %arg10[%dma_start3A_95, %dma_start3A_96] : memref<10112x128xf32, #tpu.memory_space<vmem_shared>> -> memref<10112x128xf32, #tpu.memory_space<vmem_shared>>
          tpu.enqueue_indirect_dma source(%dma_start3A_91 : memref<128x128xf32, #tpu.memory_space<vmem>>) target(%dma_start3A_97 : memref<10112x128xf32, #tpu.memory_space<vmem_shared>>) offsets(%dma_start3A_94 : memref<128xi32, #tpu.memory_space<vmem>>) semaphore(%run_scoped3A_87 : memref<!tpu.dma_semaphore, #tpu.memory_space<semaphore_mem>>) {add = true}
          %dma_wait3A_98 = arith.constant 0 : i32
          %dma_wait3A_99 = arith.constant 0 : i32
          %dma_wait3A_100 = tpu.memref_slice %arg9[%run_scoped3A, %dma_wait3A_98, %dma_wait3A_99] : memref<2x128x128xf32, #tpu.memory_space<vmem>> -> memref<1x128x128xf32, #tpu.memory_space<vmem>>
          %dma_wait3A_101 = tpu.memref_squeeze %dma_wait3A_100 : memref<1x128x128xf32, #tpu.memory_space<vmem>> -> memref<128x128xf32, #tpu.memory_space<vmem>>
          %dma_wait3A_102 = arith.constant 0 : i32
          %dma_wait3A_103 = tpu.memref_slice %arg8[%add3A_49, %dma_wait3A_102] : memref<40x128xi32, #tpu.memory_space<vmem>> -> memref<1x128xi32, #tpu.memory_space<vmem>>
          %dma_wait3A_104 = tpu.memref_squeeze %dma_wait3A_103 : memref<1x128xi32, #tpu.memory_space<vmem>> -> memref<128xi32, #tpu.memory_space<vmem>>
          %dma_wait3A_105 = arith.constant 0 : i32
          %dma_wait3A_106 = arith.constant 0 : i32
          %dma_wait3A_107 = tpu.memref_slice %arg10[%dma_wait3A_105, %dma_wait3A_106] : memref<10112x128xf32, #tpu.memory_space<vmem_shared>> -> memref<10112x128xf32, #tpu.memory_space<vmem_shared>>
          tpu.wait_indirect_dma semaphore(%run_scoped3A_87 : memref<!tpu.dma_semaphore, #tpu.memory_space<semaphore_mem>>) src(%dma_wait3A_101 : memref<128x128xf32, #tpu.memory_space<vmem>>) dst(%dma_wait3A_107 : memref<10112x128xf32, #tpu.memory_space<vmem_shared>>)
          tpu.yield
        }) : () -> ()
        %add3A_60 = arith.constant 2 : i32
        %add3A_61 = arith.addi %add3A_49, %add3A_60 : i32
        %lt3A = arith.constant 40 : i32
        %lt3A_62 = arith.cmpi slt, %add3A_61, %lt3A : i32
        %convert_element_type3A = arith.extui %lt3A_62 : i1 to i32
        %cond3A = arith.constant 0 : i32
        %cond3A_63 = arith.cmpi ne, %convert_element_type3A, %cond3A : i32
        scf.if %cond3A_63 {
          %add3A_87 = arith.constant 2 : i32
          %add3A_88 = arith.addi %add3A_49, %add3A_87 : i32
          %dma_start3A_89 = arith.constant 0 : i32
          %dma_start3A_90 = arith.constant 0 : i32
          %dma_start3A_91 = arith.constant 0 : i32
          %dma_start3A_92 = tpu.memref_slice %arg9[%dma_start3A_89, %dma_start3A_90, %dma_start3A_91] : memref<2x128x128xf32, #tpu.memory_space<vmem>> -> memref<1x128x128xf32, #tpu.memory_space<vmem>>
          %dma_start3A_93 = tpu.memref_squeeze %dma_start3A_92 : memref<1x128x128xf32, #tpu.memory_space<vmem>> -> memref<128x128xf32, #tpu.memory_space<vmem>>
          %dma_start3A_94 = arith.constant 0 : i32
          %dma_start3A_95 = tpu.memref_slice %arg7[%add3A_88, %dma_start3A_94] : memref<40x128xi32, #tpu.memory_space<vmem>> -> memref<1x128xi32, #tpu.memory_space<vmem>>
          %dma_start3A_96 = tpu.memref_squeeze %dma_start3A_95 : memref<1x128xi32, #tpu.memory_space<vmem>> -> memref<128xi32, #tpu.memory_space<vmem>>
          %dma_start3A_97 = arith.constant 0 : i32
          %dma_start3A_98 = arith.constant 0 : i32
          %dma_start3A_99 = tpu.memref_slice %arg2[%dma_start3A_97, %dma_start3A_98] : memref<20000x128xf32, #tpu.memory_space<hbm>> -> memref<20000x128xf32, #tpu.memory_space<hbm>>
          tpu.enqueue_indirect_dma source(%dma_start3A_99 : memref<20000x128xf32, #tpu.memory_space<hbm>>) target(%dma_start3A_93 : memref<128x128xf32, #tpu.memory_space<vmem>>) offsets(%dma_start3A_96 : memref<128xi32, #tpu.memory_space<vmem>>) semaphore(%arg11 : memref<!tpu.dma_semaphore, #tpu.memory_space<semaphore_mem>>)
        } else {
        }
        %mul3A_64 = arith.constant 2 : i32
        %mul3A_65 = arith.muli %scan3A_45, %mul3A_64 : i32
        %add3A_66 = arith.constant 1 : i32
        %add3A_67 = arith.addi %mul3A_65, %add3A_66 : i32
        %dma_wait3A_68 = arith.constant 1 : i32
        %dma_wait3A_69 = arith.constant 0 : i32
        %dma_wait3A_70 = arith.constant 0 : i32
        %dma_wait3A_71 = tpu.memref_slice %arg9[%dma_wait3A_68, %dma_wait3A_69, %dma_wait3A_70] : memref<2x128x128xf32, #tpu.memory_space<vmem>> -> memref<1x128x128xf32, #tpu.memory_space<vmem>>
        %dma_wait3A_72 = tpu.memref_squeeze %dma_wait3A_71 : memref<1x128x128xf32, #tpu.memory_space<vmem>> -> memref<128x128xf32, #tpu.memory_space<vmem>>
        %dma_wait3A_73 = arith.constant 0 : i32
        %dma_wait3A_74 = tpu.memref_slice %arg7[%add3A_67, %dma_wait3A_73] : memref<40x128xi32, #tpu.memory_space<vmem>> -> memref<1x128xi32, #tpu.memory_space<vmem>>
        %dma_wait3A_75 = tpu.memref_squeeze %dma_wait3A_74 : memref<1x128xi32, #tpu.memory_space<vmem>> -> memref<128xi32, #tpu.memory_space<vmem>>
        %dma_wait3A_76 = arith.constant 0 : i32
        %dma_wait3A_77 = arith.constant 0 : i32
        %dma_wait3A_78 = tpu.memref_slice %arg2[%dma_wait3A_76, %dma_wait3A_77] : memref<20000x128xf32, #tpu.memory_space<hbm>> -> memref<20000x128xf32, #tpu.memory_space<hbm>>
        tpu.wait_indirect_dma semaphore(%arg12 : memref<!tpu.dma_semaphore, #tpu.memory_space<semaphore_mem>>) src(%dma_wait3A_78 : memref<20000x128xf32, #tpu.memory_space<hbm>>) dst(%dma_wait3A_72 : memref<128x128xf32, #tpu.memory_space<vmem>>)
        %run_scoped3A_79 = arith.constant 1 : i32
        "tpu.region"() ({
          %run_scoped3A_87 = tpu.sem_alloc : memref<!tpu.dma_semaphore, #tpu.memory_space<semaphore_mem>>
          %dma_start3A_88 = arith.constant 0 : i32
          %dma_start3A_89 = arith.constant 0 : i32
          %dma_start3A_90 = tpu.memref_slice %arg9[%run_scoped3A_79, %dma_start3A_88, %dma_start3A_89] : memref<2x128x128xf32, #tpu.memory_space<vmem>> -> memref<1x128x128xf32, #tpu.memory_space<vmem>>
          %dma_start3A_91 = tpu.memref_squeeze %dma_start3A_90 : memref<1x128x128xf32, #tpu.memory_space<vmem>> -> memref<128x128xf32, #tpu.memory_space<vmem>>
          %dma_start3A_92 = arith.constant 0 : i32
          %dma_start3A_93 = tpu.memref_slice %arg8[%add3A_67, %dma_start3A_92] : memref<40x128xi32, #tpu.memory_space<vmem>> -> memref<1x128xi32, #tpu.memory_space<vmem>>
          %dma_start3A_94 = tpu.memref_squeeze %dma_start3A_93 : memref<1x128xi32, #tpu.memory_space<vmem>> -> memref<128xi32, #tpu.memory_space<vmem>>
          %dma_start3A_95 = arith.constant 0 : i32
          %dma_start3A_96 = arith.constant 0 : i32
          %dma_start3A_97 = tpu.memref_slice %arg10[%dma_start3A_95, %dma_start3A_96] : memref<10112x128xf32, #tpu.memory_space<vmem_shared>> -> memref<10112x128xf32, #tpu.memory_space<vmem_shared>>
          tpu.enqueue_indirect_dma source(%dma_start3A_91 : memref<128x128xf32, #tpu.memory_space<vmem>>) target(%dma_start3A_97 : memref<10112x128xf32, #tpu.memory_space<vmem_shared>>) offsets(%dma_start3A_94 : memref<128xi32, #tpu.memory_space<vmem>>) semaphore(%run_scoped3A_87 : memref<!tpu.dma_semaphore, #tpu.memory_space<semaphore_mem>>) {add = true}
          %dma_wait3A_98 = arith.constant 0 : i32
          %dma_wait3A_99 = arith.constant 0 : i32
          %dma_wait3A_100 = tpu.memref_slice %arg9[%run_scoped3A_79, %dma_wait3A_98, %dma_wait3A_99] : memref<2x128x128xf32, #tpu.memory_space<vmem>> -> memref<1x128x128xf32, #tpu.memory_space<vmem>>
          %dma_wait3A_101 = tpu.memref_squeeze %dma_wait3A_100 : memref<1x128x128xf32, #tpu.memory_space<vmem>> -> memref<128x128xf32, #tpu.memory_space<vmem>>
          %dma_wait3A_102 = arith.constant 0 : i32
          %dma_wait3A_103 = tpu.memref_slice %arg8[%add3A_67, %dma_wait3A_102] : memref<40x128xi32, #tpu.memory_space<vmem>> -> memref<1x128xi32, #tpu.memory_space<vmem>>
          %dma_wait3A_104 = tpu.memref_squeeze %dma_wait3A_103 : memref<1x128xi32, #tpu.memory_space<vmem>> -> memref<128xi32, #tpu.memory_space<vmem>>
          %dma_wait3A_105 = arith.constant 0 : i32
          %dma_wait3A_106 = arith.constant 0 : i32
          %dma_wait3A_107 = tpu.memref_slice %arg10[%dma_wait3A_105, %dma_wait3A_106] : memref<10112x128xf32, #tpu.memory_space<vmem_shared>> -> memref<10112x128xf32, #tpu.memory_space<vmem_shared>>
          tpu.wait_indirect_dma semaphore(%run_scoped3A_87 : memref<!tpu.dma_semaphore, #tpu.memory_space<semaphore_mem>>) src(%dma_wait3A_101 : memref<128x128xf32, #tpu.memory_space<vmem>>) dst(%dma_wait3A_107 : memref<10112x128xf32, #tpu.memory_space<vmem_shared>>)
          tpu.yield
        }) : () -> ()
        %add3A_80 = arith.constant 2 : i32
        %add3A_81 = arith.addi %add3A_67, %add3A_80 : i32
        %lt3A_82 = arith.constant 40 : i32
        %lt3A_83 = arith.cmpi slt, %add3A_81, %lt3A_82 : i32
        %convert_element_type3A_84 = arith.extui %lt3A_83 : i1 to i32
        %cond3A_85 = arith.constant 0 : i32
        %cond3A_86 = arith.cmpi ne, %convert_element_type3A_84, %cond3A_85 : i32
        scf.if %cond3A_86 {
          %add3A_87 = arith.constant 2 : i32
          %add3A_88 = arith.addi %add3A_67, %add3A_87 : i32
          %dma_start3A_89 = arith.constant 1 : i32
          %dma_start3A_90 = arith.constant 0 : i32
          %dma_start3A_91 = arith.constant 0 : i32
          %dma_start3A_92 = tpu.memref_slice %arg9[%dma_start3A_89, %dma_start3A_90, %dma_start3A_91] : memref<2x128x128xf32, #tpu.memory_space<vmem>> -> memref<1x128x128xf32, #tpu.memory_space<vmem>>
          %dma_start3A_93 = tpu.memref_squeeze %dma_start3A_92 : memref<1x128x128xf32, #tpu.memory_space<vmem>> -> memref<128x128xf32, #tpu.memory_space<vmem>>
          %dma_start3A_94 = arith.constant 0 : i32
          %dma_start3A_95 = tpu.memref_slice %arg7[%add3A_88, %dma_start3A_94] : memref<40x128xi32, #tpu.memory_space<vmem>> -> memref<1x128xi32, #tpu.memory_space<vmem>>
          %dma_start3A_96 = tpu.memref_squeeze %dma_start3A_95 : memref<1x128xi32, #tpu.memory_space<vmem>> -> memref<128xi32, #tpu.memory_space<vmem>>
          %dma_start3A_97 = arith.constant 0 : i32
          %dma_start3A_98 = arith.constant 0 : i32
          %dma_start3A_99 = tpu.memref_slice %arg2[%dma_start3A_97, %dma_start3A_98] : memref<20000x128xf32, #tpu.memory_space<hbm>> -> memref<20000x128xf32, #tpu.memory_space<hbm>>
          tpu.enqueue_indirect_dma source(%dma_start3A_99 : memref<20000x128xf32, #tpu.memory_space<hbm>>) target(%dma_start3A_93 : memref<128x128xf32, #tpu.memory_space<vmem>>) offsets(%dma_start3A_96 : memref<128xi32, #tpu.memory_space<vmem>>) semaphore(%arg12 : memref<!tpu.dma_semaphore, #tpu.memory_space<semaphore_mem>>)
        } else {
        }
      }
      %scan3A_44 = arith.constant 20 : i32
    }
    %scan3A_5 = arith.constant 2 : i32
    %barrier3A_6 = arith.constant 0 : index
    tpu.barrier barrier_id(%barrier3A_6)
    %mul3A_7 = arith.constant 632 : i32
    %mul3A_8 = arith.muli %arg1, %mul3A_7 : i32
    %mul3A_9 = arith.constant 632 : i32
    %mul3A_10 = arith.muli %arg1, %mul3A_9 : i32
    "tpu.region"() ({
      %run_scoped3A = tpu.sem_alloc : memref<!tpu.dma_semaphore, #tpu.memory_space<semaphore_mem>>
      %dma_start3A = arith.constant 0 : i32
      %dma_start3A_11 = tpu.memref_slice %arg6[%arg0, %mul3A_10, %dma_start3A] : memref<2x10112x128xf32, #tpu.memory_space<hbm>> -> memref<1x632x128xf32, #tpu.memory_space<hbm>>
      %dma_start3A_12 = tpu.memref_squeeze %dma_start3A_11 : memref<1x632x128xf32, #tpu.memory_space<hbm>> -> memref<632x128xf32, #tpu.memory_space<hbm>>
      %dma_start3A_13 = arith.constant 0 : i32
      %dma_start3A_14 = tpu.memref_slice %arg10[%mul3A_8, %dma_start3A_13] : memref<10112x128xf32, #tpu.memory_space<vmem_shared>> -> memref<632x128xf32, #tpu.memory_space<vmem_shared>>
      tpu.enqueue_dma source(%dma_start3A_14 : memref<632x128xf32, #tpu.memory_space<vmem_shared>>) target(%dma_start3A_12 : memref<632x128xf32, #tpu.memory_space<hbm>>) target_semaphore(%run_scoped3A : memref<!tpu.dma_semaphore, #tpu.memory_space<semaphore_mem>>)
      %dma_wait3A = arith.constant 0 : i32
      %dma_wait3A_15 = tpu.memref_slice %arg6[%arg0, %mul3A_10, %dma_wait3A] : memref<2x10112x128xf32, #tpu.memory_space<hbm>> -> memref<1x632x128xf32, #tpu.memory_space<hbm>>
      %dma_wait3A_16 = tpu.memref_squeeze %dma_wait3A_15 : memref<1x632x128xf32, #tpu.memory_space<hbm>> -> memref<632x128xf32, #tpu.memory_space<hbm>>
      %dma_wait3A_17 = arith.constant 0 : i32
      %dma_wait3A_18 = tpu.memref_slice %arg10[%mul3A_8, %dma_wait3A_17] : memref<10112x128xf32, #tpu.memory_space<vmem_shared>> -> memref<632x128xf32, #tpu.memory_space<vmem_shared>>
      tpu.wait_dma2 semaphore(%run_scoped3A : memref<!tpu.dma_semaphore, #tpu.memory_space<semaphore_mem>>) src(%dma_wait3A_18 : memref<632x128xf32, #tpu.memory_space<vmem_shared>>) dst(%dma_wait3A_16 : memref<632x128xf32, #tpu.memory_space<hbm>>)
      tpu.yield
    }) : () -> ()
    return
  }
}

#map = affine_map<(d0, d1) -> (0, 0)>
#map1 = affine_map<(d0, d1) -> (0, 0, 0)>
module attributes {stable_mosaic.version = 14 : i64} {
  func.func @_agg_body(%arg0: i32, %arg1: i32, %arg2: memref<20000x128xf32, #tpu.memory_space<hbm>>, %arg3: memref<2x1280x128xi32, #tpu.memory_space<hbm>>, %arg4: memref<1280x128xi32, #tpu.memory_space<hbm>>, %arg5: memref<632x128xf32, #tpu.memory_space<hbm>>, %arg6: memref<2x10112x128xf32, #tpu.memory_space<hbm>>, %arg7: memref<40x128xi32, #tpu.memory_space<vmem>>, %arg8: memref<40x128xi32, #tpu.memory_space<vmem>>, %arg9: memref<2x128x128xf32, #tpu.memory_space<vmem>>, %arg10: memref<10112x128xf32, #tpu.memory_space<vmem_shared>>, %arg11: memref<!tpu.dma_semaphore, #tpu.memory_space<semaphore_mem>>, %arg12: memref<!tpu.dma_semaphore, #tpu.memory_space<semaphore_mem>>) attributes {dimension_semantics = [#tpu.dimension_semantics<core_parallel>, #tpu.dimension_semantics<subcore_parallel>], iteration_bounds = array<i64: 2, 16>, scalar_prefetch = 0 : i64, scratch_operands = 6 : i64, tpu.core_type = #tpu.core_type<sc_vector_subcore>, window_params = [{transform_indices = #map}, {transform_indices = #map1}, {transform_indices = #map}, {transform_indices = #map}, {transform_indices = #map1}]} {
    %mul3A = arith.constant 632 : i32
    %mul3A_0 = arith.muli %arg1, %mul3A : i32
    "tpu.region"() ({
      %run_scoped3A = tpu.sem_alloc : memref<!tpu.dma_semaphore, #tpu.memory_space<semaphore_mem>>
      %dma_start3A = arith.constant 0 : i32
      %dma_start3A_11 = tpu.memref_slice %arg10[%mul3A_0, %dma_start3A] : memref<10112x128xf32, #tpu.memory_space<vmem_shared>> -> memref<632x128xf32, #tpu.memory_space<vmem_shared>>
      tpu.enqueue_dma source(%arg5 : memref<632x128xf32, #tpu.memory_space<hbm>>) target(%dma_start3A_11 : memref<632x128xf32, #tpu.memory_space<vmem_shared>>) target_semaphore(%run_scoped3A : memref<!tpu.dma_semaphore, #tpu.memory_space<semaphore_mem>>)
      %dma_wait3A = arith.constant 0 : i32
      %dma_wait3A_12 = tpu.memref_slice %arg10[%mul3A_0, %dma_wait3A] : memref<10112x128xf32, #tpu.memory_space<vmem_shared>> -> memref<632x128xf32, #tpu.memory_space<vmem_shared>>
      tpu.wait_dma2 semaphore(%run_scoped3A : memref<!tpu.dma_semaphore, #tpu.memory_space<semaphore_mem>>) src(%arg5 : memref<632x128xf32, #tpu.memory_space<hbm>>) dst(%dma_wait3A_12 : memref<632x128xf32, #tpu.memory_space<vmem_shared>>)
      tpu.yield
    }) : () -> ()
    %barrier3A = arith.constant 0 : index
    tpu.barrier barrier_id(%barrier3A)
    %scan3A = arith.constant 0 : i32
    %scan3A_1 = arith.constant 0 : i32
    %scan3A_2 = arith.constant 2 : i32
    %scan3A_3 = arith.addi %scan3A_1, %scan3A_2 : i32
    %scan3A_4 = arith.constant 1 : i32
    scf.for %scan3A_11 = %scan3A_1 to %scan3A_3 step %scan3A_4  : i32 {
      %mul3A_12 = arith.constant 80 : i32
      %mul3A_13 = arith.muli %arg1, %mul3A_12 : i32
      %mul3A_14 = arith.constant 40 : i32
      %mul3A_15 = arith.muli %scan3A_11, %mul3A_14 : i32
      %add3A = arith.addi %mul3A_13, %mul3A_15 : i32
      %multiple_of3A = tpu.assume_multiple %add3A, 8 : i32
      "tpu.region"() ({
        %run_scoped3A = tpu.sem_alloc : memref<!tpu.dma_semaphore, #tpu.memory_space<semaphore_mem>>
        %dma_start3A_45 = arith.constant 0 : i32
        %dma_start3A_46 = tpu.memref_slice %arg3[%arg0, %multiple_of3A, %dma_start3A_45] : memref<2x1280x128xi32, #tpu.memory_space<hbm>> -> memref<1x40x128xi32, #tpu.memory_space<hbm>>
        %dma_start3A_47 = tpu.memref_squeeze %dma_start3A_46 : memref<1x40x128xi32, #tpu.memory_space<hbm>> -> memref<40x128xi32, #tpu.memory_space<hbm>>
        %dma_start3A_48 = arith.constant 0 : i32
        %dma_start3A_49 = tpu.memref_slice %arg3[%arg0, %multiple_of3A, %dma_start3A_48] : memref<2x1280x128xi32, #tpu.memory_space<hbm>> -> memref<1x40x128xi32, #tpu.memory_space<hbm>>
        %dma_start3A_50 = tpu.memref_squeeze %dma_start3A_49 : memref<1x40x128xi32, #tpu.memory_space<hbm>> -> memref<40x128xi32, #tpu.memory_space<hbm>>
        tpu.enqueue_dma source(%dma_start3A_50 : memref<40x128xi32, #tpu.memory_space<hbm>>) target(%arg7 : memref<40x128xi32, #tpu.memory_space<vmem>>) target_semaphore(%run_scoped3A : memref<!tpu.dma_semaphore, #tpu.memory_space<semaphore_mem>>)
        %dma_wait3A = arith.constant 0 : i32
        %dma_wait3A_51 = tpu.memref_slice %arg3[%arg0, %multiple_of3A, %dma_wait3A] : memref<2x1280x128xi32, #tpu.memory_space<hbm>> -> memref<1x40x128xi32, #tpu.memory_space<hbm>>
        %dma_wait3A_52 = tpu.memref_squeeze %dma_wait3A_51 : memref<1x40x128xi32, #tpu.memory_space<hbm>> -> memref<40x128xi32, #tpu.memory_space<hbm>>
        %dma_wait3A_53 = arith.constant 0 : i32
        %dma_wait3A_54 = tpu.memref_slice %arg3[%arg0, %multiple_of3A, %dma_wait3A_53] : memref<2x1280x128xi32, #tpu.memory_space<hbm>> -> memref<1x40x128xi32, #tpu.memory_space<hbm>>
        %dma_wait3A_55 = tpu.memref_squeeze %dma_wait3A_54 : memref<1x40x128xi32, #tpu.memory_space<hbm>> -> memref<40x128xi32, #tpu.memory_space<hbm>>
        tpu.wait_dma2 semaphore(%run_scoped3A : memref<!tpu.dma_semaphore, #tpu.memory_space<semaphore_mem>>) src(%dma_wait3A_55 : memref<40x128xi32, #tpu.memory_space<hbm>>) dst(%arg7 : memref<40x128xi32, #tpu.memory_space<vmem>>)
        tpu.yield
      }) : () -> ()
      "tpu.region"() ({
        %run_scoped3A = tpu.sem_alloc : memref<!tpu.dma_semaphore, #tpu.memory_space<semaphore_mem>>
        %dma_start3A_45 = arith.constant 0 : i32
        %dma_start3A_46 = tpu.memref_slice %arg4[%multiple_of3A, %dma_start3A_45] : memref<1280x128xi32, #tpu.memory_space<hbm>> -> memref<40x128xi32, #tpu.memory_space<hbm>>
        %dma_start3A_47 = arith.constant 0 : i32
        %dma_start3A_48 = tpu.memref_slice %arg4[%multiple_of3A, %dma_start3A_47] : memref<1280x128xi32, #tpu.memory_space<hbm>> -> memref<40x128xi32, #tpu.memory_space<hbm>>
        tpu.enqueue_dma source(%dma_start3A_48 : memref<40x128xi32, #tpu.memory_space<hbm>>) target(%arg8 : memref<40x128xi32, #tpu.memory_space<vmem>>) target_semaphore(%run_scoped3A : memref<!tpu.dma_semaphore, #tpu.memory_space<semaphore_mem>>)
        %dma_wait3A = arith.constant 0 : i32
        %dma_wait3A_49 = tpu.memref_slice %arg4[%multiple_of3A, %dma_wait3A] : memref<1280x128xi32, #tpu.memory_space<hbm>> -> memref<40x128xi32, #tpu.memory_space<hbm>>
        %dma_wait3A_50 = arith.constant 0 : i32
        %dma_wait3A_51 = tpu.memref_slice %arg4[%multiple_of3A, %dma_wait3A_50] : memref<1280x128xi32, #tpu.memory_space<hbm>> -> memref<40x128xi32, #tpu.memory_space<hbm>>
        tpu.wait_dma2 semaphore(%run_scoped3A : memref<!tpu.dma_semaphore, #tpu.memory_space<semaphore_mem>>) src(%dma_wait3A_51 : memref<40x128xi32, #tpu.memory_space<hbm>>) dst(%arg8 : memref<40x128xi32, #tpu.memory_space<vmem>>)
        tpu.yield
      }) : () -> ()
      %dma_start3A = arith.constant 0 : i32
      %dma_start3A_16 = arith.constant 0 : i32
      %dma_start3A_17 = arith.constant 0 : i32
      %dma_start3A_18 = arith.constant 0 : i32
      %dma_start3A_19 = tpu.memref_slice %arg9[%dma_start3A_16, %dma_start3A_17, %dma_start3A_18] : memref<2x128x128xf32, #tpu.memory_space<vmem>> -> memref<1x128x128xf32, #tpu.memory_space<vmem>>
      %dma_start3A_20 = tpu.memref_squeeze %dma_start3A_19 : memref<1x128x128xf32, #tpu.memory_space<vmem>> -> memref<128x128xf32, #tpu.memory_space<vmem>>
      %dma_start3A_21 = arith.constant 0 : i32
      %dma_start3A_22 = tpu.memref_slice %arg7[%dma_start3A, %dma_start3A_21] : memref<40x128xi32, #tpu.memory_space<vmem>> -> memref<1x128xi32, #tpu.memory_space<vmem>>
      %dma_start3A_23 = tpu.memref_squeeze %dma_start3A_22 : memref<1x128xi32, #tpu.memory_space<vmem>> -> memref<128xi32, #tpu.memory_space<vmem>>
      %dma_start3A_24 = arith.constant 0 : i32
      %dma_start3A_25 = arith.constant 0 : i32
      %dma_start3A_26 = tpu.memref_slice %arg2[%dma_start3A_24, %dma_start3A_25] : memref<20000x128xf32, #tpu.memory_space<hbm>> -> memref<20000x128xf32, #tpu.memory_space<hbm>>
      tpu.enqueue_indirect_dma source(%dma_start3A_26 : memref<20000x128xf32, #tpu.memory_space<hbm>>) target(%dma_start3A_20 : memref<128x128xf32, #tpu.memory_space<vmem>>) offsets(%dma_start3A_23 : memref<128xi32, #tpu.memory_space<vmem>>) semaphore(%arg11 : memref<!tpu.dma_semaphore, #tpu.memory_space<semaphore_mem>>)
      %dma_start3A_27 = arith.constant 1 : i32
      %dma_start3A_28 = arith.constant 1 : i32
      %dma_start3A_29 = arith.constant 0 : i32
      %dma_start3A_30 = arith.constant 0 : i32
      %dma_start3A_31 = tpu.memref_slice %arg9[%dma_start3A_28, %dma_start3A_29, %dma_start3A_30] : memref<2x128x128xf32, #tpu.memory_space<vmem>> -> memref<1x128x128xf32, #tpu.memory_space<vmem>>
      %dma_start3A_32 = tpu.memref_squeeze %dma_start3A_31 : memref<1x128x128xf32, #tpu.memory_space<vmem>> -> memref<128x128xf32, #tpu.memory_space<vmem>>
      %dma_start3A_33 = arith.constant 0 : i32
      %dma_start3A_34 = tpu.memref_slice %arg7[%dma_start3A_27, %dma_start3A_33] : memref<40x128xi32, #tpu.memory_space<vmem>> -> memref<1x128xi32, #tpu.memory_space<vmem>>
      %dma_start3A_35 = tpu.memref_squeeze %dma_start3A_34 : memref<1x128xi32, #tpu.memory_space<vmem>> -> memref<128xi32, #tpu.memory_space<vmem>>
      %dma_start3A_36 = arith.constant 0 : i32
      %dma_start3A_37 = arith.constant 0 : i32
      %dma_start3A_38 = tpu.memref_slice %arg2[%dma_start3A_36, %dma_start3A_37] : memref<20000x128xf32, #tpu.memory_space<hbm>> -> memref<20000x128xf32, #tpu.memory_space<hbm>>
      tpu.enqueue_indirect_dma source(%dma_start3A_38 : memref<20000x128xf32, #tpu.memory_space<hbm>>) target(%dma_start3A_32 : memref<128x128xf32, #tpu.memory_space<vmem>>) offsets(%dma_start3A_35 : memref<128xi32, #tpu.memory_space<vmem>>) semaphore(%arg12 : memref<!tpu.dma_semaphore, #tpu.memory_space<semaphore_mem>>)
      %scan3A_39 = arith.constant 0 : i32
      %scan3A_40 = arith.constant 0 : i32
      %scan3A_41 = arith.constant 20 : i32
      %scan3A_42 = arith.addi %scan3A_40, %scan3A_41 : i32
      %scan3A_43 = arith.constant 1 : i32
      scf.for %scan3A_45 = %scan3A_40 to %scan3A_42 step %scan3A_43  : i32 {
        %mul3A_46 = arith.constant 2 : i32
        %mul3A_47 = arith.muli %scan3A_45, %mul3A_46 : i32
        %add3A_48 = arith.constant 0 : i32
        %add3A_49 = arith.addi %mul3A_47, %add3A_48 : i32
        %dma_wait3A = arith.constant 0 : i32
        %dma_wait3A_50 = arith.constant 0 : i32
        %dma_wait3A_51 = arith.constant 0 : i32
        %dma_wait3A_52 = tpu.memref_slice %arg9[%dma_wait3A, %dma_wait3A_50, %dma_wait3A_51] : memref<2x128x128xf32, #tpu.memory_space<vmem>> -> memref<1x128x128xf32, #tpu.memory_space<vmem>>
        %dma_wait3A_53 = tpu.memref_squeeze %dma_wait3A_52 : memref<1x128x128xf32, #tpu.memory_space<vmem>> -> memref<128x128xf32, #tpu.memory_space<vmem>>
        %dma_wait3A_54 = arith.constant 0 : i32
        %dma_wait3A_55 = tpu.memref_slice %arg7[%add3A_49, %dma_wait3A_54] : memref<40x128xi32, #tpu.memory_space<vmem>> -> memref<1x128xi32, #tpu.memory_space<vmem>>
        %dma_wait3A_56 = tpu.memref_squeeze %dma_wait3A_55 : memref<1x128xi32, #tpu.memory_space<vmem>> -> memref<128xi32, #tpu.memory_space<vmem>>
        %dma_wait3A_57 = arith.constant 0 : i32
        %dma_wait3A_58 = arith.constant 0 : i32
        %dma_wait3A_59 = tpu.memref_slice %arg2[%dma_wait3A_57, %dma_wait3A_58] : memref<20000x128xf32, #tpu.memory_space<hbm>> -> memref<20000x128xf32, #tpu.memory_space<hbm>>
        tpu.wait_indirect_dma semaphore(%arg11 : memref<!tpu.dma_semaphore, #tpu.memory_space<semaphore_mem>>) src(%dma_wait3A_59 : memref<20000x128xf32, #tpu.memory_space<hbm>>) dst(%dma_wait3A_53 : memref<128x128xf32, #tpu.memory_space<vmem>>)
        %run_scoped3A = arith.constant 0 : i32
        "tpu.region"() ({
          %run_scoped3A_87 = tpu.sem_alloc : memref<!tpu.dma_semaphore, #tpu.memory_space<semaphore_mem>>
          %dma_start3A_88 = arith.constant 0 : i32
          %dma_start3A_89 = arith.constant 0 : i32
          %dma_start3A_90 = tpu.memref_slice %arg9[%run_scoped3A, %dma_start3A_88, %dma_start3A_89] : memref<2x128x128xf32, #tpu.memory_space<vmem>> -> memref<1x128x128xf32, #tpu.memory_space<vmem>>
          %dma_start3A_91 = tpu.memref_squeeze %dma_start3A_90 : memref<1x128x128xf32, #tpu.memory_space<vmem>> -> memref<128x128xf32, #tpu.memory_space<vmem>>
          %dma_start3A_92 = arith.constant 0 : i32
          %dma_start3A_93 = tpu.memref_slice %arg8[%add3A_49, %dma_start3A_92] : memref<40x128xi32, #tpu.memory_space<vmem>> -> memref<1x128xi32, #tpu.memory_space<vmem>>
          %dma_start3A_94 = tpu.memref_squeeze %dma_start3A_93 : memref<1x128xi32, #tpu.memory_space<vmem>> -> memref<128xi32, #tpu.memory_space<vmem>>
          %dma_start3A_95 = arith.constant 0 : i32
          %dma_start3A_96 = arith.constant 0 : i32
          %dma_start3A_97 = tpu.memref_slice %arg10[%dma_start3A_95, %dma_start3A_96] : memref<10112x128xf32, #tpu.memory_space<vmem_shared>> -> memref<10112x128xf32, #tpu.memory_space<vmem_shared>>
          tpu.enqueue_indirect_dma source(%dma_start3A_91 : memref<128x128xf32, #tpu.memory_space<vmem>>) target(%dma_start3A_97 : memref<10112x128xf32, #tpu.memory_space<vmem_shared>>) offsets(%dma_start3A_94 : memref<128xi32, #tpu.memory_space<vmem>>) semaphore(%run_scoped3A_87 : memref<!tpu.dma_semaphore, #tpu.memory_space<semaphore_mem>>) {add = true}
          %dma_wait3A_98 = arith.constant 0 : i32
          %dma_wait3A_99 = arith.constant 0 : i32
          %dma_wait3A_100 = tpu.memref_slice %arg9[%run_scoped3A, %dma_wait3A_98, %dma_wait3A_99] : memref<2x128x128xf32, #tpu.memory_space<vmem>> -> memref<1x128x128xf32, #tpu.memory_space<vmem>>
          %dma_wait3A_101 = tpu.memref_squeeze %dma_wait3A_100 : memref<1x128x128xf32, #tpu.memory_space<vmem>> -> memref<128x128xf32, #tpu.memory_space<vmem>>
          %dma_wait3A_102 = arith.constant 0 : i32
          %dma_wait3A_103 = tpu.memref_slice %arg8[%add3A_49, %dma_wait3A_102] : memref<40x128xi32, #tpu.memory_space<vmem>> -> memref<1x128xi32, #tpu.memory_space<vmem>>
          %dma_wait3A_104 = tpu.memref_squeeze %dma_wait3A_103 : memref<1x128xi32, #tpu.memory_space<vmem>> -> memref<128xi32, #tpu.memory_space<vmem>>
          %dma_wait3A_105 = arith.constant 0 : i32
          %dma_wait3A_106 = arith.constant 0 : i32
          %dma_wait3A_107 = tpu.memref_slice %arg10[%dma_wait3A_105, %dma_wait3A_106] : memref<10112x128xf32, #tpu.memory_space<vmem_shared>> -> memref<10112x128xf32, #tpu.memory_space<vmem_shared>>
          tpu.wait_indirect_dma semaphore(%run_scoped3A_87 : memref<!tpu.dma_semaphore, #tpu.memory_space<semaphore_mem>>) src(%dma_wait3A_101 : memref<128x128xf32, #tpu.memory_space<vmem>>) dst(%dma_wait3A_107 : memref<10112x128xf32, #tpu.memory_space<vmem_shared>>)
          tpu.yield
        }) : () -> ()
        %add3A_60 = arith.constant 2 : i32
        %add3A_61 = arith.addi %add3A_49, %add3A_60 : i32
        %lt3A = arith.constant 40 : i32
        %lt3A_62 = arith.cmpi slt, %add3A_61, %lt3A : i32
        %convert_element_type3A = arith.extui %lt3A_62 : i1 to i32
        %cond3A = arith.constant 0 : i32
        %cond3A_63 = arith.cmpi ne, %convert_element_type3A, %cond3A : i32
        scf.if %cond3A_63 {
          %add3A_87 = arith.constant 2 : i32
          %add3A_88 = arith.addi %add3A_49, %add3A_87 : i32
          %dma_start3A_89 = arith.constant 0 : i32
          %dma_start3A_90 = arith.constant 0 : i32
          %dma_start3A_91 = arith.constant 0 : i32
          %dma_start3A_92 = tpu.memref_slice %arg9[%dma_start3A_89, %dma_start3A_90, %dma_start3A_91] : memref<2x128x128xf32, #tpu.memory_space<vmem>> -> memref<1x128x128xf32, #tpu.memory_space<vmem>>
          %dma_start3A_93 = tpu.memref_squeeze %dma_start3A_92 : memref<1x128x128xf32, #tpu.memory_space<vmem>> -> memref<128x128xf32, #tpu.memory_space<vmem>>
          %dma_start3A_94 = arith.constant 0 : i32
          %dma_start3A_95 = tpu.memref_slice %arg7[%add3A_88, %dma_start3A_94] : memref<40x128xi32, #tpu.memory_space<vmem>> -> memref<1x128xi32, #tpu.memory_space<vmem>>
          %dma_start3A_96 = tpu.memref_squeeze %dma_start3A_95 : memref<1x128xi32, #tpu.memory_space<vmem>> -> memref<128xi32, #tpu.memory_space<vmem>>
          %dma_start3A_97 = arith.constant 0 : i32
          %dma_start3A_98 = arith.constant 0 : i32
          %dma_start3A_99 = tpu.memref_slice %arg2[%dma_start3A_97, %dma_start3A_98] : memref<20000x128xf32, #tpu.memory_space<hbm>> -> memref<20000x128xf32, #tpu.memory_space<hbm>>
          tpu.enqueue_indirect_dma source(%dma_start3A_99 : memref<20000x128xf32, #tpu.memory_space<hbm>>) target(%dma_start3A_93 : memref<128x128xf32, #tpu.memory_space<vmem>>) offsets(%dma_start3A_96 : memref<128xi32, #tpu.memory_space<vmem>>) semaphore(%arg11 : memref<!tpu.dma_semaphore, #tpu.memory_space<semaphore_mem>>)
        } else {
        }
        %mul3A_64 = arith.constant 2 : i32
        %mul3A_65 = arith.muli %scan3A_45, %mul3A_64 : i32
        %add3A_66 = arith.constant 1 : i32
        %add3A_67 = arith.addi %mul3A_65, %add3A_66 : i32
        %dma_wait3A_68 = arith.constant 1 : i32
        %dma_wait3A_69 = arith.constant 0 : i32
        %dma_wait3A_70 = arith.constant 0 : i32
        %dma_wait3A_71 = tpu.memref_slice %arg9[%dma_wait3A_68, %dma_wait3A_69, %dma_wait3A_70] : memref<2x128x128xf32, #tpu.memory_space<vmem>> -> memref<1x128x128xf32, #tpu.memory_space<vmem>>
        %dma_wait3A_72 = tpu.memref_squeeze %dma_wait3A_71 : memref<1x128x128xf32, #tpu.memory_space<vmem>> -> memref<128x128xf32, #tpu.memory_space<vmem>>
        %dma_wait3A_73 = arith.constant 0 : i32
        %dma_wait3A_74 = tpu.memref_slice %arg7[%add3A_67, %dma_wait3A_73] : memref<40x128xi32, #tpu.memory_space<vmem>> -> memref<1x128xi32, #tpu.memory_space<vmem>>
        %dma_wait3A_75 = tpu.memref_squeeze %dma_wait3A_74 : memref<1x128xi32, #tpu.memory_space<vmem>> -> memref<128xi32, #tpu.memory_space<vmem>>
        %dma_wait3A_76 = arith.constant 0 : i32
        %dma_wait3A_77 = arith.constant 0 : i32
        %dma_wait3A_78 = tpu.memref_slice %arg2[%dma_wait3A_76, %dma_wait3A_77] : memref<20000x128xf32, #tpu.memory_space<hbm>> -> memref<20000x128xf32, #tpu.memory_space<hbm>>
        tpu.wait_indirect_dma semaphore(%arg12 : memref<!tpu.dma_semaphore, #tpu.memory_space<semaphore_mem>>) src(%dma_wait3A_78 : memref<20000x128xf32, #tpu.memory_space<hbm>>) dst(%dma_wait3A_72 : memref<128x128xf32, #tpu.memory_space<vmem>>)
        %run_scoped3A_79 = arith.constant 1 : i32
        "tpu.region"() ({
          %run_scoped3A_87 = tpu.sem_alloc : memref<!tpu.dma_semaphore, #tpu.memory_space<semaphore_mem>>
          %dma_start3A_88 = arith.constant 0 : i32
          %dma_start3A_89 = arith.constant 0 : i32
          %dma_start3A_90 = tpu.memref_slice %arg9[%run_scoped3A_79, %dma_start3A_88, %dma_start3A_89] : memref<2x128x128xf32, #tpu.memory_space<vmem>> -> memref<1x128x128xf32, #tpu.memory_space<vmem>>
          %dma_start3A_91 = tpu.memref_squeeze %dma_start3A_90 : memref<1x128x128xf32, #tpu.memory_space<vmem>> -> memref<128x128xf32, #tpu.memory_space<vmem>>
          %dma_start3A_92 = arith.constant 0 : i32
          %dma_start3A_93 = tpu.memref_slice %arg8[%add3A_67, %dma_start3A_92] : memref<40x128xi32, #tpu.memory_space<vmem>> -> memref<1x128xi32, #tpu.memory_space<vmem>>
          %dma_start3A_94 = tpu.memref_squeeze %dma_start3A_93 : memref<1x128xi32, #tpu.memory_space<vmem>> -> memref<128xi32, #tpu.memory_space<vmem>>
          %dma_start3A_95 = arith.constant 0 : i32
          %dma_start3A_96 = arith.constant 0 : i32
          %dma_start3A_97 = tpu.memref_slice %arg10[%dma_start3A_95, %dma_start3A_96] : memref<10112x128xf32, #tpu.memory_space<vmem_shared>> -> memref<10112x128xf32, #tpu.memory_space<vmem_shared>>
          tpu.enqueue_indirect_dma source(%dma_start3A_91 : memref<128x128xf32, #tpu.memory_space<vmem>>) target(%dma_start3A_97 : memref<10112x128xf32, #tpu.memory_space<vmem_shared>>) offsets(%dma_start3A_94 : memref<128xi32, #tpu.memory_space<vmem>>) semaphore(%run_scoped3A_87 : memref<!tpu.dma_semaphore, #tpu.memory_space<semaphore_mem>>) {add = true}
          %dma_wait3A_98 = arith.constant 0 : i32
          %dma_wait3A_99 = arith.constant 0 : i32
          %dma_wait3A_100 = tpu.memref_slice %arg9[%run_scoped3A_79, %dma_wait3A_98, %dma_wait3A_99] : memref<2x128x128xf32, #tpu.memory_space<vmem>> -> memref<1x128x128xf32, #tpu.memory_space<vmem>>
          %dma_wait3A_101 = tpu.memref_squeeze %dma_wait3A_100 : memref<1x128x128xf32, #tpu.memory_space<vmem>> -> memref<128x128xf32, #tpu.memory_space<vmem>>
          %dma_wait3A_102 = arith.constant 0 : i32
          %dma_wait3A_103 = tpu.memref_slice %arg8[%add3A_67, %dma_wait3A_102] : memref<40x128xi32, #tpu.memory_space<vmem>> -> memref<1x128xi32, #tpu.memory_space<vmem>>
          %dma_wait3A_104 = tpu.memref_squeeze %dma_wait3A_103 : memref<1x128xi32, #tpu.memory_space<vmem>> -> memref<128xi32, #tpu.memory_space<vmem>>
          %dma_wait3A_105 = arith.constant 0 : i32
          %dma_wait3A_106 = arith.constant 0 : i32
          %dma_wait3A_107 = tpu.memref_slice %arg10[%dma_wait3A_105, %dma_wait3A_106] : memref<10112x128xf32, #tpu.memory_space<vmem_shared>> -> memref<10112x128xf32, #tpu.memory_space<vmem_shared>>
          tpu.wait_indirect_dma semaphore(%run_scoped3A_87 : memref<!tpu.dma_semaphore, #tpu.memory_space<semaphore_mem>>) src(%dma_wait3A_101 : memref<128x128xf32, #tpu.memory_space<vmem>>) dst(%dma_wait3A_107 : memref<10112x128xf32, #tpu.memory_space<vmem_shared>>)
          tpu.yield
        }) : () -> ()
        %add3A_80 = arith.constant 2 : i32
        %add3A_81 = arith.addi %add3A_67, %add3A_80 : i32
        %lt3A_82 = arith.constant 40 : i32
        %lt3A_83 = arith.cmpi slt, %add3A_81, %lt3A_82 : i32
        %convert_element_type3A_84 = arith.extui %lt3A_83 : i1 to i32
        %cond3A_85 = arith.constant 0 : i32
        %cond3A_86 = arith.cmpi ne, %convert_element_type3A_84, %cond3A_85 : i32
        scf.if %cond3A_86 {
          %add3A_87 = arith.constant 2 : i32
          %add3A_88 = arith.addi %add3A_67, %add3A_87 : i32
          %dma_start3A_89 = arith.constant 1 : i32
          %dma_start3A_90 = arith.constant 0 : i32
          %dma_start3A_91 = arith.constant 0 : i32
          %dma_start3A_92 = tpu.memref_slice %arg9[%dma_start3A_89, %dma_start3A_90, %dma_start3A_91] : memref<2x128x128xf32, #tpu.memory_space<vmem>> -> memref<1x128x128xf32, #tpu.memory_space<vmem>>
          %dma_start3A_93 = tpu.memref_squeeze %dma_start3A_92 : memref<1x128x128xf32, #tpu.memory_space<vmem>> -> memref<128x128xf32, #tpu.memory_space<vmem>>
          %dma_start3A_94 = arith.constant 0 : i32
          %dma_start3A_95 = tpu.memref_slice %arg7[%add3A_88, %dma_start3A_94] : memref<40x128xi32, #tpu.memory_space<vmem>> -> memref<1x128xi32, #tpu.memory_space<vmem>>
          %dma_start3A_96 = tpu.memref_squeeze %dma_start3A_95 : memref<1x128xi32, #tpu.memory_space<vmem>> -> memref<128xi32, #tpu.memory_space<vmem>>
          %dma_start3A_97 = arith.constant 0 : i32
          %dma_start3A_98 = arith.constant 0 : i32
          %dma_start3A_99 = tpu.memref_slice %arg2[%dma_start3A_97, %dma_start3A_98] : memref<20000x128xf32, #tpu.memory_space<hbm>> -> memref<20000x128xf32, #tpu.memory_space<hbm>>
          tpu.enqueue_indirect_dma source(%dma_start3A_99 : memref<20000x128xf32, #tpu.memory_space<hbm>>) target(%dma_start3A_93 : memref<128x128xf32, #tpu.memory_space<vmem>>) offsets(%dma_start3A_96 : memref<128xi32, #tpu.memory_space<vmem>>) semaphore(%arg12 : memref<!tpu.dma_semaphore, #tpu.memory_space<semaphore_mem>>)
        } else {
        }
      }
      %scan3A_44 = arith.constant 20 : i32
    }
    %scan3A_5 = arith.constant 2 : i32
    %barrier3A_6 = arith.constant 0 : index
    tpu.barrier barrier_id(%barrier3A_6)
    %mul3A_7 = arith.constant 632 : i32
    %mul3A_8 = arith.muli %arg1, %mul3A_7 : i32
    %mul3A_9 = arith.constant 632 : i32
    %mul3A_10 = arith.muli %arg1, %mul3A_9 : i32
    "tpu.region"() ({
      %run_scoped3A = tpu.sem_alloc : memref<!tpu.dma_semaphore, #tpu.memory_space<semaphore_mem>>
      %dma_start3A = arith.constant 0 : i32
      %dma_start3A_11 = tpu.memref_slice %arg6[%arg0, %mul3A_10, %dma_start3A] : memref<2x10112x128xf32, #tpu.memory_space<hbm>> -> memref<1x632x128xf32, #tpu.memory_space<hbm>>
      %dma_start3A_12 = tpu.memref_squeeze %dma_start3A_11 : memref<1x632x128xf32, #tpu.memory_space<hbm>> -> memref<632x128xf32, #tpu.memory_space<hbm>>
      %dma_start3A_13 = arith.constant 0 : i32
      %dma_start3A_14 = tpu.memref_slice %arg10[%mul3A_8, %dma_start3A_13] : memref<10112x128xf32, #tpu.memory_space<vmem_shared>> -> memref<632x128xf32, #tpu.memory_space<vmem_shared>>
      tpu.enqueue_dma source(%dma_start3A_14 : memref<632x128xf32, #tpu.memory_space<vmem_shared>>) target(%dma_start3A_12 : memref<632x128xf32, #tpu.memory_space<hbm>>) target_semaphore(%run_scoped3A : memref<!tpu.dma_semaphore, #tpu.memory_space<semaphore_mem>>)
      %dma_wait3A = arith.constant 0 : i32
      %dma_wait3A_15 = tpu.memref_slice %arg6[%arg0, %mul3A_10, %dma_wait3A] : memref<2x10112x128xf32, #tpu.memory_space<hbm>> -> memref<1x632x128xf32, #tpu.memory_space<hbm>>
      %dma_wait3A_16 = tpu.memref_squeeze %dma_wait3A_15 : memref<1x632x128xf32, #tpu.memory_space<hbm>> -> memref<632x128xf32, #tpu.memory_space<hbm>>
      %dma_wait3A_17 = arith.constant 0 : i32
      %dma_wait3A_18 = tpu.memref_slice %arg10[%mul3A_8, %dma_wait3A_17] : memref<10112x128xf32, #tpu.memory_space<vmem_shared>> -> memref<632x128xf32, #tpu.memory_space<vmem_shared>>
      tpu.wait_dma2 semaphore(%run_scoped3A : memref<!tpu.dma_semaphore, #tpu.memory_space<semaphore_mem>>) src(%dma_wait3A_18 : memref<632x128xf32, #tpu.memory_space<vmem_shared>>) dst(%dma_wait3A_16 : memref<632x128xf32, #tpu.memory_space<hbm>>)
      tpu.yield
    }) : () -> ()
    return
  }
}

#map = affine_map<(d0, d1) -> (0, 0)>
#map1 = affine_map<(d0, d1) -> (0, 0, 0)>
module attributes {stable_mosaic.version = 14 : i64} {
  func.func @_agg_body(%arg0: i32, %arg1: i32, %arg2: memref<20000x128xf32, #tpu.memory_space<hbm>>, %arg3: memref<2x1280x128xi32, #tpu.memory_space<hbm>>, %arg4: memref<1280x128xi32, #tpu.memory_space<hbm>>, %arg5: memref<632x128xf32, #tpu.memory_space<hbm>>, %arg6: memref<2x10112x128xf32, #tpu.memory_space<hbm>>, %arg7: memref<40x128xi32, #tpu.memory_space<vmem>>, %arg8: memref<40x128xi32, #tpu.memory_space<vmem>>, %arg9: memref<2x128x128xf32, #tpu.memory_space<vmem>>, %arg10: memref<10112x128xf32, #tpu.memory_space<vmem_shared>>, %arg11: memref<!tpu.dma_semaphore, #tpu.memory_space<semaphore_mem>>, %arg12: memref<!tpu.dma_semaphore, #tpu.memory_space<semaphore_mem>>) attributes {dimension_semantics = [#tpu.dimension_semantics<core_parallel>, #tpu.dimension_semantics<subcore_parallel>], iteration_bounds = array<i64: 2, 16>, scalar_prefetch = 0 : i64, scratch_operands = 6 : i64, tpu.core_type = #tpu.core_type<sc_vector_subcore>, window_params = [{transform_indices = #map}, {transform_indices = #map1}, {transform_indices = #map}, {transform_indices = #map}, {transform_indices = #map1}]} {
    %mul3A = arith.constant 632 : i32
    %mul3A_0 = arith.muli %arg1, %mul3A : i32
    "tpu.region"() ({
      %run_scoped3A = tpu.sem_alloc : memref<!tpu.dma_semaphore, #tpu.memory_space<semaphore_mem>>
      %dma_start3A = arith.constant 0 : i32
      %dma_start3A_11 = tpu.memref_slice %arg10[%mul3A_0, %dma_start3A] : memref<10112x128xf32, #tpu.memory_space<vmem_shared>> -> memref<632x128xf32, #tpu.memory_space<vmem_shared>>
      tpu.enqueue_dma source(%arg5 : memref<632x128xf32, #tpu.memory_space<hbm>>) target(%dma_start3A_11 : memref<632x128xf32, #tpu.memory_space<vmem_shared>>) target_semaphore(%run_scoped3A : memref<!tpu.dma_semaphore, #tpu.memory_space<semaphore_mem>>)
      %dma_wait3A = arith.constant 0 : i32
      %dma_wait3A_12 = tpu.memref_slice %arg10[%mul3A_0, %dma_wait3A] : memref<10112x128xf32, #tpu.memory_space<vmem_shared>> -> memref<632x128xf32, #tpu.memory_space<vmem_shared>>
      tpu.wait_dma2 semaphore(%run_scoped3A : memref<!tpu.dma_semaphore, #tpu.memory_space<semaphore_mem>>) src(%arg5 : memref<632x128xf32, #tpu.memory_space<hbm>>) dst(%dma_wait3A_12 : memref<632x128xf32, #tpu.memory_space<vmem_shared>>)
      tpu.yield
    }) : () -> ()
    %barrier3A = arith.constant 0 : index
    tpu.barrier barrier_id(%barrier3A)
    %scan3A = arith.constant 0 : i32
    %scan3A_1 = arith.constant 0 : i32
    %scan3A_2 = arith.constant 2 : i32
    %scan3A_3 = arith.addi %scan3A_1, %scan3A_2 : i32
    %scan3A_4 = arith.constant 1 : i32
    scf.for %scan3A_11 = %scan3A_1 to %scan3A_3 step %scan3A_4  : i32 {
      %mul3A_12 = arith.constant 80 : i32
      %mul3A_13 = arith.muli %arg1, %mul3A_12 : i32
      %mul3A_14 = arith.constant 40 : i32
      %mul3A_15 = arith.muli %scan3A_11, %mul3A_14 : i32
      %add3A = arith.addi %mul3A_13, %mul3A_15 : i32
      %multiple_of3A = tpu.assume_multiple %add3A, 8 : i32
      "tpu.region"() ({
        %run_scoped3A = tpu.sem_alloc : memref<!tpu.dma_semaphore, #tpu.memory_space<semaphore_mem>>
        %dma_start3A_45 = arith.constant 0 : i32
        %dma_start3A_46 = tpu.memref_slice %arg3[%arg0, %multiple_of3A, %dma_start3A_45] : memref<2x1280x128xi32, #tpu.memory_space<hbm>> -> memref<1x40x128xi32, #tpu.memory_space<hbm>>
        %dma_start3A_47 = tpu.memref_squeeze %dma_start3A_46 : memref<1x40x128xi32, #tpu.memory_space<hbm>> -> memref<40x128xi32, #tpu.memory_space<hbm>>
        %dma_start3A_48 = arith.constant 0 : i32
        %dma_start3A_49 = tpu.memref_slice %arg3[%arg0, %multiple_of3A, %dma_start3A_48] : memref<2x1280x128xi32, #tpu.memory_space<hbm>> -> memref<1x40x128xi32, #tpu.memory_space<hbm>>
        %dma_start3A_50 = tpu.memref_squeeze %dma_start3A_49 : memref<1x40x128xi32, #tpu.memory_space<hbm>> -> memref<40x128xi32, #tpu.memory_space<hbm>>
        tpu.enqueue_dma source(%dma_start3A_50 : memref<40x128xi32, #tpu.memory_space<hbm>>) target(%arg7 : memref<40x128xi32, #tpu.memory_space<vmem>>) target_semaphore(%run_scoped3A : memref<!tpu.dma_semaphore, #tpu.memory_space<semaphore_mem>>)
        %dma_wait3A = arith.constant 0 : i32
        %dma_wait3A_51 = tpu.memref_slice %arg3[%arg0, %multiple_of3A, %dma_wait3A] : memref<2x1280x128xi32, #tpu.memory_space<hbm>> -> memref<1x40x128xi32, #tpu.memory_space<hbm>>
        %dma_wait3A_52 = tpu.memref_squeeze %dma_wait3A_51 : memref<1x40x128xi32, #tpu.memory_space<hbm>> -> memref<40x128xi32, #tpu.memory_space<hbm>>
        %dma_wait3A_53 = arith.constant 0 : i32
        %dma_wait3A_54 = tpu.memref_slice %arg3[%arg0, %multiple_of3A, %dma_wait3A_53] : memref<2x1280x128xi32, #tpu.memory_space<hbm>> -> memref<1x40x128xi32, #tpu.memory_space<hbm>>
        %dma_wait3A_55 = tpu.memref_squeeze %dma_wait3A_54 : memref<1x40x128xi32, #tpu.memory_space<hbm>> -> memref<40x128xi32, #tpu.memory_space<hbm>>
        tpu.wait_dma2 semaphore(%run_scoped3A : memref<!tpu.dma_semaphore, #tpu.memory_space<semaphore_mem>>) src(%dma_wait3A_55 : memref<40x128xi32, #tpu.memory_space<hbm>>) dst(%arg7 : memref<40x128xi32, #tpu.memory_space<vmem>>)
        tpu.yield
      }) : () -> ()
      "tpu.region"() ({
        %run_scoped3A = tpu.sem_alloc : memref<!tpu.dma_semaphore, #tpu.memory_space<semaphore_mem>>
        %dma_start3A_45 = arith.constant 0 : i32
        %dma_start3A_46 = tpu.memref_slice %arg4[%multiple_of3A, %dma_start3A_45] : memref<1280x128xi32, #tpu.memory_space<hbm>> -> memref<40x128xi32, #tpu.memory_space<hbm>>
        %dma_start3A_47 = arith.constant 0 : i32
        %dma_start3A_48 = tpu.memref_slice %arg4[%multiple_of3A, %dma_start3A_47] : memref<1280x128xi32, #tpu.memory_space<hbm>> -> memref<40x128xi32, #tpu.memory_space<hbm>>
        tpu.enqueue_dma source(%dma_start3A_48 : memref<40x128xi32, #tpu.memory_space<hbm>>) target(%arg8 : memref<40x128xi32, #tpu.memory_space<vmem>>) target_semaphore(%run_scoped3A : memref<!tpu.dma_semaphore, #tpu.memory_space<semaphore_mem>>)
        %dma_wait3A = arith.constant 0 : i32
        %dma_wait3A_49 = tpu.memref_slice %arg4[%multiple_of3A, %dma_wait3A] : memref<1280x128xi32, #tpu.memory_space<hbm>> -> memref<40x128xi32, #tpu.memory_space<hbm>>
        %dma_wait3A_50 = arith.constant 0 : i32
        %dma_wait3A_51 = tpu.memref_slice %arg4[%multiple_of3A, %dma_wait3A_50] : memref<1280x128xi32, #tpu.memory_space<hbm>> -> memref<40x128xi32, #tpu.memory_space<hbm>>
        tpu.wait_dma2 semaphore(%run_scoped3A : memref<!tpu.dma_semaphore, #tpu.memory_space<semaphore_mem>>) src(%dma_wait3A_51 : memref<40x128xi32, #tpu.memory_space<hbm>>) dst(%arg8 : memref<40x128xi32, #tpu.memory_space<vmem>>)
        tpu.yield
      }) : () -> ()
      %dma_start3A = arith.constant 0 : i32
      %dma_start3A_16 = arith.constant 0 : i32
      %dma_start3A_17 = arith.constant 0 : i32
      %dma_start3A_18 = arith.constant 0 : i32
      %dma_start3A_19 = tpu.memref_slice %arg9[%dma_start3A_16, %dma_start3A_17, %dma_start3A_18] : memref<2x128x128xf32, #tpu.memory_space<vmem>> -> memref<1x128x128xf32, #tpu.memory_space<vmem>>
      %dma_start3A_20 = tpu.memref_squeeze %dma_start3A_19 : memref<1x128x128xf32, #tpu.memory_space<vmem>> -> memref<128x128xf32, #tpu.memory_space<vmem>>
      %dma_start3A_21 = arith.constant 0 : i32
      %dma_start3A_22 = tpu.memref_slice %arg7[%dma_start3A, %dma_start3A_21] : memref<40x128xi32, #tpu.memory_space<vmem>> -> memref<1x128xi32, #tpu.memory_space<vmem>>
      %dma_start3A_23 = tpu.memref_squeeze %dma_start3A_22 : memref<1x128xi32, #tpu.memory_space<vmem>> -> memref<128xi32, #tpu.memory_space<vmem>>
      %dma_start3A_24 = arith.constant 0 : i32
      %dma_start3A_25 = arith.constant 0 : i32
      %dma_start3A_26 = tpu.memref_slice %arg2[%dma_start3A_24, %dma_start3A_25] : memref<20000x128xf32, #tpu.memory_space<hbm>> -> memref<20000x128xf32, #tpu.memory_space<hbm>>
      tpu.enqueue_indirect_dma source(%dma_start3A_26 : memref<20000x128xf32, #tpu.memory_space<hbm>>) target(%dma_start3A_20 : memref<128x128xf32, #tpu.memory_space<vmem>>) offsets(%dma_start3A_23 : memref<128xi32, #tpu.memory_space<vmem>>) semaphore(%arg11 : memref<!tpu.dma_semaphore, #tpu.memory_space<semaphore_mem>>)
      %dma_start3A_27 = arith.constant 1 : i32
      %dma_start3A_28 = arith.constant 1 : i32
      %dma_start3A_29 = arith.constant 0 : i32
      %dma_start3A_30 = arith.constant 0 : i32
      %dma_start3A_31 = tpu.memref_slice %arg9[%dma_start3A_28, %dma_start3A_29, %dma_start3A_30] : memref<2x128x128xf32, #tpu.memory_space<vmem>> -> memref<1x128x128xf32, #tpu.memory_space<vmem>>
      %dma_start3A_32 = tpu.memref_squeeze %dma_start3A_31 : memref<1x128x128xf32, #tpu.memory_space<vmem>> -> memref<128x128xf32, #tpu.memory_space<vmem>>
      %dma_start3A_33 = arith.constant 0 : i32
      %dma_start3A_34 = tpu.memref_slice %arg7[%dma_start3A_27, %dma_start3A_33] : memref<40x128xi32, #tpu.memory_space<vmem>> -> memref<1x128xi32, #tpu.memory_space<vmem>>
      %dma_start3A_35 = tpu.memref_squeeze %dma_start3A_34 : memref<1x128xi32, #tpu.memory_space<vmem>> -> memref<128xi32, #tpu.memory_space<vmem>>
      %dma_start3A_36 = arith.constant 0 : i32
      %dma_start3A_37 = arith.constant 0 : i32
      %dma_start3A_38 = tpu.memref_slice %arg2[%dma_start3A_36, %dma_start3A_37] : memref<20000x128xf32, #tpu.memory_space<hbm>> -> memref<20000x128xf32, #tpu.memory_space<hbm>>
      tpu.enqueue_indirect_dma source(%dma_start3A_38 : memref<20000x128xf32, #tpu.memory_space<hbm>>) target(%dma_start3A_32 : memref<128x128xf32, #tpu.memory_space<vmem>>) offsets(%dma_start3A_35 : memref<128xi32, #tpu.memory_space<vmem>>) semaphore(%arg12 : memref<!tpu.dma_semaphore, #tpu.memory_space<semaphore_mem>>)
      %scan3A_39 = arith.constant 0 : i32
      %scan3A_40 = arith.constant 0 : i32
      %scan3A_41 = arith.constant 20 : i32
      %scan3A_42 = arith.addi %scan3A_40, %scan3A_41 : i32
      %scan3A_43 = arith.constant 1 : i32
      scf.for %scan3A_45 = %scan3A_40 to %scan3A_42 step %scan3A_43  : i32 {
        %mul3A_46 = arith.constant 2 : i32
        %mul3A_47 = arith.muli %scan3A_45, %mul3A_46 : i32
        %add3A_48 = arith.constant 0 : i32
        %add3A_49 = arith.addi %mul3A_47, %add3A_48 : i32
        %dma_wait3A = arith.constant 0 : i32
        %dma_wait3A_50 = arith.constant 0 : i32
        %dma_wait3A_51 = arith.constant 0 : i32
        %dma_wait3A_52 = tpu.memref_slice %arg9[%dma_wait3A, %dma_wait3A_50, %dma_wait3A_51] : memref<2x128x128xf32, #tpu.memory_space<vmem>> -> memref<1x128x128xf32, #tpu.memory_space<vmem>>
        %dma_wait3A_53 = tpu.memref_squeeze %dma_wait3A_52 : memref<1x128x128xf32, #tpu.memory_space<vmem>> -> memref<128x128xf32, #tpu.memory_space<vmem>>
        %dma_wait3A_54 = arith.constant 0 : i32
        %dma_wait3A_55 = tpu.memref_slice %arg7[%add3A_49, %dma_wait3A_54] : memref<40x128xi32, #tpu.memory_space<vmem>> -> memref<1x128xi32, #tpu.memory_space<vmem>>
        %dma_wait3A_56 = tpu.memref_squeeze %dma_wait3A_55 : memref<1x128xi32, #tpu.memory_space<vmem>> -> memref<128xi32, #tpu.memory_space<vmem>>
        %dma_wait3A_57 = arith.constant 0 : i32
        %dma_wait3A_58 = arith.constant 0 : i32
        %dma_wait3A_59 = tpu.memref_slice %arg2[%dma_wait3A_57, %dma_wait3A_58] : memref<20000x128xf32, #tpu.memory_space<hbm>> -> memref<20000x128xf32, #tpu.memory_space<hbm>>
        tpu.wait_indirect_dma semaphore(%arg11 : memref<!tpu.dma_semaphore, #tpu.memory_space<semaphore_mem>>) src(%dma_wait3A_59 : memref<20000x128xf32, #tpu.memory_space<hbm>>) dst(%dma_wait3A_53 : memref<128x128xf32, #tpu.memory_space<vmem>>)
        %run_scoped3A = arith.constant 0 : i32
        "tpu.region"() ({
          %run_scoped3A_87 = tpu.sem_alloc : memref<!tpu.dma_semaphore, #tpu.memory_space<semaphore_mem>>
          %dma_start3A_88 = arith.constant 0 : i32
          %dma_start3A_89 = arith.constant 0 : i32
          %dma_start3A_90 = tpu.memref_slice %arg9[%run_scoped3A, %dma_start3A_88, %dma_start3A_89] : memref<2x128x128xf32, #tpu.memory_space<vmem>> -> memref<1x128x128xf32, #tpu.memory_space<vmem>>
          %dma_start3A_91 = tpu.memref_squeeze %dma_start3A_90 : memref<1x128x128xf32, #tpu.memory_space<vmem>> -> memref<128x128xf32, #tpu.memory_space<vmem>>
          %dma_start3A_92 = arith.constant 0 : i32
          %dma_start3A_93 = tpu.memref_slice %arg8[%add3A_49, %dma_start3A_92] : memref<40x128xi32, #tpu.memory_space<vmem>> -> memref<1x128xi32, #tpu.memory_space<vmem>>
          %dma_start3A_94 = tpu.memref_squeeze %dma_start3A_93 : memref<1x128xi32, #tpu.memory_space<vmem>> -> memref<128xi32, #tpu.memory_space<vmem>>
          %dma_start3A_95 = arith.constant 0 : i32
          %dma_start3A_96 = arith.constant 0 : i32
          %dma_start3A_97 = tpu.memref_slice %arg10[%dma_start3A_95, %dma_start3A_96] : memref<10112x128xf32, #tpu.memory_space<vmem_shared>> -> memref<10112x128xf32, #tpu.memory_space<vmem_shared>>
          tpu.enqueue_indirect_dma source(%dma_start3A_91 : memref<128x128xf32, #tpu.memory_space<vmem>>) target(%dma_start3A_97 : memref<10112x128xf32, #tpu.memory_space<vmem_shared>>) offsets(%dma_start3A_94 : memref<128xi32, #tpu.memory_space<vmem>>) semaphore(%run_scoped3A_87 : memref<!tpu.dma_semaphore, #tpu.memory_space<semaphore_mem>>) {add = true}
          %dma_wait3A_98 = arith.constant 0 : i32
          %dma_wait3A_99 = arith.constant 0 : i32
          %dma_wait3A_100 = tpu.memref_slice %arg9[%run_scoped3A, %dma_wait3A_98, %dma_wait3A_99] : memref<2x128x128xf32, #tpu.memory_space<vmem>> -> memref<1x128x128xf32, #tpu.memory_space<vmem>>
          %dma_wait3A_101 = tpu.memref_squeeze %dma_wait3A_100 : memref<1x128x128xf32, #tpu.memory_space<vmem>> -> memref<128x128xf32, #tpu.memory_space<vmem>>
          %dma_wait3A_102 = arith.constant 0 : i32
          %dma_wait3A_103 = tpu.memref_slice %arg8[%add3A_49, %dma_wait3A_102] : memref<40x128xi32, #tpu.memory_space<vmem>> -> memref<1x128xi32, #tpu.memory_space<vmem>>
          %dma_wait3A_104 = tpu.memref_squeeze %dma_wait3A_103 : memref<1x128xi32, #tpu.memory_space<vmem>> -> memref<128xi32, #tpu.memory_space<vmem>>
          %dma_wait3A_105 = arith.constant 0 : i32
          %dma_wait3A_106 = arith.constant 0 : i32
          %dma_wait3A_107 = tpu.memref_slice %arg10[%dma_wait3A_105, %dma_wait3A_106] : memref<10112x128xf32, #tpu.memory_space<vmem_shared>> -> memref<10112x128xf32, #tpu.memory_space<vmem_shared>>
          tpu.wait_indirect_dma semaphore(%run_scoped3A_87 : memref<!tpu.dma_semaphore, #tpu.memory_space<semaphore_mem>>) src(%dma_wait3A_101 : memref<128x128xf32, #tpu.memory_space<vmem>>) dst(%dma_wait3A_107 : memref<10112x128xf32, #tpu.memory_space<vmem_shared>>)
          tpu.yield
        }) : () -> ()
        %add3A_60 = arith.constant 2 : i32
        %add3A_61 = arith.addi %add3A_49, %add3A_60 : i32
        %lt3A = arith.constant 40 : i32
        %lt3A_62 = arith.cmpi slt, %add3A_61, %lt3A : i32
        %convert_element_type3A = arith.extui %lt3A_62 : i1 to i32
        %cond3A = arith.constant 0 : i32
        %cond3A_63 = arith.cmpi ne, %convert_element_type3A, %cond3A : i32
        scf.if %cond3A_63 {
          %add3A_87 = arith.constant 2 : i32
          %add3A_88 = arith.addi %add3A_49, %add3A_87 : i32
          %dma_start3A_89 = arith.constant 0 : i32
          %dma_start3A_90 = arith.constant 0 : i32
          %dma_start3A_91 = arith.constant 0 : i32
          %dma_start3A_92 = tpu.memref_slice %arg9[%dma_start3A_89, %dma_start3A_90, %dma_start3A_91] : memref<2x128x128xf32, #tpu.memory_space<vmem>> -> memref<1x128x128xf32, #tpu.memory_space<vmem>>
          %dma_start3A_93 = tpu.memref_squeeze %dma_start3A_92 : memref<1x128x128xf32, #tpu.memory_space<vmem>> -> memref<128x128xf32, #tpu.memory_space<vmem>>
          %dma_start3A_94 = arith.constant 0 : i32
          %dma_start3A_95 = tpu.memref_slice %arg7[%add3A_88, %dma_start3A_94] : memref<40x128xi32, #tpu.memory_space<vmem>> -> memref<1x128xi32, #tpu.memory_space<vmem>>
          %dma_start3A_96 = tpu.memref_squeeze %dma_start3A_95 : memref<1x128xi32, #tpu.memory_space<vmem>> -> memref<128xi32, #tpu.memory_space<vmem>>
          %dma_start3A_97 = arith.constant 0 : i32
          %dma_start3A_98 = arith.constant 0 : i32
          %dma_start3A_99 = tpu.memref_slice %arg2[%dma_start3A_97, %dma_start3A_98] : memref<20000x128xf32, #tpu.memory_space<hbm>> -> memref<20000x128xf32, #tpu.memory_space<hbm>>
          tpu.enqueue_indirect_dma source(%dma_start3A_99 : memref<20000x128xf32, #tpu.memory_space<hbm>>) target(%dma_start3A_93 : memref<128x128xf32, #tpu.memory_space<vmem>>) offsets(%dma_start3A_96 : memref<128xi32, #tpu.memory_space<vmem>>) semaphore(%arg11 : memref<!tpu.dma_semaphore, #tpu.memory_space<semaphore_mem>>)
        } else {
        }
        %mul3A_64 = arith.constant 2 : i32
        %mul3A_65 = arith.muli %scan3A_45, %mul3A_64 : i32
        %add3A_66 = arith.constant 1 : i32
        %add3A_67 = arith.addi %mul3A_65, %add3A_66 : i32
        %dma_wait3A_68 = arith.constant 1 : i32
        %dma_wait3A_69 = arith.constant 0 : i32
        %dma_wait3A_70 = arith.constant 0 : i32
        %dma_wait3A_71 = tpu.memref_slice %arg9[%dma_wait3A_68, %dma_wait3A_69, %dma_wait3A_70] : memref<2x128x128xf32, #tpu.memory_space<vmem>> -> memref<1x128x128xf32, #tpu.memory_space<vmem>>
        %dma_wait3A_72 = tpu.memref_squeeze %dma_wait3A_71 : memref<1x128x128xf32, #tpu.memory_space<vmem>> -> memref<128x128xf32, #tpu.memory_space<vmem>>
        %dma_wait3A_73 = arith.constant 0 : i32
        %dma_wait3A_74 = tpu.memref_slice %arg7[%add3A_67, %dma_wait3A_73] : memref<40x128xi32, #tpu.memory_space<vmem>> -> memref<1x128xi32, #tpu.memory_space<vmem>>
        %dma_wait3A_75 = tpu.memref_squeeze %dma_wait3A_74 : memref<1x128xi32, #tpu.memory_space<vmem>> -> memref<128xi32, #tpu.memory_space<vmem>>
        %dma_wait3A_76 = arith.constant 0 : i32
        %dma_wait3A_77 = arith.constant 0 : i32
        %dma_wait3A_78 = tpu.memref_slice %arg2[%dma_wait3A_76, %dma_wait3A_77] : memref<20000x128xf32, #tpu.memory_space<hbm>> -> memref<20000x128xf32, #tpu.memory_space<hbm>>
        tpu.wait_indirect_dma semaphore(%arg12 : memref<!tpu.dma_semaphore, #tpu.memory_space<semaphore_mem>>) src(%dma_wait3A_78 : memref<20000x128xf32, #tpu.memory_space<hbm>>) dst(%dma_wait3A_72 : memref<128x128xf32, #tpu.memory_space<vmem>>)
        %run_scoped3A_79 = arith.constant 1 : i32
        "tpu.region"() ({
          %run_scoped3A_87 = tpu.sem_alloc : memref<!tpu.dma_semaphore, #tpu.memory_space<semaphore_mem>>
          %dma_start3A_88 = arith.constant 0 : i32
          %dma_start3A_89 = arith.constant 0 : i32
          %dma_start3A_90 = tpu.memref_slice %arg9[%run_scoped3A_79, %dma_start3A_88, %dma_start3A_89] : memref<2x128x128xf32, #tpu.memory_space<vmem>> -> memref<1x128x128xf32, #tpu.memory_space<vmem>>
          %dma_start3A_91 = tpu.memref_squeeze %dma_start3A_90 : memref<1x128x128xf32, #tpu.memory_space<vmem>> -> memref<128x128xf32, #tpu.memory_space<vmem>>
          %dma_start3A_92 = arith.constant 0 : i32
          %dma_start3A_93 = tpu.memref_slice %arg8[%add3A_67, %dma_start3A_92] : memref<40x128xi32, #tpu.memory_space<vmem>> -> memref<1x128xi32, #tpu.memory_space<vmem>>
          %dma_start3A_94 = tpu.memref_squeeze %dma_start3A_93 : memref<1x128xi32, #tpu.memory_space<vmem>> -> memref<128xi32, #tpu.memory_space<vmem>>
          %dma_start3A_95 = arith.constant 0 : i32
          %dma_start3A_96 = arith.constant 0 : i32
          %dma_start3A_97 = tpu.memref_slice %arg10[%dma_start3A_95, %dma_start3A_96] : memref<10112x128xf32, #tpu.memory_space<vmem_shared>> -> memref<10112x128xf32, #tpu.memory_space<vmem_shared>>
          tpu.enqueue_indirect_dma source(%dma_start3A_91 : memref<128x128xf32, #tpu.memory_space<vmem>>) target(%dma_start3A_97 : memref<10112x128xf32, #tpu.memory_space<vmem_shared>>) offsets(%dma_start3A_94 : memref<128xi32, #tpu.memory_space<vmem>>) semaphore(%run_scoped3A_87 : memref<!tpu.dma_semaphore, #tpu.memory_space<semaphore_mem>>) {add = true}
          %dma_wait3A_98 = arith.constant 0 : i32
          %dma_wait3A_99 = arith.constant 0 : i32
          %dma_wait3A_100 = tpu.memref_slice %arg9[%run_scoped3A_79, %dma_wait3A_98, %dma_wait3A_99] : memref<2x128x128xf32, #tpu.memory_space<vmem>> -> memref<1x128x128xf32, #tpu.memory_space<vmem>>
          %dma_wait3A_101 = tpu.memref_squeeze %dma_wait3A_100 : memref<1x128x128xf32, #tpu.memory_space<vmem>> -> memref<128x128xf32, #tpu.memory_space<vmem>>
          %dma_wait3A_102 = arith.constant 0 : i32
          %dma_wait3A_103 = tpu.memref_slice %arg8[%add3A_67, %dma_wait3A_102] : memref<40x128xi32, #tpu.memory_space<vmem>> -> memref<1x128xi32, #tpu.memory_space<vmem>>
          %dma_wait3A_104 = tpu.memref_squeeze %dma_wait3A_103 : memref<1x128xi32, #tpu.memory_space<vmem>> -> memref<128xi32, #tpu.memory_space<vmem>>
          %dma_wait3A_105 = arith.constant 0 : i32
          %dma_wait3A_106 = arith.constant 0 : i32
          %dma_wait3A_107 = tpu.memref_slice %arg10[%dma_wait3A_105, %dma_wait3A_106] : memref<10112x128xf32, #tpu.memory_space<vmem_shared>> -> memref<10112x128xf32, #tpu.memory_space<vmem_shared>>
          tpu.wait_indirect_dma semaphore(%run_scoped3A_87 : memref<!tpu.dma_semaphore, #tpu.memory_space<semaphore_mem>>) src(%dma_wait3A_101 : memref<128x128xf32, #tpu.memory_space<vmem>>) dst(%dma_wait3A_107 : memref<10112x128xf32, #tpu.memory_space<vmem_shared>>)
          tpu.yield
        }) : () -> ()
        %add3A_80 = arith.constant 2 : i32
        %add3A_81 = arith.addi %add3A_67, %add3A_80 : i32
        %lt3A_82 = arith.constant 40 : i32
        %lt3A_83 = arith.cmpi slt, %add3A_81, %lt3A_82 : i32
        %convert_element_type3A_84 = arith.extui %lt3A_83 : i1 to i32
        %cond3A_85 = arith.constant 0 : i32
        %cond3A_86 = arith.cmpi ne, %convert_element_type3A_84, %cond3A_85 : i32
        scf.if %cond3A_86 {
          %add3A_87 = arith.constant 2 : i32
          %add3A_88 = arith.addi %add3A_67, %add3A_87 : i32
          %dma_start3A_89 = arith.constant 1 : i32
          %dma_start3A_90 = arith.constant 0 : i32
          %dma_start3A_91 = arith.constant 0 : i32
          %dma_start3A_92 = tpu.memref_slice %arg9[%dma_start3A_89, %dma_start3A_90, %dma_start3A_91] : memref<2x128x128xf32, #tpu.memory_space<vmem>> -> memref<1x128x128xf32, #tpu.memory_space<vmem>>
          %dma_start3A_93 = tpu.memref_squeeze %dma_start3A_92 : memref<1x128x128xf32, #tpu.memory_space<vmem>> -> memref<128x128xf32, #tpu.memory_space<vmem>>
          %dma_start3A_94 = arith.constant 0 : i32
          %dma_start3A_95 = tpu.memref_slice %arg7[%add3A_88, %dma_start3A_94] : memref<40x128xi32, #tpu.memory_space<vmem>> -> memref<1x128xi32, #tpu.memory_space<vmem>>
          %dma_start3A_96 = tpu.memref_squeeze %dma_start3A_95 : memref<1x128xi32, #tpu.memory_space<vmem>> -> memref<128xi32, #tpu.memory_space<vmem>>
          %dma_start3A_97 = arith.constant 0 : i32
          %dma_start3A_98 = arith.constant 0 : i32
          %dma_start3A_99 = tpu.memref_slice %arg2[%dma_start3A_97, %dma_start3A_98] : memref<20000x128xf32, #tpu.memory_space<hbm>> -> memref<20000x128xf32, #tpu.memory_space<hbm>>
          tpu.enqueue_indirect_dma source(%dma_start3A_99 : memref<20000x128xf32, #tpu.memory_space<hbm>>) target(%dma_start3A_93 : memref<128x128xf32, #tpu.memory_space<vmem>>) offsets(%dma_start3A_96 : memref<128xi32, #tpu.memory_space<vmem>>) semaphore(%arg12 : memref<!tpu.dma_semaphore, #tpu.memory_space<semaphore_mem>>)
        } else {
        }
      }
      %scan3A_44 = arith.constant 20 : i32
    }
    %scan3A_5 = arith.constant 2 : i32
    %barrier3A_6 = arith.constant 0 : index
    tpu.barrier barrier_id(%barrier3A_6)
    %mul3A_7 = arith.constant 632 : i32
    %mul3A_8 = arith.muli %arg1, %mul3A_7 : i32
    %mul3A_9 = arith.constant 632 : i32
    %mul3A_10 = arith.muli %arg1, %mul3A_9 : i32
    "tpu.region"() ({
      %run_scoped3A = tpu.sem_alloc : memref<!tpu.dma_semaphore, #tpu.memory_space<semaphore_mem>>
      %dma_start3A = arith.constant 0 : i32
      %dma_start3A_11 = tpu.memref_slice %arg6[%arg0, %mul3A_10, %dma_start3A] : memref<2x10112x128xf32, #tpu.memory_space<hbm>> -> memref<1x632x128xf32, #tpu.memory_space<hbm>>
      %dma_start3A_12 = tpu.memref_squeeze %dma_start3A_11 : memref<1x632x128xf32, #tpu.memory_space<hbm>> -> memref<632x128xf32, #tpu.memory_space<hbm>>
      %dma_start3A_13 = arith.constant 0 : i32
      %dma_start3A_14 = tpu.memref_slice %arg10[%mul3A_8, %dma_start3A_13] : memref<10112x128xf32, #tpu.memory_space<vmem_shared>> -> memref<632x128xf32, #tpu.memory_space<vmem_shared>>
      tpu.enqueue_dma source(%dma_start3A_14 : memref<632x128xf32, #tpu.memory_space<vmem_shared>>) target(%dma_start3A_12 : memref<632x128xf32, #tpu.memory_space<hbm>>) target_semaphore(%run_scoped3A : memref<!tpu.dma_semaphore, #tpu.memory_space<semaphore_mem>>)
      %dma_wait3A = arith.constant 0 : i32
      %dma_wait3A_15 = tpu.memref_slice %arg6[%arg0, %mul3A_10, %dma_wait3A] : memref<2x10112x128xf32, #tpu.memory_space<hbm>> -> memref<1x632x128xf32, #tpu.memory_space<hbm>>
      %dma_wait3A_16 = tpu.memref_squeeze %dma_wait3A_15 : memref<1x632x128xf32, #tpu.memory_space<hbm>> -> memref<632x128xf32, #tpu.memory_space<hbm>>
      %dma_wait3A_17 = arith.constant 0 : i32
      %dma_wait3A_18 = tpu.memref_slice %arg10[%mul3A_8, %dma_wait3A_17] : memref<10112x128xf32, #tpu.memory_space<vmem_shared>> -> memref<632x128xf32, #tpu.memory_space<vmem_shared>>
      tpu.wait_dma2 semaphore(%run_scoped3A : memref<!tpu.dma_semaphore, #tpu.memory_space<semaphore_mem>>) src(%dma_wait3A_18 : memref<632x128xf32, #tpu.memory_space<vmem_shared>>) dst(%dma_wait3A_16 : memref<632x128xf32, #tpu.memory_space<hbm>>)
      tpu.yield
    }) : () -> ()
    return
  }
}

module attributes {stable_mosaic.version = 14 : i64} {
  func.func @_layer_body(%arg0: i32, %arg1: memref<1x1xf32, #tpu.memory_space<smem>>, %arg2: memref<2x1000x128xf32, #tpu.memory_space<vmem>>, %arg3: memref<2x1000x128xf32, #tpu.memory_space<vmem>>, %arg4: memref<256x256xf32, #tpu.memory_space<vmem>>, %arg5: memref<1x256xf32, #tpu.memory_space<vmem>>, %arg6: memref<256x256xf32, #tpu.memory_space<vmem>>, %arg7: memref<1x256xf32, #tpu.memory_space<vmem>>, %arg8: memref<1x256xf32, #tpu.memory_space<vmem>>, %arg9: memref<1x256xf32, #tpu.memory_space<vmem>>, %arg10: memref<2x1000x128xf32, #tpu.memory_space<vmem>>) attributes {dimension_semantics = [#tpu.dimension_semantics<arbitrary>], iteration_bounds = array<i64: 10>, scalar_prefetch = 0 : i64, scratch_operands = 0 : i64, tpu.core_type = #tpu.core_type<tc>, window_params = [{transform_indices = @transform_0, window_bounds = array<i64: 1, 1>}, {transform_indices = @transform_1, window_bounds = array<i64: 2, 1000, 128>}, {transform_indices = @transform_2, window_bounds = array<i64: 2, 1000, 128>}, {pipeline_mode = #tpu.pipeline_mode<synchronous>, transform_indices = @transform_3, window_bounds = array<i64: 256, 256>}, {pipeline_mode = #tpu.pipeline_mode<synchronous>, transform_indices = @transform_4, window_bounds = array<i64: 1, 256>}, {pipeline_mode = #tpu.pipeline_mode<synchronous>, transform_indices = @transform_5, window_bounds = array<i64: 256, 256>}, {pipeline_mode = #tpu.pipeline_mode<synchronous>, transform_indices = @transform_6, window_bounds = array<i64: 1, 256>}, {pipeline_mode = #tpu.pipeline_mode<synchronous>, transform_indices = @transform_7, window_bounds = array<i64: 1, 256>}, {pipeline_mode = #tpu.pipeline_mode<synchronous>, transform_indices = @transform_8, window_bounds = array<i64: 1, 256>}, {transform_indices = @transform_9, window_bounds = array<i64: 2, 1000, 128>}]} {
    %get3A = arith.constant 0 : index
    %get3A_0 = arith.constant 0 : index
    %get3A_1 = arith.constant 0 : index
    %get3A_2 = vector.load %arg2[%get3A, %get3A_0, %get3A_1] : memref<2x1000x128xf32, #tpu.memory_space<vmem>>, vector<1x1000x128xf32>
    %get3A_3 = vector.shape_cast %get3A_2 : vector<1x1000x128xf32> to vector<1000x128xf32>
    %get3A_4 = arith.constant 1 : index
    %get3A_5 = arith.constant 0 : index
    %get3A_6 = arith.constant 0 : index
    %get3A_7 = vector.load %arg2[%get3A_4, %get3A_5, %get3A_6] : memref<2x1000x128xf32, #tpu.memory_space<vmem>>, vector<1x1000x128xf32>
    %get3A_8 = vector.shape_cast %get3A_7 : vector<1x1000x128xf32> to vector<1000x128xf32>
    %concatenate3A = tpu.concatenate %get3A_3, %get3A_8 in 1 : vector<1000x128xf32>, vector<1000x128xf32> -> vector<1000x256xf32>
    %get3A_9 = arith.constant 0 : index
    %get3A_10 = arith.constant 0 : index
    %get3A_11 = arith.constant 0 : index
    %get3A_12 = vector.load %arg3[%get3A_9, %get3A_10, %get3A_11] : memref<2x1000x128xf32, #tpu.memory_space<vmem>>, vector<1x1000x128xf32>
    %get3A_13 = vector.shape_cast %get3A_12 : vector<1x1000x128xf32> to vector<1000x128xf32>
    %get3A_14 = arith.constant 1 : index
    %get3A_15 = arith.constant 0 : index
    %get3A_16 = arith.constant 0 : index
    %get3A_17 = vector.load %arg3[%get3A_14, %get3A_15, %get3A_16] : memref<2x1000x128xf32, #tpu.memory_space<vmem>>, vector<1x1000x128xf32>
    %get3A_18 = vector.shape_cast %get3A_17 : vector<1x1000x128xf32> to vector<1000x128xf32>
    %concatenate3A_19 = tpu.concatenate %get3A_13, %get3A_18 in 1 : vector<1000x128xf32>, vector<1000x128xf32> -> vector<1000x256xf32>
    %get3A_20 = arith.constant 0 : index
    %get3A_21 = arith.constant 0 : index
    %get3A_22 = memref.load %arg1[%get3A_20, %get3A_21] : memref<1x1xf32, #tpu.memory_space<smem>>
    %add3A = arith.constant 1.000000e+00 : f32
    %add3A_23 = arith.addf %add3A, %get3A_22 : f32
    %mul3A = vector.broadcast %add3A_23 : f32 to vector<1000x256xf32>
    %mul3A_24 = arith.mulf %mul3A, %concatenate3A : vector<1000x256xf32>
    %add3A_25 = arith.addf %mul3A_24, %concatenate3A_19 : vector<1000x256xf32>
    %get3A_26 = arith.constant 0 : index
    %get3A_27 = arith.constant 0 : index
    %get3A_28 = vector.load %arg4[%get3A_26, %get3A_27] : memref<256x256xf32, #tpu.memory_space<vmem>>, vector<256x256xf32>
    %dot_general3A = arith.constant dense<0.000000e+00> : vector<1000x256xf32>
    %dot_general3A_29 = tpu.matmul %add3A_25, %get3A_28, %dot_general3A {dimension_numbers = #tpu.dot_dimension_numbers<[1], [0], [0], [1], [0, 0, 1, 1], [], []>, transpose_lhs_hint = false} : vector<1000x256xf32>, vector<256x256xf32>, vector<1000x256xf32> -> vector<1000x256xf32>
    %get3A_30 = arith.constant 0 : index
    %get3A_31 = arith.constant 0 : index
    %get3A_32 = vector.load %arg5[%get3A_30, %get3A_31] : memref<1x256xf32, #tpu.memory_space<vmem>>, vector<1x256xf32>
    %add3A_33 = vector.broadcast %get3A_32 : vector<1x256xf32> to vector<1000x256xf32>
    %add3A_34 = arith.addf %dot_general3A_29, %add3A_33 : vector<1000x256xf32>
    %max3A = arith.constant 0.000000e+00 : f32
    %max3A_35 = vector.broadcast %max3A : f32 to vector<1000x256xf32>
    %max3A_36 = arith.maximumf %add3A_34, %max3A_35 : vector<1000x256xf32>
    %get3A_37 = arith.constant 0 : index
    %get3A_38 = arith.constant 0 : index
    %get3A_39 = vector.load %arg6[%get3A_37, %get3A_38] : memref<256x256xf32, #tpu.memory_space<vmem>>, vector<256x256xf32>
    %dot_general3A_40 = arith.constant dense<0.000000e+00> : vector<1000x256xf32>
    %dot_general3A_41 = tpu.matmul %max3A_36, %get3A_39, %dot_general3A_40 {dimension_numbers = #tpu.dot_dimension_numbers<[1], [0], [0], [1], [0, 0, 1, 1], [], []>, transpose_lhs_hint = false} : vector<1000x256xf32>, vector<256x256xf32>, vector<1000x256xf32> -> vector<1000x256xf32>
    %get3A_42 = arith.constant 0 : index
    %get3A_43 = arith.constant 0 : index
    %get3A_44 = vector.load %arg7[%get3A_42, %get3A_43] : memref<1x256xf32, #tpu.memory_space<vmem>>, vector<1x256xf32>
    %add3A_45 = vector.broadcast %get3A_44 : vector<1x256xf32> to vector<1000x256xf32>
    %add3A_46 = arith.addf %dot_general3A_41, %add3A_45 : vector<1000x256xf32>
    %max3A_47 = arith.constant 0.000000e+00 : f32
    %max3A_48 = vector.broadcast %max3A_47 : f32 to vector<1000x256xf32>
    %max3A_49 = arith.maximumf %add3A_46, %max3A_48 : vector<1000x256xf32>
    %get3A_50 = arith.constant 0 : index
    %get3A_51 = arith.constant 0 : index
    %get3A_52 = vector.load %arg8[%get3A_50, %get3A_51] : memref<1x256xf32, #tpu.memory_space<vmem>>, vector<1x256xf32>
    %mul3A_53 = vector.broadcast %get3A_52 : vector<1x256xf32> to vector<1000x256xf32>
    %mul3A_54 = arith.mulf %max3A_49, %mul3A_53 : vector<1000x256xf32>
    %get3A_55 = arith.constant 0 : index
    %get3A_56 = arith.constant 0 : index
    %get3A_57 = vector.load %arg9[%get3A_55, %get3A_56] : memref<1x256xf32, #tpu.memory_space<vmem>>, vector<1x256xf32>
    %add3A_58 = vector.broadcast %get3A_57 : vector<1x256xf32> to vector<1000x256xf32>
    %add3A_59 = arith.addf %mul3A_54, %add3A_58 : vector<1000x256xf32>
    %max3A_60 = arith.constant 0.000000e+00 : f32
    %max3A_61 = vector.broadcast %max3A_60 : f32 to vector<1000x256xf32>
    %max3A_62 = arith.maximumf %add3A_59, %max3A_61 : vector<1000x256xf32>
    %add3A_63 = arith.addf %max3A_62, %concatenate3A : vector<1000x256xf32>
    %slice3A = vector.extract_strided_slice %add3A_63 {offsets = [0, 0], sizes = [1000, 128], strides = [1, 1]} : vector<1000x256xf32> to vector<1000x128xf32>
    %swap3A = arith.constant 0 : index
    %swap3A_64 = arith.constant 0 : index
    %swap3A_65 = arith.constant 0 : index
    %swap3A_66 = vector.load %arg10[%swap3A, %swap3A_64, %swap3A_65] : memref<2x1000x128xf32, #tpu.memory_space<vmem>>, vector<1x1000x128xf32>
    %swap3A_67 = vector.shape_cast %swap3A_66 : vector<1x1000x128xf32> to vector<1000x128xf32>
    %swap3A_68 = vector.shape_cast %slice3A : vector<1000x128xf32> to vector<1x1000x128xf32>
    tpu.vector_store %arg10[%swap3A, %swap3A_64, %swap3A_65], %swap3A_68 {strides = array<i32>} : memref<2x1000x128xf32, #tpu.memory_space<vmem>>, vector<1x1000x128xf32>,
    %slice3A_69 = vector.extract_strided_slice %add3A_63 {offsets = [0, 128], sizes = [1000, 128], strides = [1, 1]} : vector<1000x256xf32> to vector<1000x128xf32>
    %swap3A_70 = arith.constant 1 : index
    %swap3A_71 = arith.constant 0 : index
    %swap3A_72 = arith.constant 0 : index
    %swap3A_73 = vector.load %arg10[%swap3A_70, %swap3A_71, %swap3A_72] : memref<2x1000x128xf32, #tpu.memory_space<vmem>>, vector<1x1000x128xf32>
    %swap3A_74 = vector.shape_cast %swap3A_73 : vector<1x1000x128xf32> to vector<1000x128xf32>
    %swap3A_75 = vector.shape_cast %slice3A_69 : vector<1000x128xf32> to vector<1x1000x128xf32>
    tpu.vector_store %arg10[%swap3A_70, %swap3A_71, %swap3A_72], %swap3A_75 {strides = array<i32>} : memref<2x1000x128xf32, #tpu.memory_space<vmem>>, vector<1x1000x128xf32>,
    return
  }
  func.func @transform_0(%arg0: i32) -> (i32, i32) {
    %c0_i32 = arith.constant 0 : i32
    %c0_i32_0 = arith.constant 0 : i32
    %c0_i32_1 = arith.constant 0 : i32
    return %c0_i32, %c0_i32_0 : i32, i32
  }
  func.func @transform_1(%arg0: i32) -> (i32, i32, i32) {
    %c0_i32 = arith.constant 0 : i32
    %c0_i32_0 = arith.constant 0 : i32
    %c0_i32_1 = arith.constant 0 : i32
    return %c0_i32, %arg0, %c0_i32_0 : i32, i32, i32
  }
  func.func @transform_2(%arg0: i32) -> (i32, i32, i32) {
    %c0_i32 = arith.constant 0 : i32
    %c0_i32_0 = arith.constant 0 : i32
    %c0_i32_1 = arith.constant 0 : i32
    return %c0_i32, %arg0, %c0_i32_0 : i32, i32, i32
  }
  func.func @transform_3(%arg0: i32) -> (i32, i32) {
    %c0_i32 = arith.constant 0 : i32
    %c0_i32_0 = arith.constant 0 : i32
    %c0_i32_1 = arith.constant 0 : i32
    return %c0_i32, %c0_i32_0 : i32, i32
  }
  func.func @transform_4(%arg0: i32) -> (i32, i32) {
    %c0_i32 = arith.constant 0 : i32
    %c0_i32_0 = arith.constant 0 : i32
    %c0_i32_1 = arith.constant 0 : i32
    return %c0_i32, %c0_i32_0 : i32, i32
  }
  func.func @transform_5(%arg0: i32) -> (i32, i32) {
    %c0_i32 = arith.constant 0 : i32
    %c0_i32_0 = arith.constant 0 : i32
    %c0_i32_1 = arith.constant 0 : i32
    return %c0_i32, %c0_i32_0 : i32, i32
  }
  func.func @transform_6(%arg0: i32) -> (i32, i32) {
    %c0_i32 = arith.constant 0 : i32
    %c0_i32_0 = arith.constant 0 : i32
    %c0_i32_1 = arith.constant 0 : i32
    return %c0_i32, %c0_i32_0 : i32, i32
  }
  func.func @transform_7(%arg0: i32) -> (i32, i32) {
    %c0_i32 = arith.constant 0 : i32
    %c0_i32_0 = arith.constant 0 : i32
    %c0_i32_1 = arith.constant 0 : i32
    return %c0_i32, %c0_i32_0 : i32, i32
  }
  func.func @transform_8(%arg0: i32) -> (i32, i32) {
    %c0_i32 = arith.constant 0 : i32
    %c0_i32_0 = arith.constant 0 : i32
    %c0_i32_1 = arith.constant 0 : i32
    return %c0_i32, %c0_i32_0 : i32, i32
  }
  func.func @transform_9(%arg0: i32) -> (i32, i32, i32) {
    %c0_i32 = arith.constant 0 : i32
    %c0_i32_0 = arith.constant 0 : i32
    %c0_i32_1 = arith.constant 0 : i32
    return %c0_i32, %arg0, %c0_i32_0 : i32, i32, i32
  }
}

module attributes {stable_mosaic.version = 14 : i64} {
  func.func @_layer_body(%arg0: i32, %arg1: memref<1x1xf32, #tpu.memory_space<smem>>, %arg2: memref<2x1000x128xf32, #tpu.memory_space<vmem>>, %arg3: memref<2x1000x128xf32, #tpu.memory_space<vmem>>, %arg4: memref<256x256xf32, #tpu.memory_space<vmem>>, %arg5: memref<1x256xf32, #tpu.memory_space<vmem>>, %arg6: memref<256x256xf32, #tpu.memory_space<vmem>>, %arg7: memref<1x256xf32, #tpu.memory_space<vmem>>, %arg8: memref<1x256xf32, #tpu.memory_space<vmem>>, %arg9: memref<1x256xf32, #tpu.memory_space<vmem>>, %arg10: memref<2x1000x128xf32, #tpu.memory_space<vmem>>) attributes {dimension_semantics = [#tpu.dimension_semantics<arbitrary>], iteration_bounds = array<i64: 10>, scalar_prefetch = 0 : i64, scratch_operands = 0 : i64, tpu.core_type = #tpu.core_type<tc>, window_params = [{transform_indices = @transform_0, window_bounds = array<i64: 1, 1>}, {transform_indices = @transform_1, window_bounds = array<i64: 2, 1000, 128>}, {transform_indices = @transform_2, window_bounds = array<i64: 2, 1000, 128>}, {pipeline_mode = #tpu.pipeline_mode<synchronous>, transform_indices = @transform_3, window_bounds = array<i64: 256, 256>}, {pipeline_mode = #tpu.pipeline_mode<synchronous>, transform_indices = @transform_4, window_bounds = array<i64: 1, 256>}, {pipeline_mode = #tpu.pipeline_mode<synchronous>, transform_indices = @transform_5, window_bounds = array<i64: 256, 256>}, {pipeline_mode = #tpu.pipeline_mode<synchronous>, transform_indices = @transform_6, window_bounds = array<i64: 1, 256>}, {pipeline_mode = #tpu.pipeline_mode<synchronous>, transform_indices = @transform_7, window_bounds = array<i64: 1, 256>}, {pipeline_mode = #tpu.pipeline_mode<synchronous>, transform_indices = @transform_8, window_bounds = array<i64: 1, 256>}, {transform_indices = @transform_9, window_bounds = array<i64: 2, 1000, 128>}]} {
    %get3A = arith.constant 0 : index
    %get3A_0 = arith.constant 0 : index
    %get3A_1 = arith.constant 0 : index
    %get3A_2 = vector.load %arg2[%get3A, %get3A_0, %get3A_1] : memref<2x1000x128xf32, #tpu.memory_space<vmem>>, vector<1x1000x128xf32>
    %get3A_3 = vector.shape_cast %get3A_2 : vector<1x1000x128xf32> to vector<1000x128xf32>
    %get3A_4 = arith.constant 1 : index
    %get3A_5 = arith.constant 0 : index
    %get3A_6 = arith.constant 0 : index
    %get3A_7 = vector.load %arg2[%get3A_4, %get3A_5, %get3A_6] : memref<2x1000x128xf32, #tpu.memory_space<vmem>>, vector<1x1000x128xf32>
    %get3A_8 = vector.shape_cast %get3A_7 : vector<1x1000x128xf32> to vector<1000x128xf32>
    %concatenate3A = tpu.concatenate %get3A_3, %get3A_8 in 1 : vector<1000x128xf32>, vector<1000x128xf32> -> vector<1000x256xf32>
    %get3A_9 = arith.constant 0 : index
    %get3A_10 = arith.constant 0 : index
    %get3A_11 = arith.constant 0 : index
    %get3A_12 = vector.load %arg3[%get3A_9, %get3A_10, %get3A_11] : memref<2x1000x128xf32, #tpu.memory_space<vmem>>, vector<1x1000x128xf32>
    %get3A_13 = vector.shape_cast %get3A_12 : vector<1x1000x128xf32> to vector<1000x128xf32>
    %get3A_14 = arith.constant 1 : index
    %get3A_15 = arith.constant 0 : index
    %get3A_16 = arith.constant 0 : index
    %get3A_17 = vector.load %arg3[%get3A_14, %get3A_15, %get3A_16] : memref<2x1000x128xf32, #tpu.memory_space<vmem>>, vector<1x1000x128xf32>
    %get3A_18 = vector.shape_cast %get3A_17 : vector<1x1000x128xf32> to vector<1000x128xf32>
    %concatenate3A_19 = tpu.concatenate %get3A_13, %get3A_18 in 1 : vector<1000x128xf32>, vector<1000x128xf32> -> vector<1000x256xf32>
    %get3A_20 = arith.constant 0 : index
    %get3A_21 = arith.constant 0 : index
    %get3A_22 = memref.load %arg1[%get3A_20, %get3A_21] : memref<1x1xf32, #tpu.memory_space<smem>>
    %add3A = arith.constant 1.000000e+00 : f32
    %add3A_23 = arith.addf %add3A, %get3A_22 : f32
    %mul3A = vector.broadcast %add3A_23 : f32 to vector<1000x256xf32>
    %mul3A_24 = arith.mulf %mul3A, %concatenate3A : vector<1000x256xf32>
    %add3A_25 = arith.addf %mul3A_24, %concatenate3A_19 : vector<1000x256xf32>
    %get3A_26 = arith.constant 0 : index
    %get3A_27 = arith.constant 0 : index
    %get3A_28 = vector.load %arg4[%get3A_26, %get3A_27] : memref<256x256xf32, #tpu.memory_space<vmem>>, vector<256x256xf32>
    %dot_general3A = arith.constant dense<0.000000e+00> : vector<1000x256xf32>
    %dot_general3A_29 = tpu.matmul %add3A_25, %get3A_28, %dot_general3A {dimension_numbers = #tpu.dot_dimension_numbers<[1], [0], [0], [1], [0, 0, 1, 1], [], []>, transpose_lhs_hint = false} : vector<1000x256xf32>, vector<256x256xf32>, vector<1000x256xf32> -> vector<1000x256xf32>
    %get3A_30 = arith.constant 0 : index
    %get3A_31 = arith.constant 0 : index
    %get3A_32 = vector.load %arg5[%get3A_30, %get3A_31] : memref<1x256xf32, #tpu.memory_space<vmem>>, vector<1x256xf32>
    %add3A_33 = vector.broadcast %get3A_32 : vector<1x256xf32> to vector<1000x256xf32>
    %add3A_34 = arith.addf %dot_general3A_29, %add3A_33 : vector<1000x256xf32>
    %max3A = arith.constant 0.000000e+00 : f32
    %max3A_35 = vector.broadcast %max3A : f32 to vector<1000x256xf32>
    %max3A_36 = arith.maximumf %add3A_34, %max3A_35 : vector<1000x256xf32>
    %get3A_37 = arith.constant 0 : index
    %get3A_38 = arith.constant 0 : index
    %get3A_39 = vector.load %arg6[%get3A_37, %get3A_38] : memref<256x256xf32, #tpu.memory_space<vmem>>, vector<256x256xf32>
    %dot_general3A_40 = arith.constant dense<0.000000e+00> : vector<1000x256xf32>
    %dot_general3A_41 = tpu.matmul %max3A_36, %get3A_39, %dot_general3A_40 {dimension_numbers = #tpu.dot_dimension_numbers<[1], [0], [0], [1], [0, 0, 1, 1], [], []>, transpose_lhs_hint = false} : vector<1000x256xf32>, vector<256x256xf32>, vector<1000x256xf32> -> vector<1000x256xf32>
    %get3A_42 = arith.constant 0 : index
    %get3A_43 = arith.constant 0 : index
    %get3A_44 = vector.load %arg7[%get3A_42, %get3A_43] : memref<1x256xf32, #tpu.memory_space<vmem>>, vector<1x256xf32>
    %add3A_45 = vector.broadcast %get3A_44 : vector<1x256xf32> to vector<1000x256xf32>
    %add3A_46 = arith.addf %dot_general3A_41, %add3A_45 : vector<1000x256xf32>
    %add3A_47 = arith.addf %add3A_46, %concatenate3A : vector<1000x256xf32>
    %slice3A = vector.extract_strided_slice %add3A_47 {offsets = [0, 0], sizes = [1000, 128], strides = [1, 1]} : vector<1000x256xf32> to vector<1000x128xf32>
    %swap3A = arith.constant 0 : index
    %swap3A_48 = arith.constant 0 : index
    %swap3A_49 = arith.constant 0 : index
    %swap3A_50 = vector.load %arg10[%swap3A, %swap3A_48, %swap3A_49] : memref<2x1000x128xf32, #tpu.memory_space<vmem>>, vector<1x1000x128xf32>
    %swap3A_51 = vector.shape_cast %swap3A_50 : vector<1x1000x128xf32> to vector<1000x128xf32>
    %swap3A_52 = vector.shape_cast %slice3A : vector<1000x128xf32> to vector<1x1000x128xf32>
    tpu.vector_store %arg10[%swap3A, %swap3A_48, %swap3A_49], %swap3A_52 {strides = array<i32>} : memref<2x1000x128xf32, #tpu.memory_space<vmem>>, vector<1x1000x128xf32>,
    %slice3A_53 = vector.extract_strided_slice %add3A_47 {offsets = [0, 128], sizes = [1000, 128], strides = [1, 1]} : vector<1000x256xf32> to vector<1000x128xf32>
    %swap3A_54 = arith.constant 1 : index
    %swap3A_55 = arith.constant 0 : index
    %swap3A_56 = arith.constant 0 : index
    %swap3A_57 = vector.load %arg10[%swap3A_54, %swap3A_55, %swap3A_56] : memref<2x1000x128xf32, #tpu.memory_space<vmem>>, vector<1x1000x128xf32>
    %swap3A_58 = vector.shape_cast %swap3A_57 : vector<1x1000x128xf32> to vector<1000x128xf32>
    %swap3A_59 = vector.shape_cast %slice3A_53 : vector<1000x128xf32> to vector<1x1000x128xf32>
    tpu.vector_store %arg10[%swap3A_54, %swap3A_55, %swap3A_56], %swap3A_59 {strides = array<i32>} : memref<2x1000x128xf32, #tpu.memory_space<vmem>>, vector<1x1000x128xf32>,
    return
  }
  func.func @transform_0(%arg0: i32) -> (i32, i32) {
    %c0_i32 = arith.constant 0 : i32
    %c0_i32_0 = arith.constant 0 : i32
    %c0_i32_1 = arith.constant 0 : i32
    return %c0_i32, %c0_i32_0 : i32, i32
  }
  func.func @transform_1(%arg0: i32) -> (i32, i32, i32) {
    %c0_i32 = arith.constant 0 : i32
    %c0_i32_0 = arith.constant 0 : i32
    %c0_i32_1 = arith.constant 0 : i32
    return %c0_i32, %arg0, %c0_i32_0 : i32, i32, i32
  }
  func.func @transform_2(%arg0: i32) -> (i32, i32, i32) {
    %c0_i32 = arith.constant 0 : i32
    %c0_i32_0 = arith.constant 0 : i32
    %c0_i32_1 = arith.constant 0 : i32
    return %c0_i32, %arg0, %c0_i32_0 : i32, i32, i32
  }
  func.func @transform_3(%arg0: i32) -> (i32, i32) {
    %c0_i32 = arith.constant 0 : i32
    %c0_i32_0 = arith.constant 0 : i32
    %c0_i32_1 = arith.constant 0 : i32
    return %c0_i32, %c0_i32_0 : i32, i32
  }
  func.func @transform_4(%arg0: i32) -> (i32, i32) {
    %c0_i32 = arith.constant 0 : i32
    %c0_i32_0 = arith.constant 0 : i32
    %c0_i32_1 = arith.constant 0 : i32
    return %c0_i32, %c0_i32_0 : i32, i32
  }
  func.func @transform_5(%arg0: i32) -> (i32, i32) {
    %c0_i32 = arith.constant 0 : i32
    %c0_i32_0 = arith.constant 0 : i32
    %c0_i32_1 = arith.constant 0 : i32
    return %c0_i32, %c0_i32_0 : i32, i32
  }
  func.func @transform_6(%arg0: i32) -> (i32, i32) {
    %c0_i32 = arith.constant 0 : i32
    %c0_i32_0 = arith.constant 0 : i32
    %c0_i32_1 = arith.constant 0 : i32
    return %c0_i32, %c0_i32_0 : i32, i32
  }
  func.func @transform_7(%arg0: i32) -> (i32, i32) {
    %c0_i32 = arith.constant 0 : i32
    %c0_i32_0 = arith.constant 0 : i32
    %c0_i32_1 = arith.constant 0 : i32
    return %c0_i32, %c0_i32_0 : i32, i32
  }
  func.func @transform_8(%arg0: i32) -> (i32, i32) {
    %c0_i32 = arith.constant 0 : i32
    %c0_i32_0 = arith.constant 0 : i32
    %c0_i32_1 = arith.constant 0 : i32
    return %c0_i32, %c0_i32_0 : i32, i32
  }
  func.func @transform_9(%arg0: i32) -> (i32, i32, i32) {
    %c0_i32 = arith.constant 0 : i32
    %c0_i32_0 = arith.constant 0 : i32
    %c0_i32_1 = arith.constant 0 : i32
    return %c0_i32, %arg0, %c0_i32_0 : i32, i32, i32
  }
}

module attributes {stable_mosaic.version = 14 : i64} {
  func.func @_head_body(%arg0: i32, %arg1: memref<2x1000x128xf32, #tpu.memory_space<vmem>>, %arg2: memref<1x256xf32, #tpu.memory_space<vmem>>, %arg3: memref<1x256xf32, #tpu.memory_space<vmem>>, %arg4: memref<256x512xf32, #tpu.memory_space<vmem>>, %arg5: memref<1x512xf32, #tpu.memory_space<vmem>>, %arg6: memref<1x512xf32, #tpu.memory_space<vmem>>, %arg7: memref<1x512xf32, #tpu.memory_space<vmem>>, %arg8: memref<512x256xf32, #tpu.memory_space<vmem>>, %arg9: memref<1x256xf32, #tpu.memory_space<vmem>>, %arg10: memref<1x256xf32, #tpu.memory_space<vmem>>, %arg11: memref<1x256xf32, #tpu.memory_space<vmem>>, %arg12: memref<1000x256xf32, #tpu.memory_space<vmem>>) attributes {dimension_semantics = [#tpu.dimension_semantics<arbitrary>], iteration_bounds = array<i64: 10>, scalar_prefetch = 0 : i64, scratch_operands = 0 : i64, tpu.core_type = #tpu.core_type<tc>, window_params = [{transform_indices = @transform_0, window_bounds = array<i64: 2, 1000, 128>}, {pipeline_mode = #tpu.pipeline_mode<synchronous>, transform_indices = @transform_1, window_bounds = array<i64: 1, 256>}, {pipeline_mode = #tpu.pipeline_mode<synchronous>, transform_indices = @transform_2, window_bounds = array<i64: 1, 256>}, {pipeline_mode = #tpu.pipeline_mode<synchronous>, transform_indices = @transform_3, window_bounds = array<i64: 256, 512>}, {pipeline_mode = #tpu.pipeline_mode<synchronous>, transform_indices = @transform_4, window_bounds = array<i64: 1, 512>}, {pipeline_mode = #tpu.pipeline_mode<synchronous>, transform_indices = @transform_5, window_bounds = array<i64: 1, 512>}, {pipeline_mode = #tpu.pipeline_mode<synchronous>, transform_indices = @transform_6, window_bounds = array<i64: 1, 512>}, {pipeline_mode = #tpu.pipeline_mode<synchronous>, transform_indices = @transform_7, window_bounds = array<i64: 512, 256>}, {pipeline_mode = #tpu.pipeline_mode<synchronous>, transform_indices = @transform_8, window_bounds = array<i64: 1, 256>}, {pipeline_mode = #tpu.pipeline_mode<synchronous>, transform_indices = @transform_9, window_bounds = array<i64: 1, 256>}, {pipeline_mode = #tpu.pipeline_mode<synchronous>, transform_indices = @transform_10, window_bounds = array<i64: 1, 256>}, {transform_indices = @transform_11, window_bounds = array<i64: 1000, 256>}]} {
    %get3A = arith.constant 0 : index
    %get3A_0 = arith.constant 0 : index
    %get3A_1 = arith.constant 0 : index
    %get3A_2 = vector.load %arg1[%get3A, %get3A_0, %get3A_1] : memref<2x1000x128xf32, #tpu.memory_space<vmem>>, vector<1x1000x128xf32>
    %get3A_3 = vector.shape_cast %get3A_2 : vector<1x1000x128xf32> to vector<1000x128xf32>
    %get3A_4 = arith.constant 1 : index
    %get3A_5 = arith.constant 0 : index
    %get3A_6 = arith.constant 0 : index
    %get3A_7 = vector.load %arg1[%get3A_4, %get3A_5, %get3A_6] : memref<2x1000x128xf32, #tpu.memory_space<vmem>>, vector<1x1000x128xf32>
    %get3A_8 = vector.shape_cast %get3A_7 : vector<1x1000x128xf32> to vector<1000x128xf32>
    %concatenate3A = tpu.concatenate %get3A_3, %get3A_8 in 1 : vector<1000x128xf32>, vector<1000x128xf32> -> vector<1000x256xf32>
    %get3A_9 = arith.constant 0 : index
    %get3A_10 = arith.constant 0 : index
    %get3A_11 = vector.load %arg2[%get3A_9, %get3A_10] : memref<1x256xf32, #tpu.memory_space<vmem>>, vector<1x256xf32>
    %get3A_12 = arith.constant 0 : index
    %get3A_13 = arith.constant 0 : index
    %get3A_14 = vector.load %arg3[%get3A_12, %get3A_13] : memref<1x256xf32, #tpu.memory_space<vmem>>, vector<1x256xf32>
    %reduce_sum3A = arith.constant dense<0.000000e+00> : vector<1000xf32>
    %reduce_sum3A_15 = vector.multi_reduction <add>, %concatenate3A, %reduce_sum3A [1] : vector<1000x256xf32> to vector<1000xf32>
    %broadcast_in_dim3A = vector.shape_cast %reduce_sum3A_15 : vector<1000xf32> to vector<1000x1xf32>
    %div3A = arith.constant 2.560000e+02 : f32
    %div3A_16 = vector.broadcast %div3A : f32 to vector<1000x1xf32>
    %div3A_17 = arith.divf %broadcast_in_dim3A, %div3A_16 : vector<1000x1xf32>
    %sub3A = vector.broadcast %div3A_17 : vector<1000x1xf32> to vector<1000x256xf32>
    %sub3A_18 = arith.subf %concatenate3A, %sub3A : vector<1000x256xf32>
    %integer_pow3A = arith.mulf %sub3A_18, %sub3A_18 : vector<1000x256xf32>
    %reduce_sum3A_19 = arith.constant dense<0.000000e+00> : vector<1000xf32>
    %reduce_sum3A_20 = vector.multi_reduction <add>, %integer_pow3A, %reduce_sum3A_19 [1] : vector<1000x256xf32> to vector<1000xf32>
    %broadcast_in_dim3A_21 = vector.shape_cast %reduce_sum3A_20 : vector<1000xf32> to vector<1000x1xf32>
    %div3A_22 = arith.constant 2.560000e+02 : f32
    %div3A_23 = vector.broadcast %div3A_22 : f32 to vector<1000x1xf32>
    %div3A_24 = arith.divf %broadcast_in_dim3A_21, %div3A_23 : vector<1000x1xf32>
    %sub3A_25 = vector.broadcast %div3A_17 : vector<1000x1xf32> to vector<1000x256xf32>
    %sub3A_26 = arith.subf %concatenate3A, %sub3A_25 : vector<1000x256xf32>
    %add3A = arith.constant 9.99999974E-6 : f32
    %add3A_27 = vector.broadcast %add3A : f32 to vector<1000x1xf32>
    %add3A_28 = arith.addf %div3A_24, %add3A_27 : vector<1000x1xf32>
    %sqrt3A = math.sqrt %add3A_28 : vector<1000x1xf32>
    %div3A_29 = vector.broadcast %sqrt3A : vector<1000x1xf32> to vector<1000x256xf32>
    %div3A_30 = arith.divf %sub3A_26, %div3A_29 : vector<1000x256xf32>
    %mul3A = vector.broadcast %get3A_11 : vector<1x256xf32> to vector<1000x256xf32>
    %mul3A_31 = arith.mulf %div3A_30, %mul3A : vector<1000x256xf32>
    %add3A_32 = vector.broadcast %get3A_14 : vector<1x256xf32> to vector<1000x256xf32>
    %add3A_33 = arith.addf %mul3A_31, %add3A_32 : vector<1000x256xf32>
    %get3A_34 = arith.constant 0 : index
    %get3A_35 = arith.constant 0 : index
    %get3A_36 = vector.load %arg4[%get3A_34, %get3A_35] : memref<256x512xf32, #tpu.memory_space<vmem>>, vector<256x512xf32>
    %dot_general3A = arith.constant dense<0.000000e+00> : vector<1000x512xf32>
    %dot_general3A_37 = tpu.matmul %add3A_33, %get3A_36, %dot_general3A {dimension_numbers = #tpu.dot_dimension_numbers<[1], [0], [0], [1], [0, 0, 1, 1], [], []>, transpose_lhs_hint = false} : vector<1000x256xf32>, vector<256x512xf32>, vector<1000x512xf32> -> vector<1000x512xf32>
    %get3A_38 = arith.constant 0 : index
    %get3A_39 = arith.constant 0 : index
    %get3A_40 = vector.load %arg5[%get3A_38, %get3A_39] : memref<1x512xf32, #tpu.memory_space<vmem>>, vector<1x512xf32>
    %add3A_41 = vector.broadcast %get3A_40 : vector<1x512xf32> to vector<1000x512xf32>
    %add3A_42 = arith.addf %dot_general3A_37, %add3A_41 : vector<1000x512xf32>
    %get3A_43 = arith.constant 0 : index
    %get3A_44 = arith.constant 0 : index
    %get3A_45 = vector.load %arg6[%get3A_43, %get3A_44] : memref<1x512xf32, #tpu.memory_space<vmem>>, vector<1x512xf32>
    %get3A_46 = arith.constant 0 : index
    %get3A_47 = arith.constant 0 : index
    %get3A_48 = vector.load %arg7[%get3A_46, %get3A_47] : memref<1x512xf32, #tpu.memory_space<vmem>>, vector<1x512xf32>
    %reduce_sum3A_49 = arith.constant dense<0.000000e+00> : vector<1000xf32>
    %reduce_sum3A_50 = vector.multi_reduction <add>, %add3A_42, %reduce_sum3A_49 [1] : vector<1000x512xf32> to vector<1000xf32>
    %broadcast_in_dim3A_51 = vector.shape_cast %reduce_sum3A_50 : vector<1000xf32> to vector<1000x1xf32>
    %div3A_52 = arith.constant 5.120000e+02 : f32
    %div3A_53 = vector.broadcast %div3A_52 : f32 to vector<1000x1xf32>
    %div3A_54 = arith.divf %broadcast_in_dim3A_51, %div3A_53 : vector<1000x1xf32>
    %sub3A_55 = vector.broadcast %div3A_54 : vector<1000x1xf32> to vector<1000x512xf32>
    %sub3A_56 = arith.subf %add3A_42, %sub3A_55 : vector<1000x512xf32>
    %integer_pow3A_57 = arith.mulf %sub3A_56, %sub3A_56 : vector<1000x512xf32>
    %reduce_sum3A_58 = arith.constant dense<0.000000e+00> : vector<1000xf32>
    %reduce_sum3A_59 = vector.multi_reduction <add>, %integer_pow3A_57, %reduce_sum3A_58 [1] : vector<1000x512xf32> to vector<1000xf32>
    %broadcast_in_dim3A_60 = vector.shape_cast %reduce_sum3A_59 : vector<1000xf32> to vector<1000x1xf32>
    %div3A_61 = arith.constant 5.120000e+02 : f32
    %div3A_62 = vector.broadcast %div3A_61 : f32 to vector<1000x1xf32>
    %div3A_63 = arith.divf %broadcast_in_dim3A_60, %div3A_62 : vector<1000x1xf32>
    %sub3A_64 = vector.broadcast %div3A_54 : vector<1000x1xf32> to vector<1000x512xf32>
    %sub3A_65 = arith.subf %add3A_42, %sub3A_64 : vector<1000x512xf32>
    %add3A_66 = arith.constant 9.99999974E-6 : f32
    %add3A_67 = vector.broadcast %add3A_66 : f32 to vector<1000x1xf32>
    %add3A_68 = arith.addf %div3A_63, %add3A_67 : vector<1000x1xf32>
    %sqrt3A_69 = math.sqrt %add3A_68 : vector<1000x1xf32>
    %div3A_70 = vector.broadcast %sqrt3A_69 : vector<1000x1xf32> to vector<1000x512xf32>
    %div3A_71 = arith.divf %sub3A_65, %div3A_70 : vector<1000x512xf32>
    %mul3A_72 = vector.broadcast %get3A_45 : vector<1x512xf32> to vector<1000x512xf32>
    %mul3A_73 = arith.mulf %div3A_71, %mul3A_72 : vector<1000x512xf32>
    %add3A_74 = vector.broadcast %get3A_48 : vector<1x512xf32> to vector<1000x512xf32>
    %add3A_75 = arith.addf %mul3A_73, %add3A_74 : vector<1000x512xf32>
    %max3A = arith.constant 0.000000e+00 : f32
    %max3A_76 = vector.broadcast %max3A : f32 to vector<1000x512xf32>
    %max3A_77 = arith.maximumf %add3A_75, %max3A_76 : vector<1000x512xf32>
    %get3A_78 = arith.constant 0 : index
    %get3A_79 = arith.constant 0 : index
    %get3A_80 = vector.load %arg8[%get3A_78, %get3A_79] : memref<512x256xf32, #tpu.memory_space<vmem>>, vector<512x256xf32>
    %dot_general3A_81 = arith.constant dense<0.000000e+00> : vector<1000x256xf32>
    %dot_general3A_82 = tpu.matmul %max3A_77, %get3A_80, %dot_general3A_81 {dimension_numbers = #tpu.dot_dimension_numbers<[1], [0], [0], [1], [0, 0, 1, 1], [], []>, transpose_lhs_hint = false} : vector<1000x512xf32>, vector<512x256xf32>, vector<1000x256xf32> -> vector<1000x256xf32>
    %get3A_83 = arith.constant 0 : index
    %get3A_84 = arith.constant 0 : index
    %get3A_85 = vector.load %arg9[%get3A_83, %get3A_84] : memref<1x256xf32, #tpu.memory_space<vmem>>, vector<1x256xf32>
    %add3A_86 = vector.broadcast %get3A_85 : vector<1x256xf32> to vector<1000x256xf32>
    %add3A_87 = arith.addf %dot_general3A_82, %add3A_86 : vector<1000x256xf32>
    %get3A_88 = arith.constant 0 : index
    %get3A_89 = arith.constant 0 : index
    %get3A_90 = vector.load %arg10[%get3A_88, %get3A_89] : memref<1x256xf32, #tpu.memory_space<vmem>>, vector<1x256xf32>
    %get3A_91 = arith.constant 0 : index
    %get3A_92 = arith.constant 0 : index
    %get3A_93 = vector.load %arg11[%get3A_91, %get3A_92] : memref<1x256xf32, #tpu.memory_space<vmem>>, vector<1x256xf32>
    %reduce_sum3A_94 = arith.constant dense<0.000000e+00> : vector<1000xf32>
    %reduce_sum3A_95 = vector.multi_reduction <add>, %add3A_87, %reduce_sum3A_94 [1] : vector<1000x256xf32> to vector<1000xf32>
    %broadcast_in_dim3A_96 = vector.shape_cast %reduce_sum3A_95 : vector<1000xf32> to vector<1000x1xf32>
    %div3A_97 = arith.constant 2.560000e+02 : f32
    %div3A_98 = vector.broadcast %div3A_97 : f32 to vector<1000x1xf32>
    %div3A_99 = arith.divf %broadcast_in_dim3A_96, %div3A_98 : vector<1000x1xf32>
    %sub3A_100 = vector.broadcast %div3A_99 : vector<1000x1xf32> to vector<1000x256xf32>
    %sub3A_101 = arith.subf %add3A_87, %sub3A_100 : vector<1000x256xf32>
    %integer_pow3A_102 = arith.mulf %sub3A_101, %sub3A_101 : vector<1000x256xf32>
    %reduce_sum3A_103 = arith.constant dense<0.000000e+00> : vector<1000xf32>
    %reduce_sum3A_104 = vector.multi_reduction <add>, %integer_pow3A_102, %reduce_sum3A_103 [1] : vector<1000x256xf32> to vector<1000xf32>
    %broadcast_in_dim3A_105 = vector.shape_cast %reduce_sum3A_104 : vector<1000xf32> to vector<1000x1xf32>
    %div3A_106 = arith.constant 2.560000e+02 : f32
    %div3A_107 = vector.broadcast %div3A_106 : f32 to vector<1000x1xf32>
    %div3A_108 = arith.divf %broadcast_in_dim3A_105, %div3A_107 : vector<1000x1xf32>
    %sub3A_109 = vector.broadcast %div3A_99 : vector<1000x1xf32> to vector<1000x256xf32>
    %sub3A_110 = arith.subf %add3A_87, %sub3A_109 : vector<1000x256xf32>
    %add3A_111 = arith.constant 9.99999974E-6 : f32
    %add3A_112 = vector.broadcast %add3A_111 : f32 to vector<1000x1xf32>
    %add3A_113 = arith.addf %div3A_108, %add3A_112 : vector<1000x1xf32>
    %sqrt3A_114 = math.sqrt %add3A_113 : vector<1000x1xf32>
    %div3A_115 = vector.broadcast %sqrt3A_114 : vector<1000x1xf32> to vector<1000x256xf32>
    %div3A_116 = arith.divf %sub3A_110, %div3A_115 : vector<1000x256xf32>
    %mul3A_117 = vector.broadcast %get3A_90 : vector<1x256xf32> to vector<1000x256xf32>
    %mul3A_118 = arith.mulf %div3A_116, %mul3A_117 : vector<1000x256xf32>
    %add3A_119 = vector.broadcast %get3A_93 : vector<1x256xf32> to vector<1000x256xf32>
    %add3A_120 = arith.addf %mul3A_118, %add3A_119 : vector<1000x256xf32>
    %max3A_121 = arith.constant 0.000000e+00 : f32
    %max3A_122 = vector.broadcast %max3A_121 : f32 to vector<1000x256xf32>
    %max3A_123 = arith.maximumf %add3A_120, %max3A_122 : vector<1000x256xf32>
    %swap3A = arith.constant 0 : index
    %swap3A_124 = arith.constant 0 : index
    %swap3A_125 = vector.load %arg12[%swap3A, %swap3A_124] : memref<1000x256xf32, #tpu.memory_space<vmem>>, vector<1000x256xf32>
    tpu.vector_store %arg12[%swap3A, %swap3A_124], %max3A_123 {strides = array<i32>} : memref<1000x256xf32, #tpu.memory_space<vmem>>, vector<1000x256xf32>,
    return
  }
  func.func @transform_0(%arg0: i32) -> (i32, i32, i32) {
    %c0_i32 = arith.constant 0 : i32
    %c0_i32_0 = arith.constant 0 : i32
    %c0_i32_1 = arith.constant 0 : i32
    return %c0_i32, %arg0, %c0_i32_0 : i32, i32, i32
  }
  func.func @transform_1(%arg0: i32) -> (i32, i32) {
    %c0_i32 = arith.constant 0 : i32
    %c0_i32_0 = arith.constant 0 : i32
    %c0_i32_1 = arith.constant 0 : i32
    return %c0_i32, %c0_i32_0 : i32, i32
  }
  func.func @transform_2(%arg0: i32) -> (i32, i32) {
    %c0_i32 = arith.constant 0 : i32
    %c0_i32_0 = arith.constant 0 : i32
    %c0_i32_1 = arith.constant 0 : i32
    return %c0_i32, %c0_i32_0 : i32, i32
  }
  func.func @transform_3(%arg0: i32) -> (i32, i32) {
    %c0_i32 = arith.constant 0 : i32
    %c0_i32_0 = arith.constant 0 : i32
    %c0_i32_1 = arith.constant 0 : i32
    return %c0_i32, %c0_i32_0 : i32, i32
  }
  func.func @transform_4(%arg0: i32) -> (i32, i32) {
    %c0_i32 = arith.constant 0 : i32
    %c0_i32_0 = arith.constant 0 : i32
    %c0_i32_1 = arith.constant 0 : i32
    return %c0_i32, %c0_i32_0 : i32, i32
  }
  func.func @transform_5(%arg0: i32) -> (i32, i32) {
    %c0_i32 = arith.constant 0 : i32
    %c0_i32_0 = arith.constant 0 : i32
    %c0_i32_1 = arith.constant 0 : i32
    return %c0_i32, %c0_i32_0 : i32, i32
  }
  func.func @transform_6(%arg0: i32) -> (i32, i32) {
    %c0_i32 = arith.constant 0 : i32
    %c0_i32_0 = arith.constant 0 : i32
    %c0_i32_1 = arith.constant 0 : i32
    return %c0_i32, %c0_i32_0 : i32, i32
  }
  func.func @transform_7(%arg0: i32) -> (i32, i32) {
    %c0_i32 = arith.constant 0 : i32
    %c0_i32_0 = arith.constant 0 : i32
    %c0_i32_1 = arith.constant 0 : i32
    return %c0_i32, %c0_i32_0 : i32, i32
  }
  func.func @transform_8(%arg0: i32) -> (i32, i32) {
    %c0_i32 = arith.constant 0 : i32
    %c0_i32_0 = arith.constant 0 : i32
    %c0_i32_1 = arith.constant 0 : i32
    return %c0_i32, %c0_i32_0 : i32, i32
  }
  func.func @transform_9(%arg0: i32) -> (i32, i32) {
    %c0_i32 = arith.constant 0 : i32
    %c0_i32_0 = arith.constant 0 : i32
    %c0_i32_1 = arith.constant 0 : i32
    return %c0_i32, %c0_i32_0 : i32, i32
  }
  func.func @transform_10(%arg0: i32) -> (i32, i32) {
    %c0_i32 = arith.constant 0 : i32
    %c0_i32_0 = arith.constant 0 : i32
    %c0_i32_1 = arith.constant 0 : i32
    return %c0_i32, %c0_i32_0 : i32, i32
  }
  func.func @transform_11(%arg0: i32) -> (i32, i32) {
    %c0_i32 = arith.constant 0 : i32
    %c0_i32_0 = arith.constant 0 : i32
    return %arg0, %c0_i32 : i32, i32
  }
}

</mosaic_0001>

<sc_bundles>
// kernel: kernel.11.cloned.1.call-start
scs
__scs_entry_jumppad:
0x0: {  	(pc) =	sbr.rel $0x88, $3  }
0x1: {  	(tag) =	ssettag $0x0;
	lr =	simm.s32 $0x1  }
0x2: {  	[smem:$0x3F54] =	sst lr;
	_ =	strace $0xD0000000  }
0x3: {  	_ = 	snop  }
0x4: {  	_ = 	snop  }
0x5: {  	_ = 	snop  }
0x6: {  	_ = 	snop  }
0x7: {  	_ = 	snop  }
__scs_overlays_trampoline_lowered:
0x8: {  	[smem:$0x3F63] =	sst s0  }
0x9: {  	[smem:$0x3F64] =	sst s1  }
0xa: {  	[smem:$0x3F65] =	sst s2  }
0xb: {  	[smem:$0x3F66] =	sst s3  }
0xc: {  	[smem:$0x3F67] =	sst s4  }
0xd: {  	[smem:$0x3F68] =	sst s5  }
0xe: {  	[smem:$0x3F69] =	sst s6  }
0xf: {  	[smem:$0x3F6A] =	sst s7  }
0x10: {  	[smem:$0x3F6B] =	sst s8  }
0x11: {  	[smem:$0x3F6C] =	sst s9;
	s0 =	simm.s32 @!p0 $0x0  }
0x12: {  	s1 =	sld [smem:$0x3F52];
	s0 =	simm.s32 @p0 $0x1  }
0x13: {  	[smem:$0x3F6D] =	sst s0;
	s0 =	simm.s32 @!p1 $0x0  }
0x14: {  	s2 =	sld [smem:$0x3F51];
	s0 =	simm.s32 @p1 $0x1  }
0x15: {  	[smem:$0x3F6E] =	sst s0;
	s0 =	simm.s32 @!p2 $0x0  }
0x16: {  	s3 =	sld [smem:$0x3FDB];
	s0 =	simm.s32 @p2 $0x1  }
0x17: {  	s4 =	simm.s32 $0x1BF5;
	[smem:$0x3F70] =	sst s0  }
0x18: {  	s0 =	sld [smem:$0x3F53];
	_ =	swait.ge [sflag:s4], $0x0  }
0x19: {  	s7 =	sld [smem:$0x3F54]  }
0x1a: {  	s8 =	sadd.s32 $0xFFFFE003, lr  }
0x1b: {  	s9 =	sadd.s32 $0xFFFFFEF7, lr;
	s5 =	simm.s32 $0xFFFFFFFF;
	p2 =	slt.u32 s8, $0xFFFFF086  }
0x1c: {  	p1 =	slt.u32 s9, $0xF7A;
	s5 =	simm.s32 @!p2 $0x0  }
0x1d: {  	s5 =	simm.s32 @p1 $0x1;
	p0 =	seq.s32 s7, s2  }
0x1e: {  	s7 =	smul.u32 @!p0 $0xF7A, s2;
	p2 =	seq.s32 @!p0 s5, $0x0  }
0x1f: {  	s9 =	smul.u32 $0xF7A, s1;
	s8 =	simm.s32 @!p0 $0x1BF5;
	p2 =	por !p2, p0  }
0x20: {  	[sflag:s8] =	ssyncset.s32 @!p0 $0xFFFFF086;
	s6 =	sadd.s32 @!p0 s3, s7;
	s7 =	simm.s32 @!p0 $0x108  }
0x21: {  	s3 =	sadd.s32 s3, s9;
	s6 =	sadd.s32 @!p0 $0x88, s6;
	s7 =	simm.s32 @p2 $0x1082  }
0x22: {  	[simem:s7], [sflag:s8] =	dma.local @!p0 [hbm:s6], $0xF7A  }
0x23: {  	s9 =	sor.u32 $0xD0000000, s2;
	s6 =	simm.s32 $0x108;
	_ =	swait.ge @!p0 [sflag:s8], $0x0  }
0x24: {  	s3 =	sadd.s32 $0x88, s3;
	s6 =	simm.s32 @!p1 $0x1082;
	[sflag:s4] =	ssyncset.s32 $0xFFFFF086  }
0x25: {  	[simem:s6], [sflag:s4] =	dma.local [hbm:s3], $0xF7A  }
0x26: {  	[smem:$0x3F54] =	sst s1;
	(tag) =	ssettag s2;
	_ =	strace s9  }
0x27: {  	s1 =	sld [smem:$0x3F64]  }
0x28: {  	s2 =	sld [smem:$0x3F65]  }
0x29: {  	s4 =	sld [smem:$0x3F67]  }
0x2a: {  	p0 =	seq.s32 s5, $0x0;
	s5 =	sld [smem:$0x3F68]  }
0x2b: {  	s6 =	sld [smem:$0x3F69]  }
0x2c: {  	s7 =	sld [smem:$0x3F6A]  }
0x2d: {  	s3 =	simm.s32 $0x108;
	s8 =	sld [smem:$0x3F6B]  }
0x2e: {  	s3 =	simm.s32 @!p0 $0x1082;
	s9 =	sld [smem:$0x3F6C]  }
0x2f: {  	lr =	sadd.s32 s0, s3;
	s0 =	sld [smem:$0x3F63]  }
0x30: {  	s3 =	sld [smem:$0x3F66]  }
0x31: {  	[smem:$0x3F6F] =	sst s10  }
0x32: {  	s10 =	sld [smem:$0x3F6D];
	_ =	sdelay $0x3  }
0x33: {  	p0 =	seq.s32 s10, $0x1;
	s10 =	sld [smem:$0x3F6F];
	_ =	sdelay $0x3  }
0x34: {  	[smem:$0x3F6F] =	sst s10  }
0x35: {  	s10 =	sld [smem:$0x3F6E];
	_ =	sdelay $0x3  }
0x36: {  	p1 =	seq.s32 s10, $0x1;
	s10 =	sld [smem:$0x3F6F];
	_ =	sdelay $0x3  }
0x37: {  	[smem:$0x3F6F] =	sst s10  }
0x38: {  	s10 =	sld [smem:$0x3F70]  }
0x39: {  	_ = 	snop;
	(pc) =	sbr.ind lr, $3  }
0x3a: {  	_ = 	snop  }
0x3b: {  	_ = 	snop  }
0x3c: {  	p2 =	seq.s32 s10, $0x1;
	s10 =	sld [smem:$0x3F6F]  }
0x3d: {  	_ =	shalt  }
0x3e: {  	_ =	shalt  }
0x3f: {  	_ =	shalt  }
0x40: {  	_ =	shalt  }
0x41: {  	_ =	shalt  }
0x42: {  	_ =	shalt  }
0x43: {  	_ =	shalt  }
0x44: {  	_ =	shalt  }
0x45: {  	_ =	shalt  }
0x46: {  	_ =	shalt  }
0x47: {  	_ =	shalt  }
0x48: {  	_ =	shalt  }
0x49: {  	_ =	shalt  }
0x4a: {  	_ =	shalt  }
0x4b: {  	_ =	shalt  }
0x4c: {  	_ =	shalt  }
0x4d: {  	_ =	shalt  }
0x4e: {  	_ =	shalt  }
0x4f: {  	_ =	shalt  }
0x50: {  	_ =	shalt  }
0x51: {  	_ =	shalt  }
0x52: {  	_ =	shalt  }
0x53: {  	_ =	shalt  }
0x54: {  	_ =	shalt  }
0x55: {  	_ =	shalt  }
0x56: {  	_ =	shalt  }
0x57: {  	_ =	shalt  }
0x58: {  	_ =	shalt  }
0x59: {  	_ =	shalt  }
0x5a: {  	_ =	shalt  }
0x5b: {  	_ =	shalt  }
0x5c: {  	_ =	shalt  }
0x5d: {  	_ =	shalt  }
0x5e: {  	_ =	shalt  }
0x5f: {  	_ =	shalt  }
0x60: {  	_ =	shalt  }
0x61: {  	_ =	shalt  }
0x62: {  	_ =	shalt  }
0x63: {  	_ =	shalt  }
0x64: {  	_ =	shalt  }
0x65: {  	_ =	shalt  }
0x66: {  	_ =	shalt  }
0x67: {  	_ =	shalt  }
0x68: {  	_ =	shalt  }
0x69: {  	_ =	shalt  }
0x6a: {  	_ =	shalt  }
0x6b: {  	_ =	shalt  }
0x6c: {  	_ =	shalt  }
0x6d: {  	_ =	shalt  }
0x6e: {  	_ =	shalt  }
0x6f: {  	_ =	shalt  }
0x70: {  	_ =	shalt  }
0x71: {  	_ =	shalt  }
0x72: {  	_ =	shalt  }
0x73: {  	_ =	shalt  }
0x74: {  	_ =	shalt  }
0x75: {  	_ =	shalt  }
0x76: {  	_ =	shalt  }
0x77: {  	_ =	shalt  }
0x78: {  	_ =	shalt  }
0x79: {  	_ =	shalt  }
0x7a: {  	_ =	shalt  }
0x7b: {  	_ =	shalt  }
0x7c: {  	_ =	shalt  }
0x7d: {  	_ =	shalt  }
0x7e: {  	_ =	shalt  }
0x7f: {  	_ =	shalt  }
0x80: {  	_ =	shalt  }
0x81: {  	_ =	shalt  }
0x82: {  	_ =	shalt  }
0x83: {  	_ =	shalt  }
0x84: {  	_ =	shalt  }
0x85: {  	_ =	shalt  }
0x86: {  	_ =	shalt  }
0x87: {  	_ =	shalt  }
.Lfunc_end0:
.L_simem_size_0:
called_computation_lowered:
.L_overlay_start_0:
0x88: {  	s2 =	sld [smem:$0x3FD9]  }
0x89: {  	s3 =	sld [smem:$0x3FFE];
	_ =	sdelay $0x1  }
0x8a: {  	s1 =	srdreg.scid  }
0x8b: {  	s0 =	sand.u32 $0x1, s1  }
0x8c: {  	s17 =	sshll.u32 s0, $0xA;
	s2 =	sadd.s32 s3, s2  }
0x8d: {  	s2 =	sadd.s32 s2, s17  }
0x8e: {  	[smem:$0x3F7B] =	sst s2  }
0x8f: {  	_ = 	snop  }
0x90: {  	s2 =	sld [smem:$0x3FD0];
	(tm) =	ssettm $0x1  }
0x91: {  	s18 =	sld [smem:$0x3FFB];
	_ =	sdelay $0x3  }
0x92: {  	_ =	strace s18  }
0x93: {  	s3 =	sld [smem:$0x3FFC];
	_ =	sdelay $0x3  }
0x94: {  	_ =	strace s3  }
0x95: {  	s3 =	sld [smem:$0x3FFD];
	_ =	sdelay $0x3  }
0x96: {  	_ =	strace s3  }
0x97: {  	_ =	strace $0x8FFFFFFF  }
0x98: {  	s19 =	sld [smem:$0x3FDB];
	_ =	sdelay $0x1  }
0x99: {  	s4 =	simm.s32 $_scs_section_size  }
0x9a: {  	s5 =	simm.s32 $_size__tile_overlayer_lowered;
	s6 =	simm.s32 $_tile_overlayer_lowered  }
0x9b: {  	s22 =	simm.s32 $0x1BFF;
	s21 =	sshll.u32 s6, $0x1;
	s3 =	sadd.s32 s4, s19  }
0x9c: {  	s7 =	simm.s32 $0x0;
	s20 =	sshll.u32 s5, $0x1;
	s5 =	sadd.s32 s21, s3  }
0x9d: {  	[timem:s7], [sflag:s22] =	dma.local [hbm:s5], s20  }
0x9e: {  	_ =	swait.ge [sflag:s22], s20  }
0x9f: {  	s4 =	ssub.s32 $0x0, s20;
	[sflag:s22] =	ssyncset.done $0x0  }
0xa0: {  	[sflag:s22] =	ssyncadd.s32 s4;
	_ =	sdelay $0x1  }
0xa1: {  	s23 =	simm.s32 $0x1B8B  }
0xa2: {  	_ =	swait.ge [sflag:s23], $0x1  }
0xa3: {  	[sflag:s23] =	ssyncset.done $0x0  }
0xa4: {  	s25 =	simm.s32 $0x1B8E;
	s24 =	sld [smem:$0x3FFE];
	[sflag:s23] =	ssyncadd.s32 $0xFFFFFFFF  }
0xa5: {  	s26 =	simm.s32 $execute0_lowered;
	[smem:$0x3FD2] =	sst s25  }
0xa6: {  	s5 =	sshll.u32 s26, $0x1;
	_ =	strace $0x80000046;
	[dreg:$0x1] =	wrdreg $0xFFFFFFFF  }
0xa7: {  	s28 =	simm.s32 $_size_execute0_lowered;
	s3 =	sadd.s32 s3, s5;
	[dreg:$0x0] =	wrdreg $0x0  }
0xa8: {  	s5 =	sshll.u32 s28, $0x1;
	[dreg:$0x2] =	wrdreg s3  }
0xa9: {  	[dreg:$0x3] =	wrdreg s5  }
0xaa: {  	[dreg:$0x4] =	wrdreg $0xC0  }
0xab: {  	_ =	task [dreg:s7], $0x5FFFF  }
0xac: {  	[dreg:$0x1] =	wrdreg $0xFFFFFFFF  }
0xad: {  	[dreg:$0x0] =	wrdreg $0x60  }
0xae: {  	[dreg:$0x2] =	wrdreg s2  }
0xaf: {  	[dreg:$0x3] =	wrdreg s24  }
0xb0: {  	[dreg:$0x4] =	wrdreg $0xA8000  }
0xb1: {  	[dreg:$0x5] =	wrdreg $0x9  }
0xb2: {  	_ =	task.clear_ibuf [dreg:s7], $0x6FFFF;
	_ =	strace $0x90000046  }
0xb3: {  	s29 =	simm.s32 $0x9;
	_ =	strace $0x80000048  }
0xb4: {  	_ =	swait.ge [sflag:s29], $0x1  }
0xb5: {  	[sflag:s29] =	ssyncadd.s32 $0xFFFFFFFF  }
0xb6: {  	_ =	strace $0x90000048  }
0xb7: {  	_ =	sfence  }
0xb8: {  	s30 =	sld [smem:$0x0];
	_ =	sdelay $0x2  }
0xb9: {  	s31 =	sshll.u32 s1, $0xD;
	s1 =	sshrl.u32 s1, $0x2  }
0xba: {  	s3 =	sand.u32 $0x4000, s31;
	s1 =	sadd.s32 s1, s30  }
0xbb: {  	s0 =	sor.u32 s3, s0;
	s1 =	sshll.u32 s1, $0x11  }
0xbc: {  	s0 =	sor.u32 s1, s0  }
0xbd: {  	s0 =	sadd.s32 $0x8F2B, s0  }
0xbe: {  	[sflag:s0] =	ssyncadd.remote.s32 $0x1  }
0xbf: {  	_ =	sfence.sel $0xFFFF  }
0xc0: {  	[dreg:$0x0] =	wrdreg $0xFFFFFFFF;
	(pc) =	sbr.abs _section_cstart, $3  }
0xc1: {  	[dreg:$0x1] =	wrdreg $0xFFFFFFFF  }
0xc2: {  	_ =	task.clear_ibuf [dreg:s7], $0x2FFFF;
	_ =	strace $0x9FFFFFFF  }
0xc3: {  	(tm) =	ssettm $0x7FFFFFFF  }
tec
execute0_lowered:
.L_overlay_start_1:
0x0: {  	(tag) =	ssettag $0x1  }
0x1: {  	s1 =	rddreg [dreg:$0x0]  }
0x2: {  	s6 =	rddreg [dreg:$0x1]  }
0x3: {  	s2 =	rddreg [dreg:$0x2]  }
0x4: {  	s0 =	rddreg [dreg:$0x3];
	s4 =	simm.s32 $0x0;
	s3 =	srdreg.scid  }
0x5: {  	s18 =	simm.s32 $0x6800;
	s19 =	simm.s32 $0x1;
	s7 =	sand.u32 $0x1, s3  }
0x6: {  	s20 =	simm.s32 $0x2;
	s3 =	stileid.u32;
	s8 =	smul.u32 $0x13C000, s7  }
0x7: {  	s21 =	simm.s32 $0x2700;
	s22 =	simm.s32 $0x2780;
	s9 =	smul.u32 $0x13C00, s3  }
0x8: {  	[smem:$0x7FF] =	sst s4;
	s11 =	sadd.s32 $0xD800, s6;
	s10 =	smul.u32 $0x4F000, s3  }
0x9: {  	s12 =	sadd.s32 $0x17800, s6;
	s5 =	sadd.s32 $0x1C800, s6;
	s14 =	smul.u32 $0x50, s3  }
0xa: {  	_ =	strace $0x80000047;
	s23 =	ssub.s32 $0x2, s7;
	s24 =	smul.u32 $0x28000, s7  }
0xb: {  	s26 =	sshll.u32 s3, $0x6;
	s28 =	smul.u32 $0x2800, s3;
	s13 =	sshrl.u32 s23, $0x1  }
0xc: {  	s17 =	smul.u32 $0x500, s3;
	s8 =	sadd.s32 s9, s8;
	s9 =	ssub.s32 s23, s13  }
0xd: {  	s25 =	sshrl.u32 s10, $0x2;
	s14 =	sadd.s32 $0x28, s14;
	s29 =	sadd.s32 s24, s28  }
0xe: {  	s23 =	simm.s32 $0x0;
	s8 =	sshrl.u32 s8, $0x3;
	s15 =	sadd.s32 s25, s2  }
0xf: {  	s30 =	sshll.u32 s14, $0x7;
	s16 =	sshrl.u32 s29, $0x3;
	s31 =	sshll.u32 s14, $0x4  }
0x10: {  	s14 =	simm.s32 $0x3;
	s8 =	sadd.s32 s8, s6;
	s6 =	sor.u32 $0x1C03, s26  }
0x11: {  	s10 =	sadd.s32 s24, s30;
	s7 =	sadd.s32 $0x1F000, s8;
	s8 =	smax.u32 s9, $0x1  }
0x12: {  	s9 =	sadd.s32 s11, s16;
	s13 =	sshrl.u32 s10, $0x3;
	s10 =	sadd.s32 s12, s17  }
0x13: {  	s12 =	sadd.s32 s12, s31;
	s16 =	simm.s32 $0x80;
	s17 =	simm.s32 $0x2800  }
0x14: {  	s11 =	sadd.s32 s11, s13;
	s13 =	sshrl.u32 s15, $0x3;
	s15 =	simm.s32 $0x1400  }
.LBB2_1:
0x15: {  	[spmem:s13], [sflag:s6] =	dma.local [hbm:s5], $0x2780  }
0x16: {  	_ =	swait.ge [sflag:s14], $0x2780  }
0x17: {  	[sflag:s14] =	ssyncset.done $0x0  }
0x18: {  	[sflag:s14] =	ssyncadd.s32 $0xFFFFD880  }
0x19: {  	[bflag:$0x0] =	sbarrier.arrive $0xFFFF  }
0x1a: {  	[tilespmem:s4], [sflag:$0x3] =	stream.linear.gather [hbm4b:s9+s4], $0x1400, $0x38;
	[tilespmem:$0x1E400] =	vst v63  }
0x1b: {  	_ =	swait.ge [sflag:s14], $0x1400  }
0x1c: {  	[sflag:s14] =	ssyncset.done $0x0  }
0x1d: {  	[sflag:s14] =	ssyncadd.s32 $0xFFFFEC00  }
0x1e: {  	[tilespmem:s15], [sflag:$0x3] =	stream.linear.gather [hbm4b:s10+s4], $0x1400, $0x38;
	[tilespmem:$0x1E400] =	vst v63  }
0x1f: {  	_ =	swait.ge [sflag:s14], $0x1400  }
0x20: {  	[sflag:s14] =	ssyncset.done $0x0  }
0x21: {  	[sflag:s14] =	ssyncadd.s32 $0xFFFFEC00  }
0x22: {  	[tilespmem:s17], [sflag:$0x1] =	stream.indirect.gather [hbm4b:s1+s16], $0x80, s4, s16, $0xb8;
	[tilespmem:$0x1E400] =	vst v63  }
0x23: {  	_ = 	snop  }
0x24: {  	[tilespmem:s18], [sflag:$0x2] =	stream.indirect.gather [hbm4b:s1+s16], $0x80, s16, s16, $0xb8;
	[tilespmem:$0x1E400] =	vst v63  }
0x25: {  	_ =	swait.ge [sflag:s19], $0x4000  }
0x26: {  	[sflag:s19] =	ssyncset.done $0x0  }
0x27: {  	s24 =	simm.s32 $0x1400;
	[sflag:s19] =	ssyncadd.s32 $0xFFFFC000  }
0x28: {  	[spmem:s2] =	stream.indirect.scatter.add.f32 [tilespmem:s17], [sflag:$0x3], $0x80, s24, s16, $0xb8;
	[tilespmem:$0x1E400] =	vst v63  }
0x29: {  	_ =	swait.ge [sflag:s14], $0x4000  }
0x2a: {  	[sflag:s14] =	ssyncset.done $0x0  }
0x2b: {  	s30 =	simm.s32 $0x100;
	[sflag:s14] =	ssyncadd.s32 $0xFFFFC000  }
0x2c: {  	[tilespmem:s17], [sflag:$0x1] =	stream.indirect.gather [hbm4b:s1+s16], $0x80, s30, s16, $0xb8;
	[tilespmem:$0x1E400] =	vst v63  }
0x2d: {  	_ =	swait.ge [sflag:s20], $0x4000  }
0x2e: {  	[sflag:s20] =	ssyncset.done $0x0  }
0x2f: {  	s31 =	simm.s32 $0x1480;
	[sflag:s20] =	ssyncadd.s32 $0xFFFFC000  }
0x30: {  	[spmem:s2] =	stream.indirect.scatter.add.f32 [tilespmem:s18], [sflag:$0x3], $0x80, s31, s16, $0xb8;
	[tilespmem:$0x1E400] =	vst v63  }
0x31: {  	_ =	swait.ge [sflag:s14], $0x4000  }
0x32: {  	[sflag:s14] =	ssyncset.done $0x0  }
0x33: {  	s25 =	simm.s32 $0x180;
	s24 =	simm.s32 $0x400;
	[sflag:s14] =	ssyncadd.s32 $0xFFFFC000  }
.LBB2_2:
0x34: {  	[tilespmem:s18], [sflag:$0x2] =	stream.indirect.gather [hbm4b:s1+s16], $0x80, s25, s16, $0xb8;
	[tilespmem:$0x1E400] =	vst v63  }
0x35: {  	s25 =	smov.u32 s24  }
0x36: {  	p0 =	sne.s32 s24, $0x4800;
	s24 =	sadd.s32 $0x400, s24;
	_ =	swait.ge [sflag:s19], $0x4000  }
0x37: {  	s25 =	sshra.s32 s25, $0x2;
	[sflag:s19] =	ssyncset.done $0x0  }
0x38: {  	s26 =	sadd.s32 $0x1400, s25;
	[sflag:s19] =	ssyncadd.s32 $0xFFFFC000  }
0x39: {  	[spmem:s2] =	stream.indirect.scatter.add.f32 [tilespmem:s17], [sflag:$0x3], $0x80, s26, s16, $0xb8;
	[tilespmem:$0x1E400] =	vst v63  }
0x3a: {  	_ =	swait.ge [sflag:s14], $0x4000  }
0x3b: {  	[sflag:s14] =	ssyncset.done $0x0  }
0x3c: {  	s26 =	sadd.s32 $0x100, s25;
	[sflag:s14] =	ssyncadd.s32 $0xFFFFC000  }
0x3d: {  	[tilespmem:s17], [sflag:$0x1] =	stream.indirect.gather [hbm4b:s1+s16], $0x80, s26, s16, $0xb8;
	[tilespmem:$0x1E400] =	vst v63  }
0x3e: {  	_ =	swait.ge [sflag:s20], $0x4000  }
0x3f: {  	[sflag:s20] =	ssyncset.done $0x0  }
.Ltmp0:
0x40: {  	s26 =	sadd.s32 $0x1480, s25;
	[sflag:s20] =	ssyncadd.s32 $0xFFFFC000;
	(pc) =	sbr.rel @p0 .LBB2_2-.Ltmp0, $4  }
0x41: {  	[spmem:s2] =	stream.indirect.scatter.add.f32 [tilespmem:s18], [sflag:$0x3], $0x80, s26, s16, $0xb8;
	[tilespmem:$0x1E400] =	vst v63  }
0x42: {  	_ =	swait.ge [sflag:s14], $0x4000  }
0x43: {  	[sflag:s14] =	ssyncset.done $0x0  }
0x44: {  	s25 =	sadd.s32 $0x180, s25;
	[sflag:s14] =	ssyncadd.s32 $0xFFFFC000  }
0x45: {  	[tilespmem:s18], [sflag:$0x2] =	stream.indirect.gather [hbm4b:s1+s16], $0x80, s25, s16, $0xb8;
	[tilespmem:$0x1E400] =	vst v63  }
0x46: {  	_ =	swait.ge [sflag:s19], $0x4000  }
0x47: {  	[sflag:s19] =	ssyncset.done $0x0  }
0x48: {  	[sflag:s19] =	ssyncadd.s32 $0xFFFFC000  }
0x49: {  	[spmem:s2] =	stream.indirect.scatter.add.f32 [tilespmem:s17], [sflag:$0x3], $0x80, s21, s16, $0xb8;
	[tilespmem:$0x1E400] =	vst v63  }
0x4a: {  	_ =	swait.ge [sflag:s14], $0x4000  }
0x4b: {  	[sflag:s14] =	ssyncset.done $0x0  }
0x4c: {  	[sflag:s14] =	ssyncadd.s32 $0xFFFFC000  }
0x4d: {  	_ =	swait.ge [sflag:s20], $0x4000  }
0x4e: {  	[sflag:s20] =	ssyncset.done $0x0  }
0x4f: {  	[sflag:s20] =	ssyncadd.s32 $0xFFFFC000  }
0x50: {  	[spmem:s2] =	stream.indirect.scatter.add.f32 [tilespmem:s18], [sflag:$0x3], $0x80, s22, s16, $0xb8;
	[tilespmem:$0x1E400] =	vst v63  }
0x51: {  	_ =	swait.ge [sflag:s14], $0x4000  }
0x52: {  	[sflag:s14] =	ssyncset.done $0x0  }
0x53: {  	s24 =	simm.s32 $0x0;
	[sflag:s14] =	ssyncadd.s32 $0xFFFFC000  }
0x54: {  	[tilespmem:s24], [sflag:$0x3] =	stream.linear.gather [hbm4b:s11+s24], $0x1400, $0x38;
	[tilespmem:$0x1E400] =	vst v63  }
0x55: {  	_ =	swait.ge [sflag:s14], $0x1400  }
0x56: {  	[sflag:s14] =	ssyncset.done $0x0  }
0x57: {  	[sflag:s14] =	ssyncadd.s32 $0xFFFFEC00  }
0x58: {  	[tilespmem:s15], [sflag:$0x3] =	stream.linear.gather [hbm4b:s12+s24], $0x1400, $0x38;
	[tilespmem:$0x1E400] =	vst v63  }
0x59: {  	_ =	swait.ge [sflag:s14], $0x1400  }
0x5a: {  	[sflag:s14] =	ssyncset.done $0x0  }
0x5b: {  	[sflag:s14] =	ssyncadd.s32 $0xFFFFEC00  }
0x5c: {  	[tilespmem:s17], [sflag:$0x1] =	stream.indirect.gather [hbm4b:s1+s16], $0x80, s24, s16, $0xb8;
	[tilespmem:$0x1E400] =	vst v63  }
0x5d: {  	_ = 	snop  }
0x5e: {  	[tilespmem:s18], [sflag:$0x2] =	stream.indirect.gather [hbm4b:s1+s16], $0x80, s16, s16, $0xb8;
	[tilespmem:$0x1E400] =	vst v63  }
0x5f: {  	_ =	swait.ge [sflag:s19], $0x4000  }
0x60: {  	[sflag:s19] =	ssyncset.done $0x0  }
0x61: {  	s29 =	simm.s32 $0x1400;
	[sflag:s19] =	ssyncadd.s32 $0xFFFFC000  }
0x62: {  	[spmem:s2] =	stream.indirect.scatter.add.f32 [tilespmem:s17], [sflag:$0x3], $0x80, s29, s16, $0xb8;
	[tilespmem:$0x1E400] =	vst v63  }
0x63: {  	_ =	swait.ge [sflag:s14], $0x4000  }
0x64: {  	[sflag:s14] =	ssyncset.done $0x0  }
0x65: {  	s30 =	simm.s32 $0x100;
	[sflag:s14] =	ssyncadd.s32 $0xFFFFC000  }
0x66: {  	[tilespmem:s17], [sflag:$0x1] =	stream.indirect.gather [hbm4b:s1+s16], $0x80, s30, s16, $0xb8;
	[tilespmem:$0x1E400] =	vst v63  }
0x67: {  	_ =	swait.ge [sflag:s20], $0x4000  }
0x68: {  	[sflag:s20] =	ssyncset.done $0x0  }
0x69: {  	s31 =	simm.s32 $0x1480;
	[sflag:s20] =	ssyncadd.s32 $0xFFFFC000  }
0x6a: {  	[spmem:s2] =	stream.indirect.scatter.add.f32 [tilespmem:s18], [sflag:$0x3], $0x80, s31, s16, $0xb8;
	[tilespmem:$0x1E400] =	vst v63  }
0x6b: {  	_ =	swait.ge [sflag:s14], $0x4000  }
0x6c: {  	[sflag:s14] =	ssyncset.done $0x0  }
0x6d: {  	s25 =	simm.s32 $0x180;
	s24 =	simm.s32 $0x400;
	[sflag:s14] =	ssyncadd.s32 $0xFFFFC000  }
.LBB2_4:
0x6e: {  	[tilespmem:s18], [sflag:$0x2] =	stream.indirect.gather [hbm4b:s1+s16], $0x80, s25, s16, $0xb8;
	[tilespmem:$0x1E400] =	vst v63  }
0x6f: {  	s25 =	smov.u32 s24  }
0x70: {  	p0 =	sne.s32 s24, $0x4800;
	s24 =	sadd.s32 $0x400, s24;
	_ =	swait.ge [sflag:s19], $0x4000  }
0x71: {  	s25 =	sshra.s32 s25, $0x2;
	[sflag:s19] =	ssyncset.done $0x0  }
0x72: {  	s26 =	sadd.s32 $0x1400, s25;
	[sflag:s19] =	ssyncadd.s32 $0xFFFFC000  }
0x73: {  	[spmem:s2] =	stream.indirect.scatter.add.f32 [tilespmem:s17], [sflag:$0x3], $0x80, s26, s16, $0xb8;
	[tilespmem:$0x1E400] =	vst v63  }
0x74: {  	_ =	swait.ge [sflag:s14], $0x4000  }
0x75: {  	[sflag:s14] =	ssyncset.done $0x0  }
0x76: {  	s26 =	sadd.s32 $0x100, s25;
	[sflag:s14] =	ssyncadd.s32 $0xFFFFC000  }
0x77: {  	[tilespmem:s17], [sflag:$0x1] =	stream.indirect.gather [hbm4b:s1+s16], $0x80, s26, s16, $0xb8;
	[tilespmem:$0x1E400] =	vst v63  }
0x78: {  	_ =	swait.ge [sflag:s20], $0x4000  }
0x79: {  	[sflag:s20] =	ssyncset.done $0x0  }
.Ltmp1:
0x7a: {  	s26 =	sadd.s32 $0x1480, s25;
	[sflag:s20] =	ssyncadd.s32 $0xFFFFC000;
	(pc) =	sbr.rel @p0 .LBB2_4-.Ltmp1, $4  }
0x7b: {  	[spmem:s2] =	stream.indirect.scatter.add.f32 [tilespmem:s18], [sflag:$0x3], $0x80, s26, s16, $0xb8;
	[tilespmem:$0x1E400] =	vst v63  }
0x7c: {  	_ =	swait.ge [sflag:s14], $0x4000  }
0x7d: {  	[sflag:s14] =	ssyncset.done $0x0  }
0x7e: {  	s25 =	sadd.s32 $0x180, s25;
	[sflag:s14] =	ssyncadd.s32 $0xFFFFC000  }
0x7f: {  	[tilespmem:s18], [sflag:$0x2] =	stream.indirect.gather [hbm4b:s1+s16], $0x80, s25, s16, $0xb8;
	[tilespmem:$0x1E400] =	vst v63  }
0x80: {  	_ =	swait.ge [sflag:s19], $0x4000  }
0x81: {  	[sflag:s19] =	ssyncset.done $0x0  }
0x82: {  	[sflag:s19] =	ssyncadd.s32 $0xFFFFC000  }
0x83: {  	[spmem:s2] =	stream.indirect.scatter.add.f32 [tilespmem:s17], [sflag:$0x3], $0x80, s21, s16, $0xb8;
	[tilespmem:$0x1E400] =	vst v63  }
0x84: {  	_ =	swait.ge [sflag:s14], $0x4000  }
0x85: {  	[sflag:s14] =	ssyncset.done $0x0  }
0x86: {  	[sflag:s14] =	ssyncadd.s32 $0xFFFFC000  }
0x87: {  	_ =	swait.ge [sflag:s20], $0x4000  }
0x88: {  	[sflag:s20] =	ssyncset.done $0x0  }
0x89: {  	[sflag:s20] =	ssyncadd.s32 $0xFFFFC000  }
0x8a: {  	[spmem:s2] =	stream.indirect.scatter.add.f32 [tilespmem:s18], [sflag:$0x3], $0x80, s22, s16, $0xb8;
	[tilespmem:$0x1E400] =	vst v63  }
0x8b: {  	_ =	swait.ge [sflag:s14], $0x4000  }
0x8c: {  	s23 =	sadd.s32 $0x1, s23;
	[sflag:s14] =	ssyncset.done $0x0  }
0x8d: {  	p0 =	sne.s32 s23, s8;
	[sflag:s14] =	ssyncadd.s32 $0xFFFFC000  }
.Ltmp2:
0x8e: {  	[bflag:$0x0] =	sbarrier.arrive $0xFFFF;
	(pc) =	sbr.rel @p0 .LBB2_1-.Ltmp2, $4  }
0x8f: {  	[hbm:s7], [sflag:s6] =	dma.local [spmem:s13], $0x2780  }
0x90: {  	_ =	swait.ge [sflag:s14], $0x2780  }
0x91: {  	[sflag:s14] =	ssyncset.done $0x0  }
0x92: {  	[sflag:s14] =	ssyncadd.s32 $0xFFFFD880  }
0x93: {  	_ =	sfence.sel $0x180000  }
0x94: {  	[bflag:$0x0] =	sbarrier.arrive $0xFFFF  }
0x95: {  	p0 =	sne.s32 s3, $0x0;
	_ =	strace $0x90000047  }
0x96: {  	s0 =	sadd.s32 @!p0 $0x100000, s0;
	[bflag:$0x2] =	sbarrier.arrive $0xFFFF  }
0x97: {  	[sflag:s0] =	ssyncadd.tile.s32 @!p0 $0x1;
	_ =	shalt  }
.Lfunc_end2:
_tile_overlayer_lowered:
.L_overlay_start_2:
0x98: {  	(tag) =	ssettag $0x2  }
0x99: {  	s0 =	rddreg [dreg:$0x0];
	s2 =	stileid.u32  }
0x9a: {  	s1 =	rddreg [dreg:$0x1];
	p0 =	sne.s32 s2, $0x0  }
0x9b: {  	s3 =	rddreg [dreg:$0x2];
	[bflag:$0x3] =	sbarrier.arrive $0xFFFF;
	s2 =	simm.s32 @!p0 $0x1C03  }
0x9c: {  	[timem:s3], [sflag:s2] =	dma.local @!p0 [hbm:s0], s1  }
0x9d: {  	s0 =	simm.s32 @!p0 $0x3  }
0x9e: {  	_ =	swait.ge @!p0 [sflag:s0], s1  }
0x9f: {  	s1 =	ssub.s32 @!p0 $0x0, s1;
	[sflag:s0] =	ssyncset.done @!p0 $0x0  }
0xa0: {  	[sflag:s0] =	ssyncadd.s32 @!p0 s1  }
0xa1: {  	[bflag:$0x3] =	sbarrier.arrive $0xFFFF  }
0xa2: {  	_ =	shalt  }

// kernel: kernel.14.cloned.1.call-start
scs
__scs_entry_jumppad:
0x0: {  	(pc) =	sbr.rel $0x88, $3  }
0x1: {  	(tag) =	ssettag $0x0;
	lr =	simm.s32 $0x1  }
0x2: {  	[smem:$0x3F54] =	sst lr;
	_ =	strace $0xD0000000  }
0x3: {  	_ = 	snop  }
0x4: {  	_ = 	snop  }
0x5: {  	_ = 	snop  }
0x6: {  	_ = 	snop  }
0x7: {  	_ = 	snop  }
__scs_overlays_trampoline_lowered:
0x8: {  	[smem:$0x3F63] =	sst s0  }
0x9: {  	[smem:$0x3F64] =	sst s1  }
0xa: {  	[smem:$0x3F65] =	sst s2  }
0xb: {  	[smem:$0x3F66] =	sst s3  }
0xc: {  	[smem:$0x3F67] =	sst s4  }
0xd: {  	[smem:$0x3F68] =	sst s5  }
0xe: {  	[smem:$0x3F69] =	sst s6  }
0xf: {  	[smem:$0x3F6A] =	sst s7  }
0x10: {  	[smem:$0x3F6B] =	sst s8  }
0x11: {  	[smem:$0x3F6C] =	sst s9;
	s0 =	simm.s32 @!p0 $0x0  }
0x12: {  	s1 =	sld [smem:$0x3F52];
	s0 =	simm.s32 @p0 $0x1  }
0x13: {  	[smem:$0x3F6D] =	sst s0;
	s0 =	simm.s32 @!p1 $0x0  }
0x14: {  	s2 =	sld [smem:$0x3F51];
	s0 =	simm.s32 @p1 $0x1  }
0x15: {  	[smem:$0x3F6E] =	sst s0;
	s0 =	simm.s32 @!p2 $0x0  }
0x16: {  	s3 =	sld [smem:$0x3FDB];
	s0 =	simm.s32 @p2 $0x1  }
0x17: {  	s4 =	simm.s32 $0x1BF5;
	[smem:$0x3F70] =	sst s0  }
0x18: {  	s0 =	sld [smem:$0x3F53];
	_ =	swait.ge [sflag:s4], $0x0  }
0x19: {  	s7 =	sld [smem:$0x3F54]  }
0x1a: {  	s8 =	sadd.s32 $0xFFFFE003, lr  }
0x1b: {  	s9 =	sadd.s32 $0xFFFFFEF7, lr;
	s5 =	simm.s32 $0xFFFFFFFF;
	p2 =	slt.u32 s8, $0xFFFFF086  }
0x1c: {  	p1 =	slt.u32 s9, $0xF7A;
	s5 =	simm.s32 @!p2 $0x0  }
0x1d: {  	s5 =	simm.s32 @p1 $0x1;
	p0 =	seq.s32 s7, s2  }
0x1e: {  	s7 =	smul.u32 @!p0 $0xF7A, s2;
	p2 =	seq.s32 @!p0 s5, $0x0  }
0x1f: {  	s9 =	smul.u32 $0xF7A, s1;
	s8 =	simm.s32 @!p0 $0x1BF5;
	p2 =	por !p2, p0  }
0x20: {  	[sflag:s8] =	ssyncset.s32 @!p0 $0xFFFFF086;
	s6 =	sadd.s32 @!p0 s3, s7;
	s7 =	simm.s32 @!p0 $0x108  }
0x21: {  	s3 =	sadd.s32 s3, s9;
	s6 =	sadd.s32 @!p0 $0x88, s6;
	s7 =	simm.s32 @p2 $0x1082  }
0x22: {  	[simem:s7], [sflag:s8] =	dma.local @!p0 [hbm:s6], $0xF7A  }
0x23: {  	s9 =	sor.u32 $0xD0000000, s2;
	s6 =	simm.s32 $0x108;
	_ =	swait.ge @!p0 [sflag:s8], $0x0  }
0x24: {  	s3 =	sadd.s32 $0x88, s3;
	s6 =	simm.s32 @!p1 $0x1082;
	[sflag:s4] =	ssyncset.s32 $0xFFFFF086  }
0x25: {  	[simem:s6], [sflag:s4] =	dma.local [hbm:s3], $0xF7A  }
0x26: {  	[smem:$0x3F54] =	sst s1;
	(tag) =	ssettag s2;
	_ =	strace s9  }
0x27: {  	s1 =	sld [smem:$0x3F64]  }
0x28: {  	s2 =	sld [smem:$0x3F65]  }
0x29: {  	s4 =	sld [smem:$0x3F67]  }
0x2a: {  	p0 =	seq.s32 s5, $0x0;
	s5 =	sld [smem:$0x3F68]  }
0x2b: {  	s6 =	sld [smem:$0x3F69]  }
0x2c: {  	s7 =	sld [smem:$0x3F6A]  }
0x2d: {  	s3 =	simm.s32 $0x108;
	s8 =	sld [smem:$0x3F6B]  }
0x2e: {  	s3 =	simm.s32 @!p0 $0x1082;
	s9 =	sld [smem:$0x3F6C]  }
0x2f: {  	lr =	sadd.s32 s0, s3;
	s0 =	sld [smem:$0x3F63]  }
0x30: {  	s3 =	sld [smem:$0x3F66]  }
0x31: {  	[smem:$0x3F6F] =	sst s10  }
0x32: {  	s10 =	sld [smem:$0x3F6D];
	_ =	sdelay $0x3  }
0x33: {  	p0 =	seq.s32 s10, $0x1;
	s10 =	sld [smem:$0x3F6F];
	_ =	sdelay $0x3  }
0x34: {  	[smem:$0x3F6F] =	sst s10  }
0x35: {  	s10 =	sld [smem:$0x3F6E];
	_ =	sdelay $0x3  }
0x36: {  	p1 =	seq.s32 s10, $0x1;
	s10 =	sld [smem:$0x3F6F];
	_ =	sdelay $0x3  }
0x37: {  	[smem:$0x3F6F] =	sst s10  }
0x38: {  	s10 =	sld [smem:$0x3F70]  }
0x39: {  	_ = 	snop;
	(pc) =	sbr.ind lr, $3  }
0x3a: {  	_ = 	snop  }
0x3b: {  	_ = 	snop  }
0x3c: {  	p2 =	seq.s32 s10, $0x1;
	s10 =	sld [smem:$0x3F6F]  }
0x3d: {  	_ =	shalt  }
0x3e: {  	_ =	shalt  }
0x3f: {  	_ =	shalt  }
0x40: {  	_ =	shalt  }
0x41: {  	_ =	shalt  }
0x42: {  	_ =	shalt  }
0x43: {  	_ =	shalt  }
0x44: {  	_ =	shalt  }
0x45: {  	_ =	shalt  }
0x46: {  	_ =	shalt  }
0x47: {  	_ =	shalt  }
0x48: {  	_ =	shalt  }
0x49: {  	_ =	shalt  }
0x4a: {  	_ =	shalt  }
0x4b: {  	_ =	shalt  }
0x4c: {  	_ =	shalt  }
0x4d: {  	_ =	shalt  }
0x4e: {  	_ =	shalt  }
0x4f: {  	_ =	shalt  }
0x50: {  	_ =	shalt  }
0x51: {  	_ =	shalt  }
0x52: {  	_ =	shalt  }
0x53: {  	_ =	shalt  }
0x54: {  	_ =	shalt  }
0x55: {  	_ =	shalt  }
0x56: {  	_ =	shalt  }
0x57: {  	_ =	shalt  }
0x58: {  	_ =	shalt  }
0x59: {  	_ =	shalt  }
0x5a: {  	_ =	shalt  }
0x5b: {  	_ =	shalt  }
0x5c: {  	_ =	shalt  }
0x5d: {  	_ =	shalt  }
0x5e: {  	_ =	shalt  }
0x5f: {  	_ =	shalt  }
0x60: {  	_ =	shalt  }
0x61: {  	_ =	shalt  }
0x62: {  	_ =	shalt  }
0x63: {  	_ =	shalt  }
0x64: {  	_ =	shalt  }
0x65: {  	_ =	shalt  }
0x66: {  	_ =	shalt  }
0x67: {  	_ =	shalt  }
0x68: {  	_ =	shalt  }
0x69: {  	_ =	shalt  }
0x6a: {  	_ =	shalt  }
0x6b: {  	_ =	shalt  }
0x6c: {  	_ =	shalt  }
0x6d: {  	_ =	shalt  }
0x6e: {  	_ =	shalt  }
0x6f: {  	_ =	shalt  }
0x70: {  	_ =	shalt  }
0x71: {  	_ =	shalt  }
0x72: {  	_ =	shalt  }
0x73: {  	_ =	shalt  }
0x74: {  	_ =	shalt  }
0x75: {  	_ =	shalt  }
0x76: {  	_ =	shalt  }
0x77: {  	_ =	shalt  }
0x78: {  	_ =	shalt  }
0x79: {  	_ =	shalt  }
0x7a: {  	_ =	shalt  }
0x7b: {  	_ =	shalt  }
0x7c: {  	_ =	shalt  }
0x7d: {  	_ =	shalt  }
0x7e: {  	_ =	shalt  }
0x7f: {  	_ =	shalt  }
0x80: {  	_ =	shalt  }
0x81: {  	_ =	shalt  }
0x82: {  	_ =	shalt  }
0x83: {  	_ =	shalt  }
0x84: {  	_ =	shalt  }
0x85: {  	_ =	shalt  }
0x86: {  	_ =	shalt  }
0x87: {  	_ =	shalt  }
.Lfunc_end0:
.L_simem_size_0:
called_computation.1_lowered:
.L_overlay_start_0:
0x88: {  	s2 =	sld [smem:$0x3FD9]  }
0x89: {  	s3 =	sld [smem:$0x3FFE];
	_ =	sdelay $0x1  }
0x8a: {  	s1 =	srdreg.scid  }
0x8b: {  	s0 =	sand.u32 $0x1, s1  }
0x8c: {  	s17 =	sshll.u32 s0, $0xA;
	s2 =	sadd.s32 s3, s2  }
0x8d: {  	s2 =	sadd.s32 s2, s17  }
0x8e: {  	[smem:$0x3F7B] =	sst s2  }
0x8f: {  	_ = 	snop  }
0x90: {  	s2 =	sld [smem:$0x3FD0];
	(tm) =	ssettm $0x1  }
0x91: {  	s18 =	sld [smem:$0x3FFB];
	_ =	sdelay $0x3  }
0x92: {  	_ =	strace s18  }
0x93: {  	s3 =	sld [smem:$0x3FFC];
	_ =	sdelay $0x3  }
0x94: {  	_ =	strace s3  }
0x95: {  	s3 =	sld [smem:$0x3FFD];
	_ =	sdelay $0x3  }
0x96: {  	_ =	strace s3  }
0x97: {  	_ =	strace $0x8FFFFFFF  }
0x98: {  	s19 =	sld [smem:$0x3FDB];
	_ =	sdelay $0x1  }
0x99: {  	s4 =	simm.s32 $_scs_section_size  }
0x9a: {  	s5 =	simm.s32 $_size__tile_overlayer_lowered;
	s6 =	simm.s32 $_tile_overlayer_lowered  }
0x9b: {  	s22 =	simm.s32 $0x1BFF;
	s21 =	sshll.u32 s6, $0x1;
	s3 =	sadd.s32 s4, s19  }
0x9c: {  	s7 =	simm.s32 $0x0;
	s20 =	sshll.u32 s5, $0x1;
	s5 =	sadd.s32 s21, s3  }
0x9d: {  	[timem:s7], [sflag:s22] =	dma.local [hbm:s5], s20  }
0x9e: {  	_ =	swait.ge [sflag:s22], s20  }
0x9f: {  	s4 =	ssub.s32 $0x0, s20;
	[sflag:s22] =	ssyncset.done $0x0  }
0xa0: {  	[sflag:s22] =	ssyncadd.s32 s4;
	_ =	sdelay $0x1  }
0xa1: {  	s23 =	simm.s32 $0x1B8B  }
0xa2: {  	_ =	swait.ge [sflag:s23], $0x1  }
0xa3: {  	[sflag:s23] =	ssyncset.done $0x0  }
0xa4: {  	s25 =	simm.s32 $0x1B8E;
	s24 =	sld [smem:$0x3FFE];
	[sflag:s23] =	ssyncadd.s32 $0xFFFFFFFF  }
0xa5: {  	s26 =	simm.s32 $execute0_lowered;
	[smem:$0x3FD2] =	sst s25  }
0xa6: {  	s5 =	sshll.u32 s26, $0x1;
	_ =	strace $0x80000049;
	[dreg:$0x1] =	wrdreg $0xFFFFFFFF  }
0xa7: {  	s28 =	simm.s32 $_size_execute0_lowered;
	s3 =	sadd.s32 s3, s5;
	[dreg:$0x0] =	wrdreg $0x0  }
0xa8: {  	s5 =	sshll.u32 s28, $0x1;
	[dreg:$0x2] =	wrdreg s3  }
0xa9: {  	[dreg:$0x3] =	wrdreg s5  }
0xaa: {  	[dreg:$0x4] =	wrdreg $0xC0  }
0xab: {  	_ =	task [dreg:s7], $0x5FFFF  }
0xac: {  	[dreg:$0x1] =	wrdreg $0xFFFFFFFF  }
0xad: {  	[dreg:$0x0] =	wrdreg $0x60  }
0xae: {  	[dreg:$0x2] =	wrdreg s2  }
0xaf: {  	[dreg:$0x3] =	wrdreg s24  }
0xb0: {  	[dreg:$0x4] =	wrdreg $0xA8000  }
0xb1: {  	[dreg:$0x5] =	wrdreg $0x9  }
0xb2: {  	_ =	task.clear_ibuf [dreg:s7], $0x6FFFF;
	_ =	strace $0x90000049  }
0xb3: {  	s29 =	simm.s32 $0x9;
	_ =	strace $0x8000004B  }
0xb4: {  	_ =	swait.ge [sflag:s29], $0x1  }
0xb5: {  	[sflag:s29] =	ssyncadd.s32 $0xFFFFFFFF  }
0xb6: {  	_ =	strace $0x9000004B  }
0xb7: {  	_ =	sfence  }
0xb8: {  	s30 =	sld [smem:$0x0];
	_ =	sdelay $0x2  }
0xb9: {  	s31 =	sshll.u32 s1, $0xD;
	s1 =	sshrl.u32 s1, $0x2  }
0xba: {  	s3 =	sand.u32 $0x4000, s31;
	s1 =	sadd.s32 s1, s30  }
0xbb: {  	s0 =	sor.u32 s3, s0;
	s1 =	sshll.u32 s1, $0x11  }
0xbc: {  	s0 =	sor.u32 s1, s0  }
0xbd: {  	s0 =	sadd.s32 $0x8F2B, s0  }
0xbe: {  	[sflag:s0] =	ssyncadd.remote.s32 $0x1  }
0xbf: {  	_ =	sfence.sel $0xFFFF  }
0xc0: {  	[dreg:$0x0] =	wrdreg $0xFFFFFFFF;
	(pc) =	sbr.abs _section_cstart, $3  }
0xc1: {  	[dreg:$0x1] =	wrdreg $0xFFFFFFFF  }
0xc2: {  	_ =	task.clear_ibuf [dreg:s7], $0x2FFFF;
	_ =	strace $0x9FFFFFFF  }
0xc3: {  	(tm) =	ssettm $0x7FFFFFFF  }
tec
execute0_lowered:
.L_overlay_start_1:
0x0: {  	(tag) =	ssettag $0x1  }
0x1: {  	s1 =	rddreg [dreg:$0x0]  }
0x2: {  	s6 =	rddreg [dreg:$0x1]  }
0x3: {  	s2 =	rddreg [dreg:$0x2]  }
0x4: {  	s0 =	rddreg [dreg:$0x3];
	s4 =	simm.s32 $0x0;
	s3 =	srdreg.scid  }
0x5: {  	s18 =	simm.s32 $0x6800;
	s19 =	simm.s32 $0x1;
	s7 =	sand.u32 $0x1, s3  }
0x6: {  	s20 =	simm.s32 $0x2;
	s3 =	stileid.u32;
	s8 =	smul.u32 $0x13C000, s7  }
0x7: {  	s21 =	simm.s32 $0x2700;
	s22 =	simm.s32 $0x2780;
	s9 =	smul.u32 $0x13C00, s3  }
0x8: {  	[smem:$0x7FF] =	sst s4;
	s11 =	sadd.s32 $0xD800, s6;
	s10 =	smul.u32 $0x4F000, s3  }
0x9: {  	s12 =	sadd.s32 $0x17800, s6;
	s5 =	sadd.s32 $0x1C800, s6;
	s14 =	smul.u32 $0x50, s3  }
0xa: {  	_ =	strace $0x8000004A;
	s23 =	ssub.s32 $0x2, s7;
	s24 =	smul.u32 $0x28000, s7  }
0xb: {  	s26 =	sshll.u32 s3, $0x6;
	s28 =	smul.u32 $0x2800, s3;
	s13 =	sshrl.u32 s23, $0x1  }
0xc: {  	s17 =	smul.u32 $0x500, s3;
	s8 =	sadd.s32 s9, s8;
	s9 =	ssub.s32 s23, s13  }
0xd: {  	s25 =	sshrl.u32 s10, $0x2;
	s14 =	sadd.s32 $0x28, s14;
	s29 =	sadd.s32 s24, s28  }
0xe: {  	s23 =	simm.s32 $0x0;
	s8 =	sshrl.u32 s8, $0x3;
	s15 =	sadd.s32 s25, s2  }
0xf: {  	s30 =	sshll.u32 s14, $0x7;
	s16 =	sshrl.u32 s29, $0x3;
	s31 =	sshll.u32 s14, $0x4  }
0x10: {  	s14 =	simm.s32 $0x3;
	s8 =	sadd.s32 s8, s6;
	s6 =	sor.u32 $0x1C03, s26  }
0x11: {  	s10 =	sadd.s32 s24, s30;
	s7 =	sadd.s32 $0x1F000, s8;
	s8 =	smax.u32 s9, $0x1  }
0x12: {  	s9 =	sadd.s32 s11, s16;
	s13 =	sshrl.u32 s10, $0x3;
	s10 =	sadd.s32 s12, s17  }
0x13: {  	s12 =	sadd.s32 s12, s31;
	s16 =	simm.s32 $0x80;
	s17 =	simm.s32 $0x2800  }
0x14: {  	s11 =	sadd.s32 s11, s13;
	s13 =	sshrl.u32 s15, $0x3;
	s15 =	simm.s32 $0x1400  }
.LBB2_1:
0x15: {  	[spmem:s13], [sflag:s6] =	dma.local [hbm:s5], $0x2780  }
0x16: {  	_ =	swait.ge [sflag:s14], $0x2780  }
0x17: {  	[sflag:s14] =	ssyncset.done $0x0  }
0x18: {  	[sflag:s14] =	ssyncadd.s32 $0xFFFFD880  }
0x19: {  	[bflag:$0x0] =	sbarrier.arrive $0xFFFF  }
0x1a: {  	[tilespmem:s4], [sflag:$0x3] =	stream.linear.gather [hbm4b:s9+s4], $0x1400, $0x38;
	[tilespmem:$0x1E400] =	vst v63  }
0x1b: {  	_ =	swait.ge [sflag:s14], $0x1400  }
0x1c: {  	[sflag:s14] =	ssyncset.done $0x0  }
0x1d: {  	[sflag:s14] =	ssyncadd.s32 $0xFFFFEC00  }
0x1e: {  	[tilespmem:s15], [sflag:$0x3] =	stream.linear.gather [hbm4b:s10+s4], $0x1400, $0x38;
	[tilespmem:$0x1E400] =	vst v63  }
0x1f: {  	_ =	swait.ge [sflag:s14], $0x1400  }
0x20: {  	[sflag:s14] =	ssyncset.done $0x0  }
0x21: {  	[sflag:s14] =	ssyncadd.s32 $0xFFFFEC00  }
0x22: {  	[tilespmem:s17], [sflag:$0x1] =	stream.indirect.gather [hbm4b:s1+s16], $0x80, s4, s16, $0xb8;
	[tilespmem:$0x1E400] =	vst v63  }
0x23: {  	_ = 	snop  }
0x24: {  	[tilespmem:s18], [sflag:$0x2] =	stream.indirect.gather [hbm4b:s1+s16], $0x80, s16, s16, $0xb8;
	[tilespmem:$0x1E400] =	vst v63  }
0x25: {  	_ =	swait.ge [sflag:s19], $0x4000  }
0x26: {  	[sflag:s19] =	ssyncset.done $0x0  }
0x27: {  	s24 =	simm.s32 $0x1400;
	[sflag:s19] =	ssyncadd.s32 $0xFFFFC000  }
0x28: {  	[spmem:s2] =	stream.indirect.scatter.add.f32 [tilespmem:s17], [sflag:$0x3], $0x80, s24, s16, $0xb8;
	[tilespmem:$0x1E400] =	vst v63  }
0x29: {  	_ =	swait.ge [sflag:s14], $0x4000  }
0x2a: {  	[sflag:s14] =	ssyncset.done $0x0  }
0x2b: {  	s30 =	simm.s32 $0x100;
	[sflag:s14] =	ssyncadd.s32 $0xFFFFC000  }
0x2c: {  	[tilespmem:s17], [sflag:$0x1] =	stream.indirect.gather [hbm4b:s1+s16], $0x80, s30, s16, $0xb8;
	[tilespmem:$0x1E400] =	vst v63  }
0x2d: {  	_ =	swait.ge [sflag:s20], $0x4000  }
0x2e: {  	[sflag:s20] =	ssyncset.done $0x0  }
0x2f: {  	s31 =	simm.s32 $0x1480;
	[sflag:s20] =	ssyncadd.s32 $0xFFFFC000  }
0x30: {  	[spmem:s2] =	stream.indirect.scatter.add.f32 [tilespmem:s18], [sflag:$0x3], $0x80, s31, s16, $0xb8;
	[tilespmem:$0x1E400] =	vst v63  }
0x31: {  	_ =	swait.ge [sflag:s14], $0x4000  }
0x32: {  	[sflag:s14] =	ssyncset.done $0x0  }
0x33: {  	s25 =	simm.s32 $0x180;
	s24 =	simm.s32 $0x400;
	[sflag:s14] =	ssyncadd.s32 $0xFFFFC000  }
.LBB2_2:
0x34: {  	[tilespmem:s18], [sflag:$0x2] =	stream.indirect.gather [hbm4b:s1+s16], $0x80, s25, s16, $0xb8;
	[tilespmem:$0x1E400] =	vst v63  }
0x35: {  	s25 =	smov.u32 s24  }
0x36: {  	p0 =	sne.s32 s24, $0x4800;
	s24 =	sadd.s32 $0x400, s24;
	_ =	swait.ge [sflag:s19], $0x4000  }
0x37: {  	s25 =	sshra.s32 s25, $0x2;
	[sflag:s19] =	ssyncset.done $0x0  }
0x38: {  	s26 =	sadd.s32 $0x1400, s25;
	[sflag:s19] =	ssyncadd.s32 $0xFFFFC000  }
0x39: {  	[spmem:s2] =	stream.indirect.scatter.add.f32 [tilespmem:s17], [sflag:$0x3], $0x80, s26, s16, $0xb8;
	[tilespmem:$0x1E400] =	vst v63  }
0x3a: {  	_ =	swait.ge [sflag:s14], $0x4000  }
0x3b: {  	[sflag:s14] =	ssyncset.done $0x0  }
0x3c: {  	s26 =	sadd.s32 $0x100, s25;
	[sflag:s14] =	ssyncadd.s32 $0xFFFFC000  }
0x3d: {  	[tilespmem:s17], [sflag:$0x1] =	stream.indirect.gather [hbm4b:s1+s16], $0x80, s26, s16, $0xb8;
	[tilespmem:$0x1E400] =	vst v63  }
0x3e: {  	_ =	swait.ge [sflag:s20], $0x4000  }
0x3f: {  	[sflag:s20] =	ssyncset.done $0x0  }
.Ltmp0:
0x40: {  	s26 =	sadd.s32 $0x1480, s25;
	[sflag:s20] =	ssyncadd.s32 $0xFFFFC000;
	(pc) =	sbr.rel @p0 .LBB2_2-.Ltmp0, $4  }
0x41: {  	[spmem:s2] =	stream.indirect.scatter.add.f32 [tilespmem:s18], [sflag:$0x3], $0x80, s26, s16, $0xb8;
	[tilespmem:$0x1E400] =	vst v63  }
0x42: {  	_ =	swait.ge [sflag:s14], $0x4000  }
0x43: {  	[sflag:s14] =	ssyncset.done $0x0  }
0x44: {  	s25 =	sadd.s32 $0x180, s25;
	[sflag:s14] =	ssyncadd.s32 $0xFFFFC000  }
0x45: {  	[tilespmem:s18], [sflag:$0x2] =	stream.indirect.gather [hbm4b:s1+s16], $0x80, s25, s16, $0xb8;
	[tilespmem:$0x1E400] =	vst v63  }
0x46: {  	_ =	swait.ge [sflag:s19], $0x4000  }
0x47: {  	[sflag:s19] =	ssyncset.done $0x0  }
0x48: {  	[sflag:s19] =	ssyncadd.s32 $0xFFFFC000  }
0x49: {  	[spmem:s2] =	stream.indirect.scatter.add.f32 [tilespmem:s17], [sflag:$0x3], $0x80, s21, s16, $0xb8;
	[tilespmem:$0x1E400] =	vst v63  }
0x4a: {  	_ =	swait.ge [sflag:s14], $0x4000  }
0x4b: {  	[sflag:s14] =	ssyncset.done $0x0  }
0x4c: {  	[sflag:s14] =	ssyncadd.s32 $0xFFFFC000  }
0x4d: {  	_ =	swait.ge [sflag:s20], $0x4000  }
0x4e: {  	[sflag:s20] =	ssyncset.done $0x0  }
0x4f: {  	[sflag:s20] =	ssyncadd.s32 $0xFFFFC000  }
0x50: {  	[spmem:s2] =	stream.indirect.scatter.add.f32 [tilespmem:s18], [sflag:$0x3], $0x80, s22, s16, $0xb8;
	[tilespmem:$0x1E400] =	vst v63  }
0x51: {  	_ =	swait.ge [sflag:s14], $0x4000  }
0x52: {  	[sflag:s14] =	ssyncset.done $0x0  }
0x53: {  	s24 =	simm.s32 $0x0;
	[sflag:s14] =	ssyncadd.s32 $0xFFFFC000  }
0x54: {  	[tilespmem:s24], [sflag:$0x3] =	stream.linear.gather [hbm4b:s11+s24], $0x1400, $0x38;
	[tilespmem:$0x1E400] =	vst v63  }
0x55: {  	_ =	swait.ge [sflag:s14], $0x1400  }
0x56: {  	[sflag:s14] =	ssyncset.done $0x0  }
0x57: {  	[sflag:s14] =	ssyncadd.s32 $0xFFFFEC00  }
0x58: {  	[tilespmem:s15], [sflag:$0x3] =	stream.linear.gather [hbm4b:s12+s24], $0x1400, $0x38;
	[tilespmem:$0x1E400] =	vst v63  }
0x59: {  	_ =	swait.ge [sflag:s14], $0x1400  }
0x5a: {  	[sflag:s14] =	ssyncset.done $0x0  }
0x5b: {  	[sflag:s14] =	ssyncadd.s32 $0xFFFFEC00  }
0x5c: {  	[tilespmem:s17], [sflag:$0x1] =	stream.indirect.gather [hbm4b:s1+s16], $0x80, s24, s16, $0xb8;
	[tilespmem:$0x1E400] =	vst v63  }
0x5d: {  	_ = 	snop  }
0x5e: {  	[tilespmem:s18], [sflag:$0x2] =	stream.indirect.gather [hbm4b:s1+s16], $0x80, s16, s16, $0xb8;
	[tilespmem:$0x1E400] =	vst v63  }
0x5f: {  	_ =	swait.ge [sflag:s19], $0x4000  }
0x60: {  	[sflag:s19] =	ssyncset.done $0x0  }
0x61: {  	s29 =	simm.s32 $0x1400;
	[sflag:s19] =	ssyncadd.s32 $0xFFFFC000  }
0x62: {  	[spmem:s2] =	stream.indirect.scatter.add.f32 [tilespmem:s17], [sflag:$0x3], $0x80, s29, s16, $0xb8;
	[tilespmem:$0x1E400] =	vst v63  }
0x63: {  	_ =	swait.ge [sflag:s14], $0x4000  }
0x64: {  	[sflag:s14] =	ssyncset.done $0x0  }
0x65: {  	s30 =	simm.s32 $0x100;
	[sflag:s14] =	ssyncadd.s32 $0xFFFFC000  }
0x66: {  	[tilespmem:s17], [sflag:$0x1] =	stream.indirect.gather [hbm4b:s1+s16], $0x80, s30, s16, $0xb8;
	[tilespmem:$0x1E400] =	vst v63  }
0x67: {  	_ =	swait.ge [sflag:s20], $0x4000  }
0x68: {  	[sflag:s20] =	ssyncset.done $0x0  }
0x69: {  	s31 =	simm.s32 $0x1480;
	[sflag:s20] =	ssyncadd.s32 $0xFFFFC000  }
0x6a: {  	[spmem:s2] =	stream.indirect.scatter.add.f32 [tilespmem:s18], [sflag:$0x3], $0x80, s31, s16, $0xb8;
	[tilespmem:$0x1E400] =	vst v63  }
0x6b: {  	_ =	swait.ge [sflag:s14], $0x4000  }
0x6c: {  	[sflag:s14] =	ssyncset.done $0x0  }
0x6d: {  	s25 =	simm.s32 $0x180;
	s24 =	simm.s32 $0x400;
	[sflag:s14] =	ssyncadd.s32 $0xFFFFC000  }
.LBB2_4:
0x6e: {  	[tilespmem:s18], [sflag:$0x2] =	stream.indirect.gather [hbm4b:s1+s16], $0x80, s25, s16, $0xb8;
	[tilespmem:$0x1E400] =	vst v63  }
0x6f: {  	s25 =	smov.u32 s24  }
0x70: {  	p0 =	sne.s32 s24, $0x4800;
	s24 =	sadd.s32 $0x400, s24;
	_ =	swait.ge [sflag:s19], $0x4000  }
0x71: {  	s25 =	sshra.s32 s25, $0x2;
	[sflag:s19] =	ssyncset.done $0x0  }
0x72: {  	s26 =	sadd.s32 $0x1400, s25;
	[sflag:s19] =	ssyncadd.s32 $0xFFFFC000  }
0x73: {  	[spmem:s2] =	stream.indirect.scatter.add.f32 [tilespmem:s17], [sflag:$0x3], $0x80, s26, s16, $0xb8;
	[tilespmem:$0x1E400] =	vst v63  }
0x74: {  	_ =	swait.ge [sflag:s14], $0x4000  }
0x75: {  	[sflag:s14] =	ssyncset.done $0x0  }
0x76: {  	s26 =	sadd.s32 $0x100, s25;
	[sflag:s14] =	ssyncadd.s32 $0xFFFFC000  }
0x77: {  	[tilespmem:s17], [sflag:$0x1] =	stream.indirect.gather [hbm4b:s1+s16], $0x80, s26, s16, $0xb8;
	[tilespmem:$0x1E400] =	vst v63  }
0x78: {  	_ =	swait.ge [sflag:s20], $0x4000  }
0x79: {  	[sflag:s20] =	ssyncset.done $0x0  }
.Ltmp1:
0x7a: {  	s26 =	sadd.s32 $0x1480, s25;
	[sflag:s20] =	ssyncadd.s32 $0xFFFFC000;
	(pc) =	sbr.rel @p0 .LBB2_4-.Ltmp1, $4  }
0x7b: {  	[spmem:s2] =	stream.indirect.scatter.add.f32 [tilespmem:s18], [sflag:$0x3], $0x80, s26, s16, $0xb8;
	[tilespmem:$0x1E400] =	vst v63  }
0x7c: {  	_ =	swait.ge [sflag:s14], $0x4000  }
0x7d: {  	[sflag:s14] =	ssyncset.done $0x0  }
0x7e: {  	s25 =	sadd.s32 $0x180, s25;
	[sflag:s14] =	ssyncadd.s32 $0xFFFFC000  }
0x7f: {  	[tilespmem:s18], [sflag:$0x2] =	stream.indirect.gather [hbm4b:s1+s16], $0x80, s25, s16, $0xb8;
	[tilespmem:$0x1E400] =	vst v63  }
0x80: {  	_ =	swait.ge [sflag:s19], $0x4000  }
0x81: {  	[sflag:s19] =	ssyncset.done $0x0  }
0x82: {  	[sflag:s19] =	ssyncadd.s32 $0xFFFFC000  }
0x83: {  	[spmem:s2] =	stream.indirect.scatter.add.f32 [tilespmem:s17], [sflag:$0x3], $0x80, s21, s16, $0xb8;
	[tilespmem:$0x1E400] =	vst v63  }
0x84: {  	_ =	swait.ge [sflag:s14], $0x4000  }
0x85: {  	[sflag:s14] =	ssyncset.done $0x0  }
0x86: {  	[sflag:s14] =	ssyncadd.s32 $0xFFFFC000  }
0x87: {  	_ =	swait.ge [sflag:s20], $0x4000  }
0x88: {  	[sflag:s20] =	ssyncset.done $0x0  }
0x89: {  	[sflag:s20] =	ssyncadd.s32 $0xFFFFC000  }
0x8a: {  	[spmem:s2] =	stream.indirect.scatter.add.f32 [tilespmem:s18], [sflag:$0x3], $0x80, s22, s16, $0xb8;
	[tilespmem:$0x1E400] =	vst v63  }
0x8b: {  	_ =	swait.ge [sflag:s14], $0x4000  }
0x8c: {  	s23 =	sadd.s32 $0x1, s23;
	[sflag:s14] =	ssyncset.done $0x0  }
0x8d: {  	p0 =	sne.s32 s23, s8;
	[sflag:s14] =	ssyncadd.s32 $0xFFFFC000  }
.Ltmp2:
0x8e: {  	[bflag:$0x0] =	sbarrier.arrive $0xFFFF;
	(pc) =	sbr.rel @p0 .LBB2_1-.Ltmp2, $4  }
0x8f: {  	[hbm:s7], [sflag:s6] =	dma.local [spmem:s13], $0x2780  }
0x90: {  	_ =	swait.ge [sflag:s14], $0x2780  }
0x91: {  	[sflag:s14] =	ssyncset.done $0x0  }
0x92: {  	[sflag:s14] =	ssyncadd.s32 $0xFFFFD880  }
0x93: {  	_ =	sfence.sel $0x180000  }
0x94: {  	[bflag:$0x0] =	sbarrier.arrive $0xFFFF  }
0x95: {  	p0 =	sne.s32 s3, $0x0;
	_ =	strace $0x9000004A  }
0x96: {  	s0 =	sadd.s32 @!p0 $0x100000, s0;
	[bflag:$0x2] =	sbarrier.arrive $0xFFFF  }
0x97: {  	[sflag:s0] =	ssyncadd.tile.s32 @!p0 $0x1;
	_ =	shalt  }
.Lfunc_end2:
_tile_overlayer_lowered:
.L_overlay_start_2:
0x98: {  	(tag) =	ssettag $0x2  }
0x99: {  	s0 =	rddreg [dreg:$0x0];
	s2 =	stileid.u32  }
0x9a: {  	s1 =	rddreg [dreg:$0x1];
	p0 =	sne.s32 s2, $0x0  }
0x9b: {  	s3 =	rddreg [dreg:$0x2];
	[bflag:$0x3] =	sbarrier.arrive $0xFFFF;
	s2 =	simm.s32 @!p0 $0x1C03  }
0x9c: {  	[timem:s3], [sflag:s2] =	dma.local @!p0 [hbm:s0], s1  }
0x9d: {  	s0 =	simm.s32 @!p0 $0x3  }
0x9e: {  	_ =	swait.ge @!p0 [sflag:s0], s1  }
0x9f: {  	s1 =	ssub.s32 @!p0 $0x0, s1;
	[sflag:s0] =	ssyncset.done @!p0 $0x0  }
0xa0: {  	[sflag:s0] =	ssyncadd.s32 @!p0 s1  }
0xa1: {  	[bflag:$0x3] =	sbarrier.arrive $0xFFFF  }
0xa2: {  	_ =	shalt  }

// kernel: kernel.17.cloned.1.call-start
scs
__scs_entry_jumppad:
0x0: {  	(pc) =	sbr.rel $0x88, $3  }
0x1: {  	(tag) =	ssettag $0x0;
	lr =	simm.s32 $0x1  }
0x2: {  	[smem:$0x3F54] =	sst lr;
	_ =	strace $0xD0000000  }
0x3: {  	_ = 	snop  }
0x4: {  	_ = 	snop  }
0x5: {  	_ = 	snop  }
0x6: {  	_ = 	snop  }
0x7: {  	_ = 	snop  }
__scs_overlays_trampoline_lowered:
0x8: {  	[smem:$0x3F63] =	sst s0  }
0x9: {  	[smem:$0x3F64] =	sst s1  }
0xa: {  	[smem:$0x3F65] =	sst s2  }
0xb: {  	[smem:$0x3F66] =	sst s3  }
0xc: {  	[smem:$0x3F67] =	sst s4  }
0xd: {  	[smem:$0x3F68] =	sst s5  }
0xe: {  	[smem:$0x3F69] =	sst s6  }
0xf: {  	[smem:$0x3F6A] =	sst s7  }
0x10: {  	[smem:$0x3F6B] =	sst s8  }
0x11: {  	[smem:$0x3F6C] =	sst s9;
	s0 =	simm.s32 @!p0 $0x0  }
0x12: {  	s1 =	sld [smem:$0x3F52];
	s0 =	simm.s32 @p0 $0x1  }
0x13: {  	[smem:$0x3F6D] =	sst s0;
	s0 =	simm.s32 @!p1 $0x0  }
0x14: {  	s2 =	sld [smem:$0x3F51];
	s0 =	simm.s32 @p1 $0x1  }
0x15: {  	[smem:$0x3F6E] =	sst s0;
	s0 =	simm.s32 @!p2 $0x0  }
0x16: {  	s3 =	sld [smem:$0x3FDB];
	s0 =	simm.s32 @p2 $0x1  }
0x17: {  	s4 =	simm.s32 $0x1BF5;
	[smem:$0x3F70] =	sst s0  }
0x18: {  	s0 =	sld [smem:$0x3F53];
	_ =	swait.ge [sflag:s4], $0x0  }
0x19: {  	s7 =	sld [smem:$0x3F54]  }
0x1a: {  	s8 =	sadd.s32 $0xFFFFE003, lr  }
0x1b: {  	s9 =	sadd.s32 $0xFFFFFEF7, lr;
	s5 =	simm.s32 $0xFFFFFFFF;
	p2 =	slt.u32 s8, $0xFFFFF086  }
0x1c: {  	p1 =	slt.u32 s9, $0xF7A;
	s5 =	simm.s32 @!p2 $0x0  }
0x1d: {  	s5 =	simm.s32 @p1 $0x1;
	p0 =	seq.s32 s7, s2  }
0x1e: {  	s7 =	smul.u32 @!p0 $0xF7A, s2;
	p2 =	seq.s32 @!p0 s5, $0x0  }
0x1f: {  	s9 =	smul.u32 $0xF7A, s1;
	s8 =	simm.s32 @!p0 $0x1BF5;
	p2 =	por !p2, p0  }
0x20: {  	[sflag:s8] =	ssyncset.s32 @!p0 $0xFFFFF086;
	s6 =	sadd.s32 @!p0 s3, s7;
	s7 =	simm.s32 @!p0 $0x108  }
0x21: {  	s3 =	sadd.s32 s3, s9;
	s6 =	sadd.s32 @!p0 $0x88, s6;
	s7 =	simm.s32 @p2 $0x1082  }
0x22: {  	[simem:s7], [sflag:s8] =	dma.local @!p0 [hbm:s6], $0xF7A  }
0x23: {  	s9 =	sor.u32 $0xD0000000, s2;
	s6 =	simm.s32 $0x108;
	_ =	swait.ge @!p0 [sflag:s8], $0x0  }
0x24: {  	s3 =	sadd.s32 $0x88, s3;
	s6 =	simm.s32 @!p1 $0x1082;
	[sflag:s4] =	ssyncset.s32 $0xFFFFF086  }
0x25: {  	[simem:s6], [sflag:s4] =	dma.local [hbm:s3], $0xF7A  }
0x26: {  	[smem:$0x3F54] =	sst s1;
	(tag) =	ssettag s2;
	_ =	strace s9  }
0x27: {  	s1 =	sld [smem:$0x3F64]  }
0x28: {  	s2 =	sld [smem:$0x3F65]  }
0x29: {  	s4 =	sld [smem:$0x3F67]  }
0x2a: {  	p0 =	seq.s32 s5, $0x0;
	s5 =	sld [smem:$0x3F68]  }
0x2b: {  	s6 =	sld [smem:$0x3F69]  }
0x2c: {  	s7 =	sld [smem:$0x3F6A]  }
0x2d: {  	s3 =	simm.s32 $0x108;
	s8 =	sld [smem:$0x3F6B]  }
0x2e: {  	s3 =	simm.s32 @!p0 $0x1082;
	s9 =	sld [smem:$0x3F6C]  }
0x2f: {  	lr =	sadd.s32 s0, s3;
	s0 =	sld [smem:$0x3F63]  }
0x30: {  	s3 =	sld [smem:$0x3F66]  }
0x31: {  	[smem:$0x3F6F] =	sst s10  }
0x32: {  	s10 =	sld [smem:$0x3F6D];
	_ =	sdelay $0x3  }
0x33: {  	p0 =	seq.s32 s10, $0x1;
	s10 =	sld [smem:$0x3F6F];
	_ =	sdelay $0x3  }
0x34: {  	[smem:$0x3F6F] =	sst s10  }
0x35: {  	s10 =	sld [smem:$0x3F6E];
	_ =	sdelay $0x3  }
0x36: {  	p1 =	seq.s32 s10, $0x1;
	s10 =	sld [smem:$0x3F6F];
	_ =	sdelay $0x3  }
0x37: {  	[smem:$0x3F6F] =	sst s10  }
0x38: {  	s10 =	sld [smem:$0x3F70]  }
0x39: {  	_ = 	snop;
	(pc) =	sbr.ind lr, $3  }
0x3a: {  	_ = 	snop  }
0x3b: {  	_ = 	snop  }
0x3c: {  	p2 =	seq.s32 s10, $0x1;
	s10 =	sld [smem:$0x3F6F]  }
0x3d: {  	_ =	shalt  }
0x3e: {  	_ =	shalt  }
0x3f: {  	_ =	shalt  }
0x40: {  	_ =	shalt  }
0x41: {  	_ =	shalt  }
0x42: {  	_ =	shalt  }
0x43: {  	_ =	shalt  }
0x44: {  	_ =	shalt  }
0x45: {  	_ =	shalt  }
0x46: {  	_ =	shalt  }
0x47: {  	_ =	shalt  }
0x48: {  	_ =	shalt  }
0x49: {  	_ =	shalt  }
0x4a: {  	_ =	shalt  }
0x4b: {  	_ =	shalt  }
0x4c: {  	_ =	shalt  }
0x4d: {  	_ =	shalt  }
0x4e: {  	_ =	shalt  }
0x4f: {  	_ =	shalt  }
0x50: {  	_ =	shalt  }
0x51: {  	_ =	shalt  }
0x52: {  	_ =	shalt  }
0x53: {  	_ =	shalt  }
0x54: {  	_ =	shalt  }
0x55: {  	_ =	shalt  }
0x56: {  	_ =	shalt  }
0x57: {  	_ =	shalt  }
0x58: {  	_ =	shalt  }
0x59: {  	_ =	shalt  }
0x5a: {  	_ =	shalt  }
0x5b: {  	_ =	shalt  }
0x5c: {  	_ =	shalt  }
0x5d: {  	_ =	shalt  }
0x5e: {  	_ =	shalt  }
0x5f: {  	_ =	shalt  }
0x60: {  	_ =	shalt  }
0x61: {  	_ =	shalt  }
0x62: {  	_ =	shalt  }
0x63: {  	_ =	shalt  }
0x64: {  	_ =	shalt  }
0x65: {  	_ =	shalt  }
0x66: {  	_ =	shalt  }
0x67: {  	_ =	shalt  }
0x68: {  	_ =	shalt  }
0x69: {  	_ =	shalt  }
0x6a: {  	_ =	shalt  }
0x6b: {  	_ =	shalt  }
0x6c: {  	_ =	shalt  }
0x6d: {  	_ =	shalt  }
0x6e: {  	_ =	shalt  }
0x6f: {  	_ =	shalt  }
0x70: {  	_ =	shalt  }
0x71: {  	_ =	shalt  }
0x72: {  	_ =	shalt  }
0x73: {  	_ =	shalt  }
0x74: {  	_ =	shalt  }
0x75: {  	_ =	shalt  }
0x76: {  	_ =	shalt  }
0x77: {  	_ =	shalt  }
0x78: {  	_ =	shalt  }
0x79: {  	_ =	shalt  }
0x7a: {  	_ =	shalt  }
0x7b: {  	_ =	shalt  }
0x7c: {  	_ =	shalt  }
0x7d: {  	_ =	shalt  }
0x7e: {  	_ =	shalt  }
0x7f: {  	_ =	shalt  }
0x80: {  	_ =	shalt  }
0x81: {  	_ =	shalt  }
0x82: {  	_ =	shalt  }
0x83: {  	_ =	shalt  }
0x84: {  	_ =	shalt  }
0x85: {  	_ =	shalt  }
0x86: {  	_ =	shalt  }
0x87: {  	_ =	shalt  }
.Lfunc_end0:
.L_simem_size_0:
called_computation.2_lowered:
.L_overlay_start_0:
0x88: {  	s2 =	sld [smem:$0x3FD9]  }
0x89: {  	s3 =	sld [smem:$0x3FFE];
	_ =	sdelay $0x1  }
0x8a: {  	s1 =	srdreg.scid  }
0x8b: {  	s0 =	sand.u32 $0x1, s1  }
0x8c: {  	s17 =	sshll.u32 s0, $0xA;
	s2 =	sadd.s32 s3, s2  }
0x8d: {  	s2 =	sadd.s32 s2, s17  }
0x8e: {  	[smem:$0x3F7B] =	sst s2  }
0x8f: {  	_ = 	snop  }
0x90: {  	s2 =	sld [smem:$0x3FD0];
	(tm) =	ssettm $0x1  }
0x91: {  	s18 =	sld [smem:$0x3FFB];
	_ =	sdelay $0x3  }
0x92: {  	_ =	strace s18  }
0x93: {  	s3 =	sld [smem:$0x3FFC];
	_ =	sdelay $0x3  }
0x94: {  	_ =	strace s3  }
0x95: {  	s3 =	sld [smem:$0x3FFD];
	_ =	sdelay $0x3  }
0x96: {  	_ =	strace s3  }
0x97: {  	_ =	strace $0x8FFFFFFF  }
0x98: {  	s19 =	sld [smem:$0x3FDB];
	_ =	sdelay $0x1  }
0x99: {  	s4 =	simm.s32 $_scs_section_size  }
0x9a: {  	s5 =	simm.s32 $_size__tile_overlayer_lowered;
	s6 =	simm.s32 $_tile_overlayer_lowered  }
0x9b: {  	s22 =	simm.s32 $0x1BFF;
	s21 =	sshll.u32 s6, $0x1;
	s3 =	sadd.s32 s4, s19  }
0x9c: {  	s7 =	simm.s32 $0x0;
	s20 =	sshll.u32 s5, $0x1;
	s5 =	sadd.s32 s21, s3  }
0x9d: {  	[timem:s7], [sflag:s22] =	dma.local [hbm:s5], s20  }
0x9e: {  	_ =	swait.ge [sflag:s22], s20  }
0x9f: {  	s4 =	ssub.s32 $0x0, s20;
	[sflag:s22] =	ssyncset.done $0x0  }
0xa0: {  	[sflag:s22] =	ssyncadd.s32 s4;
	_ =	sdelay $0x1  }
0xa1: {  	s23 =	simm.s32 $0x1B8B  }
0xa2: {  	_ =	swait.ge [sflag:s23], $0x1  }
0xa3: {  	[sflag:s23] =	ssyncset.done $0x0  }
0xa4: {  	s25 =	simm.s32 $0x1B8E;
	s24 =	sld [smem:$0x3FFE];
	[sflag:s23] =	ssyncadd.s32 $0xFFFFFFFF  }
0xa5: {  	s26 =	simm.s32 $execute0_lowered;
	[smem:$0x3FD2] =	sst s25  }
0xa6: {  	s5 =	sshll.u32 s26, $0x1;
	_ =	strace $0x8000004C;
	[dreg:$0x1] =	wrdreg $0xFFFFFFFF  }
0xa7: {  	s28 =	simm.s32 $_size_execute0_lowered;
	s3 =	sadd.s32 s3, s5;
	[dreg:$0x0] =	wrdreg $0x0  }
0xa8: {  	s5 =	sshll.u32 s28, $0x1;
	[dreg:$0x2] =	wrdreg s3  }
0xa9: {  	[dreg:$0x3] =	wrdreg s5  }
0xaa: {  	[dreg:$0x4] =	wrdreg $0xC0  }
0xab: {  	_ =	task [dreg:s7], $0x5FFFF  }
0xac: {  	[dreg:$0x1] =	wrdreg $0xFFFFFFFF  }
0xad: {  	[dreg:$0x0] =	wrdreg $0x60  }
0xae: {  	[dreg:$0x2] =	wrdreg s2  }
0xaf: {  	[dreg:$0x3] =	wrdreg s24  }
0xb0: {  	[dreg:$0x4] =	wrdreg $0xA8000  }
0xb1: {  	[dreg:$0x5] =	wrdreg $0x9  }
0xb2: {  	_ =	task.clear_ibuf [dreg:s7], $0x6FFFF;
	_ =	strace $0x9000004C  }
0xb3: {  	s29 =	simm.s32 $0x9;
	_ =	strace $0x8000004E  }
0xb4: {  	_ =	swait.ge [sflag:s29], $0x1  }
0xb5: {  	[sflag:s29] =	ssyncadd.s32 $0xFFFFFFFF  }
0xb6: {  	_ =	strace $0x9000004E  }
0xb7: {  	_ =	sfence  }
0xb8: {  	s30 =	sld [smem:$0x0];
	_ =	sdelay $0x2  }
0xb9: {  	s31 =	sshll.u32 s1, $0xD;
	s1 =	sshrl.u32 s1, $0x2  }
0xba: {  	s3 =	sand.u32 $0x4000, s31;
	s1 =	sadd.s32 s1, s30  }
0xbb: {  	s0 =	sor.u32 s3, s0;
	s1 =	sshll.u32 s1, $0x11  }
0xbc: {  	s0 =	sor.u32 s1, s0  }
0xbd: {  	s0 =	sadd.s32 $0x8F2B, s0  }
0xbe: {  	[sflag:s0] =	ssyncadd.remote.s32 $0x1  }
0xbf: {  	_ =	sfence.sel $0xFFFF  }
0xc0: {  	[dreg:$0x0] =	wrdreg $0xFFFFFFFF;
	(pc) =	sbr.abs _section_cstart, $3  }
0xc1: {  	[dreg:$0x1] =	wrdreg $0xFFFFFFFF  }
0xc2: {  	_ =	task.clear_ibuf [dreg:s7], $0x2FFFF;
	_ =	strace $0x9FFFFFFF  }
0xc3: {  	(tm) =	ssettm $0x7FFFFFFF  }
tec
execute0_lowered:
.L_overlay_start_1:
0x0: {  	(tag) =	ssettag $0x1  }
0x1: {  	s1 =	rddreg [dreg:$0x0]  }
0x2: {  	s6 =	rddreg [dreg:$0x1]  }
0x3: {  	s2 =	rddreg [dreg:$0x2]  }
0x4: {  	s0 =	rddreg [dreg:$0x3];
	s4 =	simm.s32 $0x0;
	s3 =	srdreg.scid  }
0x5: {  	s18 =	simm.s32 $0x6800;
	s19 =	simm.s32 $0x1;
	s7 =	sand.u32 $0x1, s3  }
0x6: {  	s20 =	simm.s32 $0x2;
	s3 =	stileid.u32;
	s8 =	smul.u32 $0x13C000, s7  }
0x7: {  	s21 =	simm.s32 $0x2700;
	s22 =	simm.s32 $0x2780;
	s9 =	smul.u32 $0x13C00, s3  }
0x8: {  	[smem:$0x7FF] =	sst s4;
	s11 =	sadd.s32 $0xD800, s6;
	s10 =	smul.u32 $0x4F000, s3  }
0x9: {  	s12 =	sadd.s32 $0x17800, s6;
	s5 =	sadd.s32 $0x1C800, s6;
	s14 =	smul.u32 $0x50, s3  }
0xa: {  	_ =	strace $0x8000004D;
	s23 =	ssub.s32 $0x2, s7;
	s24 =	smul.u32 $0x28000, s7  }
0xb: {  	s26 =	sshll.u32 s3, $0x6;
	s28 =	smul.u32 $0x2800, s3;
	s13 =	sshrl.u32 s23, $0x1  }
0xc: {  	s17 =	smul.u32 $0x500, s3;
	s8 =	sadd.s32 s9, s8;
	s9 =	ssub.s32 s23, s13  }
0xd: {  	s25 =	sshrl.u32 s10, $0x2;
	s14 =	sadd.s32 $0x28, s14;
	s29 =	sadd.s32 s24, s28  }
0xe: {  	s23 =	simm.s32 $0x0;
	s8 =	sshrl.u32 s8, $0x3;
	s15 =	sadd.s32 s25, s2  }
0xf: {  	s30 =	sshll.u32 s14, $0x7;
	s16 =	sshrl.u32 s29, $0x3;
	s31 =	sshll.u32 s14, $0x4  }
0x10: {  	s14 =	simm.s32 $0x3;
	s8 =	sadd.s32 s8, s6;
	s6 =	sor.u32 $0x1C03, s26  }
0x11: {  	s10 =	sadd.s32 s24, s30;
	s7 =	sadd.s32 $0x1F000, s8;
	s8 =	smax.u32 s9, $0x1  }
0x12: {  	s9 =	sadd.s32 s11, s16;
	s13 =	sshrl.u32 s10, $0x3;
	s10 =	sadd.s32 s12, s17  }
0x13: {  	s12 =	sadd.s32 s12, s31;
	s16 =	simm.s32 $0x80;
	s17 =	simm.s32 $0x2800  }
0x14: {  	s11 =	sadd.s32 s11, s13;
	s13 =	sshrl.u32 s15, $0x3;
	s15 =	simm.s32 $0x1400  }
.LBB2_1:
0x15: {  	[spmem:s13], [sflag:s6] =	dma.local [hbm:s5], $0x2780  }
0x16: {  	_ =	swait.ge [sflag:s14], $0x2780  }
0x17: {  	[sflag:s14] =	ssyncset.done $0x0  }
0x18: {  	[sflag:s14] =	ssyncadd.s32 $0xFFFFD880  }
0x19: {  	[bflag:$0x0] =	sbarrier.arrive $0xFFFF  }
0x1a: {  	[tilespmem:s4], [sflag:$0x3] =	stream.linear.gather [hbm4b:s9+s4], $0x1400, $0x38;
	[tilespmem:$0x1E400] =	vst v63  }
0x1b: {  	_ =	swait.ge [sflag:s14], $0x1400  }
0x1c: {  	[sflag:s14] =	ssyncset.done $0x0  }
0x1d: {  	[sflag:s14] =	ssyncadd.s32 $0xFFFFEC00  }
0x1e: {  	[tilespmem:s15], [sflag:$0x3] =	stream.linear.gather [hbm4b:s10+s4], $0x1400, $0x38;
	[tilespmem:$0x1E400] =	vst v63  }
0x1f: {  	_ =	swait.ge [sflag:s14], $0x1400  }
0x20: {  	[sflag:s14] =	ssyncset.done $0x0  }
0x21: {  	[sflag:s14] =	ssyncadd.s32 $0xFFFFEC00  }
0x22: {  	[tilespmem:s17], [sflag:$0x1] =	stream.indirect.gather [hbm4b:s1+s16], $0x80, s4, s16, $0xb8;
	[tilespmem:$0x1E400] =	vst v63  }
0x23: {  	_ = 	snop  }
0x24: {  	[tilespmem:s18], [sflag:$0x2] =	stream.indirect.gather [hbm4b:s1+s16], $0x80, s16, s16, $0xb8;
	[tilespmem:$0x1E400] =	vst v63  }
0x25: {  	_ =	swait.ge [sflag:s19], $0x4000  }
0x26: {  	[sflag:s19] =	ssyncset.done $0x0  }
0x27: {  	s24 =	simm.s32 $0x1400;
	[sflag:s19] =	ssyncadd.s32 $0xFFFFC000  }
0x28: {  	[spmem:s2] =	stream.indirect.scatter.add.f32 [tilespmem:s17], [sflag:$0x3], $0x80, s24, s16, $0xb8;
	[tilespmem:$0x1E400] =	vst v63  }
0x29: {  	_ =	swait.ge [sflag:s14], $0x4000  }
0x2a: {  	[sflag:s14] =	ssyncset.done $0x0  }
0x2b: {  	s30 =	simm.s32 $0x100;
	[sflag:s14] =	ssyncadd.s32 $0xFFFFC000  }
0x2c: {  	[tilespmem:s17], [sflag:$0x1] =	stream.indirect.gather [hbm4b:s1+s16], $0x80, s30, s16, $0xb8;
	[tilespmem:$0x1E400] =	vst v63  }
0x2d: {  	_ =	swait.ge [sflag:s20], $0x4000  }
0x2e: {  	[sflag:s20] =	ssyncset.done $0x0  }
0x2f: {  	s31 =	simm.s32 $0x1480;
	[sflag:s20] =	ssyncadd.s32 $0xFFFFC000  }
0x30: {  	[spmem:s2] =	stream.indirect.scatter.add.f32 [tilespmem:s18], [sflag:$0x3], $0x80, s31, s16, $0xb8;
	[tilespmem:$0x1E400] =	vst v63  }
0x31: {  	_ =	swait.ge [sflag:s14], $0x4000  }
0x32: {  	[sflag:s14] =	ssyncset.done $0x0  }
0x33: {  	s25 =	simm.s32 $0x180;
	s24 =	simm.s32 $0x400;
	[sflag:s14] =	ssyncadd.s32 $0xFFFFC000  }
.LBB2_2:
0x34: {  	[tilespmem:s18], [sflag:$0x2] =	stream.indirect.gather [hbm4b:s1+s16], $0x80, s25, s16, $0xb8;
	[tilespmem:$0x1E400] =	vst v63  }
0x35: {  	s25 =	smov.u32 s24  }
0x36: {  	p0 =	sne.s32 s24, $0x4800;
	s24 =	sadd.s32 $0x400, s24;
	_ =	swait.ge [sflag:s19], $0x4000  }
0x37: {  	s25 =	sshra.s32 s25, $0x2;
	[sflag:s19] =	ssyncset.done $0x0  }
0x38: {  	s26 =	sadd.s32 $0x1400, s25;
	[sflag:s19] =	ssyncadd.s32 $0xFFFFC000  }
0x39: {  	[spmem:s2] =	stream.indirect.scatter.add.f32 [tilespmem:s17], [sflag:$0x3], $0x80, s26, s16, $0xb8;
	[tilespmem:$0x1E400] =	vst v63  }
0x3a: {  	_ =	swait.ge [sflag:s14], $0x4000  }
0x3b: {  	[sflag:s14] =	ssyncset.done $0x0  }
0x3c: {  	s26 =	sadd.s32 $0x100, s25;
	[sflag:s14] =	ssyncadd.s32 $0xFFFFC000  }
0x3d: {  	[tilespmem:s17], [sflag:$0x1] =	stream.indirect.gather [hbm4b:s1+s16], $0x80, s26, s16, $0xb8;
	[tilespmem:$0x1E400] =	vst v63  }
0x3e: {  	_ =	swait.ge [sflag:s20], $0x4000  }
0x3f: {  	[sflag:s20] =	ssyncset.done $0x0  }
.Ltmp0:
0x40: {  	s26 =	sadd.s32 $0x1480, s25;
	[sflag:s20] =	ssyncadd.s32 $0xFFFFC000;
	(pc) =	sbr.rel @p0 .LBB2_2-.Ltmp0, $4  }
0x41: {  	[spmem:s2] =	stream.indirect.scatter.add.f32 [tilespmem:s18], [sflag:$0x3], $0x80, s26, s16, $0xb8;
	[tilespmem:$0x1E400] =	vst v63  }
0x42: {  	_ =	swait.ge [sflag:s14], $0x4000  }
0x43: {  	[sflag:s14] =	ssyncset.done $0x0  }
0x44: {  	s25 =	sadd.s32 $0x180, s25;
	[sflag:s14] =	ssyncadd.s32 $0xFFFFC000  }
0x45: {  	[tilespmem:s18], [sflag:$0x2] =	stream.indirect.gather [hbm4b:s1+s16], $0x80, s25, s16, $0xb8;
	[tilespmem:$0x1E400] =	vst v63  }
0x46: {  	_ =	swait.ge [sflag:s19], $0x4000  }
0x47: {  	[sflag:s19] =	ssyncset.done $0x0  }
0x48: {  	[sflag:s19] =	ssyncadd.s32 $0xFFFFC000  }
0x49: {  	[spmem:s2] =	stream.indirect.scatter.add.f32 [tilespmem:s17], [sflag:$0x3], $0x80, s21, s16, $0xb8;
	[tilespmem:$0x1E400] =	vst v63  }
0x4a: {  	_ =	swait.ge [sflag:s14], $0x4000  }
0x4b: {  	[sflag:s14] =	ssyncset.done $0x0  }
0x4c: {  	[sflag:s14] =	ssyncadd.s32 $0xFFFFC000  }
0x4d: {  	_ =	swait.ge [sflag:s20], $0x4000  }
0x4e: {  	[sflag:s20] =	ssyncset.done $0x0  }
0x4f: {  	[sflag:s20] =	ssyncadd.s32 $0xFFFFC000  }
0x50: {  	[spmem:s2] =	stream.indirect.scatter.add.f32 [tilespmem:s18], [sflag:$0x3], $0x80, s22, s16, $0xb8;
	[tilespmem:$0x1E400] =	vst v63  }
0x51: {  	_ =	swait.ge [sflag:s14], $0x4000  }
0x52: {  	[sflag:s14] =	ssyncset.done $0x0  }
0x53: {  	s24 =	simm.s32 $0x0;
	[sflag:s14] =	ssyncadd.s32 $0xFFFFC000  }
0x54: {  	[tilespmem:s24], [sflag:$0x3] =	stream.linear.gather [hbm4b:s11+s24], $0x1400, $0x38;
	[tilespmem:$0x1E400] =	vst v63  }
0x55: {  	_ =	swait.ge [sflag:s14], $0x1400  }
0x56: {  	[sflag:s14] =	ssyncset.done $0x0  }
0x57: {  	[sflag:s14] =	ssyncadd.s32 $0xFFFFEC00  }
0x58: {  	[tilespmem:s15], [sflag:$0x3] =	stream.linear.gather [hbm4b:s12+s24], $0x1400, $0x38;
	[tilespmem:$0x1E400] =	vst v63  }
0x59: {  	_ =	swait.ge [sflag:s14], $0x1400  }
0x5a: {  	[sflag:s14] =	ssyncset.done $0x0  }
0x5b: {  	[sflag:s14] =	ssyncadd.s32 $0xFFFFEC00  }
0x5c: {  	[tilespmem:s17], [sflag:$0x1] =	stream.indirect.gather [hbm4b:s1+s16], $0x80, s24, s16, $0xb8;
	[tilespmem:$0x1E400] =	vst v63  }
0x5d: {  	_ = 	snop  }
0x5e: {  	[tilespmem:s18], [sflag:$0x2] =	stream.indirect.gather [hbm4b:s1+s16], $0x80, s16, s16, $0xb8;
	[tilespmem:$0x1E400] =	vst v63  }
0x5f: {  	_ =	swait.ge [sflag:s19], $0x4000  }
0x60: {  	[sflag:s19] =	ssyncset.done $0x0  }
0x61: {  	s29 =	simm.s32 $0x1400;
	[sflag:s19] =	ssyncadd.s32 $0xFFFFC000  }
0x62: {  	[spmem:s2] =	stream.indirect.scatter.add.f32 [tilespmem:s17], [sflag:$0x3], $0x80, s29, s16, $0xb8;
	[tilespmem:$0x1E400] =	vst v63  }
0x63: {  	_ =	swait.ge [sflag:s14], $0x4000  }
0x64: {  	[sflag:s14] =	ssyncset.done $0x0  }
0x65: {  	s30 =	simm.s32 $0x100;
	[sflag:s14] =	ssyncadd.s32 $0xFFFFC000  }
0x66: {  	[tilespmem:s17], [sflag:$0x1] =	stream.indirect.gather [hbm4b:s1+s16], $0x80, s30, s16, $0xb8;
	[tilespmem:$0x1E400] =	vst v63  }
0x67: {  	_ =	swait.ge [sflag:s20], $0x4000  }
0x68: {  	[sflag:s20] =	ssyncset.done $0x0  }
0x69: {  	s31 =	simm.s32 $0x1480;
	[sflag:s20] =	ssyncadd.s32 $0xFFFFC000  }
0x6a: {  	[spmem:s2] =	stream.indirect.scatter.add.f32 [tilespmem:s18], [sflag:$0x3], $0x80, s31, s16, $0xb8;
	[tilespmem:$0x1E400] =	vst v63  }
0x6b: {  	_ =	swait.ge [sflag:s14], $0x4000  }
0x6c: {  	[sflag:s14] =	ssyncset.done $0x0  }
0x6d: {  	s25 =	simm.s32 $0x180;
	s24 =	simm.s32 $0x400;
	[sflag:s14] =	ssyncadd.s32 $0xFFFFC000  }
.LBB2_4:
0x6e: {  	[tilespmem:s18], [sflag:$0x2] =	stream.indirect.gather [hbm4b:s1+s16], $0x80, s25, s16, $0xb8;
	[tilespmem:$0x1E400] =	vst v63  }
0x6f: {  	s25 =	smov.u32 s24  }
0x70: {  	p0 =	sne.s32 s24, $0x4800;
	s24 =	sadd.s32 $0x400, s24;
	_ =	swait.ge [sflag:s19], $0x4000  }
0x71: {  	s25 =	sshra.s32 s25, $0x2;
	[sflag:s19] =	ssyncset.done $0x0  }
0x72: {  	s26 =	sadd.s32 $0x1400, s25;
	[sflag:s19] =	ssyncadd.s32 $0xFFFFC000  }
0x73: {  	[spmem:s2] =	stream.indirect.scatter.add.f32 [tilespmem:s17], [sflag:$0x3], $0x80, s26, s16, $0xb8;
	[tilespmem:$0x1E400] =	vst v63  }
0x74: {  	_ =	swait.ge [sflag:s14], $0x4000  }
0x75: {  	[sflag:s14] =	ssyncset.done $0x0  }
0x76: {  	s26 =	sadd.s32 $0x100, s25;
	[sflag:s14] =	ssyncadd.s32 $0xFFFFC000  }
0x77: {  	[tilespmem:s17], [sflag:$0x1] =	stream.indirect.gather [hbm4b:s1+s16], $0x80, s26, s16, $0xb8;
	[tilespmem:$0x1E400] =	vst v63  }
0x78: {  	_ =	swait.ge [sflag:s20], $0x4000  }
0x79: {  	[sflag:s20] =	ssyncset.done $0x0  }
.Ltmp1:
0x7a: {  	s26 =	sadd.s32 $0x1480, s25;
	[sflag:s20] =	ssyncadd.s32 $0xFFFFC000;
	(pc) =	sbr.rel @p0 .LBB2_4-.Ltmp1, $4  }
0x7b: {  	[spmem:s2] =	stream.indirect.scatter.add.f32 [tilespmem:s18], [sflag:$0x3], $0x80, s26, s16, $0xb8;
	[tilespmem:$0x1E400] =	vst v63  }
0x7c: {  	_ =	swait.ge [sflag:s14], $0x4000  }
0x7d: {  	[sflag:s14] =	ssyncset.done $0x0  }
0x7e: {  	s25 =	sadd.s32 $0x180, s25;
	[sflag:s14] =	ssyncadd.s32 $0xFFFFC000  }
0x7f: {  	[tilespmem:s18], [sflag:$0x2] =	stream.indirect.gather [hbm4b:s1+s16], $0x80, s25, s16, $0xb8;
	[tilespmem:$0x1E400] =	vst v63  }
0x80: {  	_ =	swait.ge [sflag:s19], $0x4000  }
0x81: {  	[sflag:s19] =	ssyncset.done $0x0  }
0x82: {  	[sflag:s19] =	ssyncadd.s32 $0xFFFFC000  }
0x83: {  	[spmem:s2] =	stream.indirect.scatter.add.f32 [tilespmem:s17], [sflag:$0x3], $0x80, s21, s16, $0xb8;
	[tilespmem:$0x1E400] =	vst v63  }
0x84: {  	_ =	swait.ge [sflag:s14], $0x4000  }
0x85: {  	[sflag:s14] =	ssyncset.done $0x0  }
0x86: {  	[sflag:s14] =	ssyncadd.s32 $0xFFFFC000  }
0x87: {  	_ =	swait.ge [sflag:s20], $0x4000  }
0x88: {  	[sflag:s20] =	ssyncset.done $0x0  }
0x89: {  	[sflag:s20] =	ssyncadd.s32 $0xFFFFC000  }
0x8a: {  	[spmem:s2] =	stream.indirect.scatter.add.f32 [tilespmem:s18], [sflag:$0x3], $0x80, s22, s16, $0xb8;
	[tilespmem:$0x1E400] =	vst v63  }
0x8b: {  	_ =	swait.ge [sflag:s14], $0x4000  }
0x8c: {  	s23 =	sadd.s32 $0x1, s23;
	[sflag:s14] =	ssyncset.done $0x0  }
0x8d: {  	p0 =	sne.s32 s23, s8;
	[sflag:s14] =	ssyncadd.s32 $0xFFFFC000  }
.Ltmp2:
0x8e: {  	[bflag:$0x0] =	sbarrier.arrive $0xFFFF;
	(pc) =	sbr.rel @p0 .LBB2_1-.Ltmp2, $4  }
0x8f: {  	[hbm:s7], [sflag:s6] =	dma.local [spmem:s13], $0x2780  }
0x90: {  	_ =	swait.ge [sflag:s14], $0x2780  }
0x91: {  	[sflag:s14] =	ssyncset.done $0x0  }
0x92: {  	[sflag:s14] =	ssyncadd.s32 $0xFFFFD880  }
0x93: {  	_ =	sfence.sel $0x180000  }
0x94: {  	[bflag:$0x0] =	sbarrier.arrive $0xFFFF  }
0x95: {  	p0 =	sne.s32 s3, $0x0;
	_ =	strace $0x9000004D  }
0x96: {  	s0 =	sadd.s32 @!p0 $0x100000, s0;
	[bflag:$0x2] =	sbarrier.arrive $0xFFFF  }
0x97: {  	[sflag:s0] =	ssyncadd.tile.s32 @!p0 $0x1;
	_ =	shalt  }
.Lfunc_end2:
_tile_overlayer_lowered:
.L_overlay_start_2:
0x98: {  	(tag) =	ssettag $0x2  }
0x99: {  	s0 =	rddreg [dreg:$0x0];
	s2 =	stileid.u32  }
0x9a: {  	s1 =	rddreg [dreg:$0x1];
	p0 =	sne.s32 s2, $0x0  }
0x9b: {  	s3 =	rddreg [dreg:$0x2];
	[bflag:$0x3] =	sbarrier.arrive $0xFFFF;
	s2 =	simm.s32 @!p0 $0x1C03  }
0x9c: {  	[timem:s3], [sflag:s2] =	dma.local @!p0 [hbm:s0], s1  }
0x9d: {  	s0 =	simm.s32 @!p0 $0x3  }
0x9e: {  	_ =	swait.ge @!p0 [sflag:s0], s1  }
0x9f: {  	s1 =	ssub.s32 @!p0 $0x0, s1;
	[sflag:s0] =	ssyncset.done @!p0 $0x0  }
0xa0: {  	[sflag:s0] =	ssyncadd.s32 @!p0 s1  }
0xa1: {  	[bflag:$0x3] =	sbarrier.arrive $0xFFFF  }
0xa2: {  	_ =	shalt  }

// kernel: kernel.20.cloned.1.call-start
scs
__scs_entry_jumppad:
0x0: {  	(pc) =	sbr.rel $0x88, $3  }
0x1: {  	(tag) =	ssettag $0x0;
	lr =	simm.s32 $0x1  }
0x2: {  	[smem:$0x3F54] =	sst lr;
	_ =	strace $0xD0000000  }
0x3: {  	_ = 	snop  }
0x4: {  	_ = 	snop  }
0x5: {  	_ = 	snop  }
0x6: {  	_ = 	snop  }
0x7: {  	_ = 	snop  }
__scs_overlays_trampoline_lowered:
0x8: {  	[smem:$0x3F63] =	sst s0  }
0x9: {  	[smem:$0x3F64] =	sst s1  }
0xa: {  	[smem:$0x3F65] =	sst s2  }
0xb: {  	[smem:$0x3F66] =	sst s3  }
0xc: {  	[smem:$0x3F67] =	sst s4  }
0xd: {  	[smem:$0x3F68] =	sst s5  }
0xe: {  	[smem:$0x3F69] =	sst s6  }
0xf: {  	[smem:$0x3F6A] =	sst s7  }
0x10: {  	[smem:$0x3F6B] =	sst s8  }
0x11: {  	[smem:$0x3F6C] =	sst s9;
	s0 =	simm.s32 @!p0 $0x0  }
0x12: {  	s1 =	sld [smem:$0x3F52];
	s0 =	simm.s32 @p0 $0x1  }
0x13: {  	[smem:$0x3F6D] =	sst s0;
	s0 =	simm.s32 @!p1 $0x0  }
0x14: {  	s2 =	sld [smem:$0x3F51];
	s0 =	simm.s32 @p1 $0x1  }
0x15: {  	[smem:$0x3F6E] =	sst s0;
	s0 =	simm.s32 @!p2 $0x0  }
0x16: {  	s3 =	sld [smem:$0x3FDB];
	s0 =	simm.s32 @p2 $0x1  }
0x17: {  	s4 =	simm.s32 $0x1BF5;
	[smem:$0x3F70] =	sst s0  }
0x18: {  	s0 =	sld [smem:$0x3F53];
	_ =	swait.ge [sflag:s4], $0x0  }
0x19: {  	s7 =	sld [smem:$0x3F54]  }
0x1a: {  	s8 =	sadd.s32 $0xFFFFE003, lr  }
0x1b: {  	s9 =	sadd.s32 $0xFFFFFEF7, lr;
	s5 =	simm.s32 $0xFFFFFFFF;
	p2 =	slt.u32 s8, $0xFFFFF086  }
0x1c: {  	p1 =	slt.u32 s9, $0xF7A;
	s5 =	simm.s32 @!p2 $0x0  }
0x1d: {  	s5 =	simm.s32 @p1 $0x1;
	p0 =	seq.s32 s7, s2  }
0x1e: {  	s7 =	smul.u32 @!p0 $0xF7A, s2;
	p2 =	seq.s32 @!p0 s5, $0x0  }
0x1f: {  	s9 =	smul.u32 $0xF7A, s1;
	s8 =	simm.s32 @!p0 $0x1BF5;
	p2 =	por !p2, p0  }
0x20: {  	[sflag:s8] =	ssyncset.s32 @!p0 $0xFFFFF086;
	s6 =	sadd.s32 @!p0 s3, s7;
	s7 =	simm.s32 @!p0 $0x108  }
0x21: {  	s3 =	sadd.s32 s3, s9;
	s6 =	sadd.s32 @!p0 $0x88, s6;
	s7 =	simm.s32 @p2 $0x1082  }
0x22: {  	[simem:s7], [sflag:s8] =	dma.local @!p0 [hbm:s6], $0xF7A  }
0x23: {  	s9 =	sor.u32 $0xD0000000, s2;
	s6 =	simm.s32 $0x108;
	_ =	swait.ge @!p0 [sflag:s8], $0x0  }
0x24: {  	s3 =	sadd.s32 $0x88, s3;
	s6 =	simm.s32 @!p1 $0x1082;
	[sflag:s4] =	ssyncset.s32 $0xFFFFF086  }
0x25: {  	[simem:s6], [sflag:s4] =	dma.local [hbm:s3], $0xF7A  }
0x26: {  	[smem:$0x3F54] =	sst s1;
	(tag) =	ssettag s2;
	_ =	strace s9  }
0x27: {  	s1 =	sld [smem:$0x3F64]  }
0x28: {  	s2 =	sld [smem:$0x3F65]  }
0x29: {  	s4 =	sld [smem:$0x3F67]  }
0x2a: {  	p0 =	seq.s32 s5, $0x0;
	s5 =	sld [smem:$0x3F68]  }
0x2b: {  	s6 =	sld [smem:$0x3F69]  }
0x2c: {  	s7 =	sld [smem:$0x3F6A]  }
0x2d: {  	s3 =	simm.s32 $0x108;
	s8 =	sld [smem:$0x3F6B]  }
0x2e: {  	s3 =	simm.s32 @!p0 $0x1082;
	s9 =	sld [smem:$0x3F6C]  }
0x2f: {  	lr =	sadd.s32 s0, s3;
	s0 =	sld [smem:$0x3F63]  }
0x30: {  	s3 =	sld [smem:$0x3F66]  }
0x31: {  	[smem:$0x3F6F] =	sst s10  }
0x32: {  	s10 =	sld [smem:$0x3F6D];
	_ =	sdelay $0x3  }
0x33: {  	p0 =	seq.s32 s10, $0x1;
	s10 =	sld [smem:$0x3F6F];
	_ =	sdelay $0x3  }
0x34: {  	[smem:$0x3F6F] =	sst s10  }
0x35: {  	s10 =	sld [smem:$0x3F6E];
	_ =	sdelay $0x3  }
0x36: {  	p1 =	seq.s32 s10, $0x1;
	s10 =	sld [smem:$0x3F6F];
	_ =	sdelay $0x3  }
0x37: {  	[smem:$0x3F6F] =	sst s10  }
0x38: {  	s10 =	sld [smem:$0x3F70]  }
0x39: {  	_ = 	snop;
	(pc) =	sbr.ind lr, $3  }
0x3a: {  	_ = 	snop  }
0x3b: {  	_ = 	snop  }
0x3c: {  	p2 =	seq.s32 s10, $0x1;
	s10 =	sld [smem:$0x3F6F]  }
0x3d: {  	_ =	shalt  }
0x3e: {  	_ =	shalt  }
0x3f: {  	_ =	shalt  }
0x40: {  	_ =	shalt  }
0x41: {  	_ =	shalt  }
0x42: {  	_ =	shalt  }
0x43: {  	_ =	shalt  }
0x44: {  	_ =	shalt  }
0x45: {  	_ =	shalt  }
0x46: {  	_ =	shalt  }
0x47: {  	_ =	shalt  }
0x48: {  	_ =	shalt  }
0x49: {  	_ =	shalt  }
0x4a: {  	_ =	shalt  }
0x4b: {  	_ =	shalt  }
0x4c: {  	_ =	shalt  }
0x4d: {  	_ =	shalt  }
0x4e: {  	_ =	shalt  }
0x4f: {  	_ =	shalt  }
0x50: {  	_ =	shalt  }
0x51: {  	_ =	shalt  }
0x52: {  	_ =	shalt  }
0x53: {  	_ =	shalt  }
0x54: {  	_ =	shalt  }
0x55: {  	_ =	shalt  }
0x56: {  	_ =	shalt  }
0x57: {  	_ =	shalt  }
0x58: {  	_ =	shalt  }
0x59: {  	_ =	shalt  }
0x5a: {  	_ =	shalt  }
0x5b: {  	_ =	shalt  }
0x5c: {  	_ =	shalt  }
0x5d: {  	_ =	shalt  }
0x5e: {  	_ =	shalt  }
0x5f: {  	_ =	shalt  }
0x60: {  	_ =	shalt  }
0x61: {  	_ =	shalt  }
0x62: {  	_ =	shalt  }
0x63: {  	_ =	shalt  }
0x64: {  	_ =	shalt  }
0x65: {  	_ =	shalt  }
0x66: {  	_ =	shalt  }
0x67: {  	_ =	shalt  }
0x68: {  	_ =	shalt  }
0x69: {  	_ =	shalt  }
0x6a: {  	_ =	shalt  }
0x6b: {  	_ =	shalt  }
0x6c: {  	_ =	shalt  }
0x6d: {  	_ =	shalt  }
0x6e: {  	_ =	shalt  }
0x6f: {  	_ =	shalt  }
0x70: {  	_ =	shalt  }
0x71: {  	_ =	shalt  }
0x72: {  	_ =	shalt  }
0x73: {  	_ =	shalt  }
0x74: {  	_ =	shalt  }
0x75: {  	_ =	shalt  }
0x76: {  	_ =	shalt  }
0x77: {  	_ =	shalt  }
0x78: {  	_ =	shalt  }
0x79: {  	_ =	shalt  }
0x7a: {  	_ =	shalt  }
0x7b: {  	_ =	shalt  }
0x7c: {  	_ =	shalt  }
0x7d: {  	_ =	shalt  }
0x7e: {  	_ =	shalt  }
0x7f: {  	_ =	shalt  }
0x80: {  	_ =	shalt  }
0x81: {  	_ =	shalt  }
0x82: {  	_ =	shalt  }
0x83: {  	_ =	shalt  }
0x84: {  	_ =	shalt  }
0x85: {  	_ =	shalt  }
0x86: {  	_ =	shalt  }
0x87: {  	_ =	shalt  }
.Lfunc_end0:
.L_simem_size_0:
called_computation.3_lowered:
.L_overlay_start_0:
0x88: {  	s2 =	sld [smem:$0x3FD9]  }
0x89: {  	s3 =	sld [smem:$0x3FFE];
	_ =	sdelay $0x1  }
0x8a: {  	s1 =	srdreg.scid  }
0x8b: {  	s0 =	sand.u32 $0x1, s1  }
0x8c: {  	s17 =	sshll.u32 s0, $0xA;
	s2 =	sadd.s32 s3, s2  }
0x8d: {  	s2 =	sadd.s32 s2, s17  }
0x8e: {  	[smem:$0x3F7B] =	sst s2  }
0x8f: {  	_ = 	snop  }
0x90: {  	s2 =	sld [smem:$0x3FD0];
	(tm) =	ssettm $0x1  }
0x91: {  	s18 =	sld [smem:$0x3FFB];
	_ =	sdelay $0x3  }
0x92: {  	_ =	strace s18  }
0x93: {  	s3 =	sld [smem:$0x3FFC];
	_ =	sdelay $0x3  }
0x94: {  	_ =	strace s3  }
0x95: {  	s3 =	sld [smem:$0x3FFD];
	_ =	sdelay $0x3  }
0x96: {  	_ =	strace s3  }
0x97: {  	_ =	strace $0x8FFFFFFF  }
0x98: {  	s19 =	sld [smem:$0x3FDB];
	_ =	sdelay $0x1  }
0x99: {  	s4 =	simm.s32 $_scs_section_size  }
0x9a: {  	s5 =	simm.s32 $_size__tile_overlayer_lowered;
	s6 =	simm.s32 $_tile_overlayer_lowered  }
0x9b: {  	s22 =	simm.s32 $0x1BFF;
	s21 =	sshll.u32 s6, $0x1;
	s3 =	sadd.s32 s4, s19  }
0x9c: {  	s7 =	simm.s32 $0x0;
	s20 =	sshll.u32 s5, $0x1;
	s5 =	sadd.s32 s21, s3  }
0x9d: {  	[timem:s7], [sflag:s22] =	dma.local [hbm:s5], s20  }
0x9e: {  	_ =	swait.ge [sflag:s22], s20  }
0x9f: {  	s4 =	ssub.s32 $0x0, s20;
	[sflag:s22] =	ssyncset.done $0x0  }
0xa0: {  	[sflag:s22] =	ssyncadd.s32 s4;
	_ =	sdelay $0x1  }
0xa1: {  	s23 =	simm.s32 $0x1B8B  }
0xa2: {  	_ =	swait.ge [sflag:s23], $0x1  }
0xa3: {  	[sflag:s23] =	ssyncset.done $0x0  }
0xa4: {  	s25 =	simm.s32 $0x1B8E;
	s24 =	sld [smem:$0x3FFE];
	[sflag:s23] =	ssyncadd.s32 $0xFFFFFFFF  }
0xa5: {  	s26 =	simm.s32 $execute0_lowered;
	[smem:$0x3FD2] =	sst s25  }
0xa6: {  	s5 =	sshll.u32 s26, $0x1;
	_ =	strace $0x8000004F;
	[dreg:$0x1] =	wrdreg $0xFFFFFFFF  }
0xa7: {  	s28 =	simm.s32 $_size_execute0_lowered;
	s3 =	sadd.s32 s3, s5;
	[dreg:$0x0] =	wrdreg $0x0  }
0xa8: {  	s5 =	sshll.u32 s28, $0x1;
	[dreg:$0x2] =	wrdreg s3  }
0xa9: {  	[dreg:$0x3] =	wrdreg s5  }
0xaa: {  	[dreg:$0x4] =	wrdreg $0xC0  }
0xab: {  	_ =	task [dreg:s7], $0x5FFFF  }
0xac: {  	[dreg:$0x1] =	wrdreg $0xFFFFFFFF  }
0xad: {  	[dreg:$0x0] =	wrdreg $0x60  }
0xae: {  	[dreg:$0x2] =	wrdreg s2  }
0xaf: {  	[dreg:$0x3] =	wrdreg s24  }
0xb0: {  	[dreg:$0x4] =	wrdreg $0xA8000  }
0xb1: {  	[dreg:$0x5] =	wrdreg $0x9  }
0xb2: {  	_ =	task.clear_ibuf [dreg:s7], $0x6FFFF;
	_ =	strace $0x9000004F  }
0xb3: {  	s29 =	simm.s32 $0x9;
	_ =	strace $0x80000051  }
0xb4: {  	_ =	swait.ge [sflag:s29], $0x1  }
0xb5: {  	[sflag:s29] =	ssyncadd.s32 $0xFFFFFFFF  }
0xb6: {  	_ =	strace $0x90000051  }
0xb7: {  	_ =	sfence  }
0xb8: {  	s30 =	sld [smem:$0x0];
	_ =	sdelay $0x2  }
0xb9: {  	s31 =	sshll.u32 s1, $0xD;
	s1 =	sshrl.u32 s1, $0x2  }
0xba: {  	s3 =	sand.u32 $0x4000, s31;
	s1 =	sadd.s32 s1, s30  }
0xbb: {  	s0 =	sor.u32 s3, s0;
	s1 =	sshll.u32 s1, $0x11  }
0xbc: {  	s0 =	sor.u32 s1, s0  }
0xbd: {  	s0 =	sadd.s32 $0x8F2B, s0  }
0xbe: {  	[sflag:s0] =	ssyncadd.remote.s32 $0x1  }
0xbf: {  	_ =	sfence.sel $0xFFFF  }
0xc0: {  	[dreg:$0x0] =	wrdreg $0xFFFFFFFF;
	(pc) =	sbr.abs _section_cstart, $3  }
0xc1: {  	[dreg:$0x1] =	wrdreg $0xFFFFFFFF  }
0xc2: {  	_ =	task.clear_ibuf [dreg:s7], $0x2FFFF;
	_ =	strace $0x9FFFFFFF  }
0xc3: {  	(tm) =	ssettm $0x7FFFFFFF  }
tec
execute0_lowered:
.L_overlay_start_1:
0x0: {  	(tag) =	ssettag $0x1  }
0x1: {  	s1 =	rddreg [dreg:$0x0]  }
0x2: {  	s6 =	rddreg [dreg:$0x1]  }
0x3: {  	s2 =	rddreg [dreg:$0x2]  }
0x4: {  	s0 =	rddreg [dreg:$0x3];
	s4 =	simm.s32 $0x0;
	s3 =	srdreg.scid  }
0x5: {  	s18 =	simm.s32 $0x6800;
	s19 =	simm.s32 $0x1;
	s7 =	sand.u32 $0x1, s3  }
0x6: {  	s20 =	simm.s32 $0x2;
	s3 =	stileid.u32;
	s8 =	smul.u32 $0x13C000, s7  }
0x7: {  	s21 =	simm.s32 $0x2700;
	s22 =	simm.s32 $0x2780;
	s9 =	smul.u32 $0x13C00, s3  }
0x8: {  	[smem:$0x7FF] =	sst s4;
	s11 =	sadd.s32 $0xD800, s6;
	s10 =	smul.u32 $0x4F000, s3  }
0x9: {  	s12 =	sadd.s32 $0x17800, s6;
	s5 =	sadd.s32 $0x1C800, s6;
	s14 =	smul.u32 $0x50, s3  }
0xa: {  	_ =	strace $0x80000050;
	s23 =	ssub.s32 $0x2, s7;
	s24 =	smul.u32 $0x28000, s7  }
0xb: {  	s26 =	sshll.u32 s3, $0x6;
	s28 =	smul.u32 $0x2800, s3;
	s13 =	sshrl.u32 s23, $0x1  }
0xc: {  	s17 =	smul.u32 $0x500, s3;
	s8 =	sadd.s32 s9, s8;
	s9 =	ssub.s32 s23, s13  }
0xd: {  	s25 =	sshrl.u32 s10, $0x2;
	s14 =	sadd.s32 $0x28, s14;
	s29 =	sadd.s32 s24, s28  }
0xe: {  	s23 =	simm.s32 $0x0;
	s8 =	sshrl.u32 s8, $0x3;
	s15 =	sadd.s32 s25, s2  }
0xf: {  	s30 =	sshll.u32 s14, $0x7;
	s16 =	sshrl.u32 s29, $0x3;
	s31 =	sshll.u32 s14, $0x4  }
0x10: {  	s14 =	simm.s32 $0x3;
	s8 =	sadd.s32 s8, s6;
	s6 =	sor.u32 $0x1C03, s26  }
0x11: {  	s10 =	sadd.s32 s24, s30;
	s7 =	sadd.s32 $0x1F000, s8;
	s8 =	smax.u32 s9, $0x1  }
0x12: {  	s9 =	sadd.s32 s11, s16;
	s13 =	sshrl.u32 s10, $0x3;
	s10 =	sadd.s32 s12, s17  }
0x13: {  	s12 =	sadd.s32 s12, s31;
	s16 =	simm.s32 $0x80;
	s17 =	simm.s32 $0x2800  }
0x14: {  	s11 =	sadd.s32 s11, s13;
	s13 =	sshrl.u32 s15, $0x3;
	s15 =	simm.s32 $0x1400  }
.LBB2_1:
0x15: {  	[spmem:s13], [sflag:s6] =	dma.local [hbm:s5], $0x2780  }
0x16: {  	_ =	swait.ge [sflag:s14], $0x2780  }
0x17: {  	[sflag:s14] =	ssyncset.done $0x0  }
0x18: {  	[sflag:s14] =	ssyncadd.s32 $0xFFFFD880  }
0x19: {  	[bflag:$0x0] =	sbarrier.arrive $0xFFFF  }
0x1a: {  	[tilespmem:s4], [sflag:$0x3] =	stream.linear.gather [hbm4b:s9+s4], $0x1400, $0x38;
	[tilespmem:$0x1E400] =	vst v63  }
0x1b: {  	_ =	swait.ge [sflag:s14], $0x1400  }
0x1c: {  	[sflag:s14] =	ssyncset.done $0x0  }
0x1d: {  	[sflag:s14] =	ssyncadd.s32 $0xFFFFEC00  }
0x1e: {  	[tilespmem:s15], [sflag:$0x3] =	stream.linear.gather [hbm4b:s10+s4], $0x1400, $0x38;
	[tilespmem:$0x1E400] =	vst v63  }
0x1f: {  	_ =	swait.ge [sflag:s14], $0x1400  }
0x20: {  	[sflag:s14] =	ssyncset.done $0x0  }
0x21: {  	[sflag:s14] =	ssyncadd.s32 $0xFFFFEC00  }
0x22: {  	[tilespmem:s17], [sflag:$0x1] =	stream.indirect.gather [hbm4b:s1+s16], $0x80, s4, s16, $0xb8;
	[tilespmem:$0x1E400] =	vst v63  }
0x23: {  	_ = 	snop  }
0x24: {  	[tilespmem:s18], [sflag:$0x2] =	stream.indirect.gather [hbm4b:s1+s16], $0x80, s16, s16, $0xb8;
	[tilespmem:$0x1E400] =	vst v63  }
0x25: {  	_ =	swait.ge [sflag:s19], $0x4000  }
0x26: {  	[sflag:s19] =	ssyncset.done $0x0  }
0x27: {  	s24 =	simm.s32 $0x1400;
	[sflag:s19] =	ssyncadd.s32 $0xFFFFC000  }
0x28: {  	[spmem:s2] =	stream.indirect.scatter.add.f32 [tilespmem:s17], [sflag:$0x3], $0x80, s24, s16, $0xb8;
	[tilespmem:$0x1E400] =	vst v63  }
0x29: {  	_ =	swait.ge [sflag:s14], $0x4000  }
0x2a: {  	[sflag:s14] =	ssyncset.done $0x0  }
0x2b: {  	s30 =	simm.s32 $0x100;
	[sflag:s14] =	ssyncadd.s32 $0xFFFFC000  }
0x2c: {  	[tilespmem:s17], [sflag:$0x1] =	stream.indirect.gather [hbm4b:s1+s16], $0x80, s30, s16, $0xb8;
	[tilespmem:$0x1E400] =	vst v63  }
0x2d: {  	_ =	swait.ge [sflag:s20], $0x4000  }
0x2e: {  	[sflag:s20] =	ssyncset.done $0x0  }
0x2f: {  	s31 =	simm.s32 $0x1480;
	[sflag:s20] =	ssyncadd.s32 $0xFFFFC000  }
0x30: {  	[spmem:s2] =	stream.indirect.scatter.add.f32 [tilespmem:s18], [sflag:$0x3], $0x80, s31, s16, $0xb8;
	[tilespmem:$0x1E400] =	vst v63  }
0x31: {  	_ =	swait.ge [sflag:s14], $0x4000  }
0x32: {  	[sflag:s14] =	ssyncset.done $0x0  }
0x33: {  	s25 =	simm.s32 $0x180;
	s24 =	simm.s32 $0x400;
	[sflag:s14] =	ssyncadd.s32 $0xFFFFC000  }
.LBB2_2:
0x34: {  	[tilespmem:s18], [sflag:$0x2] =	stream.indirect.gather [hbm4b:s1+s16], $0x80, s25, s16, $0xb8;
	[tilespmem:$0x1E400] =	vst v63  }
0x35: {  	s25 =	smov.u32 s24  }
0x36: {  	p0 =	sne.s32 s24, $0x4800;
	s24 =	sadd.s32 $0x400, s24;
	_ =	swait.ge [sflag:s19], $0x4000  }
0x37: {  	s25 =	sshra.s32 s25, $0x2;
	[sflag:s19] =	ssyncset.done $0x0  }
0x38: {  	s26 =	sadd.s32 $0x1400, s25;
	[sflag:s19] =	ssyncadd.s32 $0xFFFFC000  }
0x39: {  	[spmem:s2] =	stream.indirect.scatter.add.f32 [tilespmem:s17], [sflag:$0x3], $0x80, s26, s16, $0xb8;
	[tilespmem:$0x1E400] =	vst v63  }
0x3a: {  	_ =	swait.ge [sflag:s14], $0x4000  }
0x3b: {  	[sflag:s14] =	ssyncset.done $0x0  }
0x3c: {  	s26 =	sadd.s32 $0x100, s25;
	[sflag:s14] =	ssyncadd.s32 $0xFFFFC000  }
0x3d: {  	[tilespmem:s17], [sflag:$0x1] =	stream.indirect.gather [hbm4b:s1+s16], $0x80, s26, s16, $0xb8;
	[tilespmem:$0x1E400] =	vst v63  }
0x3e: {  	_ =	swait.ge [sflag:s20], $0x4000  }
0x3f: {  	[sflag:s20] =	ssyncset.done $0x0  }
.Ltmp0:
0x40: {  	s26 =	sadd.s32 $0x1480, s25;
	[sflag:s20] =	ssyncadd.s32 $0xFFFFC000;
	(pc) =	sbr.rel @p0 .LBB2_2-.Ltmp0, $4  }
0x41: {  	[spmem:s2] =	stream.indirect.scatter.add.f32 [tilespmem:s18], [sflag:$0x3], $0x80, s26, s16, $0xb8;
	[tilespmem:$0x1E400] =	vst v63  }
0x42: {  	_ =	swait.ge [sflag:s14], $0x4000  }
0x43: {  	[sflag:s14] =	ssyncset.done $0x0  }
0x44: {  	s25 =	sadd.s32 $0x180, s25;
	[sflag:s14] =	ssyncadd.s32 $0xFFFFC000  }
0x45: {  	[tilespmem:s18], [sflag:$0x2] =	stream.indirect.gather [hbm4b:s1+s16], $0x80, s25, s16, $0xb8;
	[tilespmem:$0x1E400] =	vst v63  }
0x46: {  	_ =	swait.ge [sflag:s19], $0x4000  }
0x47: {  	[sflag:s19] =	ssyncset.done $0x0  }
0x48: {  	[sflag:s19] =	ssyncadd.s32 $0xFFFFC000  }
0x49: {  	[spmem:s2] =	stream.indirect.scatter.add.f32 [tilespmem:s17], [sflag:$0x3], $0x80, s21, s16, $0xb8;
	[tilespmem:$0x1E400] =	vst v63  }
0x4a: {  	_ =	swait.ge [sflag:s14], $0x4000  }
0x4b: {  	[sflag:s14] =	ssyncset.done $0x0  }
0x4c: {  	[sflag:s14] =	ssyncadd.s32 $0xFFFFC000  }
0x4d: {  	_ =	swait.ge [sflag:s20], $0x4000  }
0x4e: {  	[sflag:s20] =	ssyncset.done $0x0  }
0x4f: {  	[sflag:s20] =	ssyncadd.s32 $0xFFFFC000  }
0x50: {  	[spmem:s2] =	stream.indirect.scatter.add.f32 [tilespmem:s18], [sflag:$0x3], $0x80, s22, s16, $0xb8;
	[tilespmem:$0x1E400] =	vst v63  }
0x51: {  	_ =	swait.ge [sflag:s14], $0x4000  }
0x52: {  	[sflag:s14] =	ssyncset.done $0x0  }
0x53: {  	s24 =	simm.s32 $0x0;
	[sflag:s14] =	ssyncadd.s32 $0xFFFFC000  }
0x54: {  	[tilespmem:s24], [sflag:$0x3] =	stream.linear.gather [hbm4b:s11+s24], $0x1400, $0x38;
	[tilespmem:$0x1E400] =	vst v63  }
0x55: {  	_ =	swait.ge [sflag:s14], $0x1400  }
0x56: {  	[sflag:s14] =	ssyncset.done $0x0  }
0x57: {  	[sflag:s14] =	ssyncadd.s32 $0xFFFFEC00  }
0x58: {  	[tilespmem:s15], [sflag:$0x3] =	stream.linear.gather [hbm4b:s12+s24], $0x1400, $0x38;
	[tilespmem:$0x1E400] =	vst v63  }
0x59: {  	_ =	swait.ge [sflag:s14], $0x1400  }
0x5a: {  	[sflag:s14] =	ssyncset.done $0x0  }
0x5b: {  	[sflag:s14] =	ssyncadd.s32 $0xFFFFEC00  }
0x5c: {  	[tilespmem:s17], [sflag:$0x1] =	stream.indirect.gather [hbm4b:s1+s16], $0x80, s24, s16, $0xb8;
	[tilespmem:$0x1E400] =	vst v63  }
0x5d: {  	_ = 	snop  }
0x5e: {  	[tilespmem:s18], [sflag:$0x2] =	stream.indirect.gather [hbm4b:s1+s16], $0x80, s16, s16, $0xb8;
	[tilespmem:$0x1E400] =	vst v63  }
0x5f: {  	_ =	swait.ge [sflag:s19], $0x4000  }
0x60: {  	[sflag:s19] =	ssyncset.done $0x0  }
0x61: {  	s29 =	simm.s32 $0x1400;
	[sflag:s19] =	ssyncadd.s32 $0xFFFFC000  }
0x62: {  	[spmem:s2] =	stream.indirect.scatter.add.f32 [tilespmem:s17], [sflag:$0x3], $0x80, s29, s16, $0xb8;
	[tilespmem:$0x1E400] =	vst v63  }
0x63: {  	_ =	swait.ge [sflag:s14], $0x4000  }
0x64: {  	[sflag:s14] =	ssyncset.done $0x0  }
0x65: {  	s30 =	simm.s32 $0x100;
	[sflag:s14] =	ssyncadd.s32 $0xFFFFC000  }
0x66: {  	[tilespmem:s17], [sflag:$0x1] =	stream.indirect.gather [hbm4b:s1+s16], $0x80, s30, s16, $0xb8;
	[tilespmem:$0x1E400] =	vst v63  }
0x67: {  	_ =	swait.ge [sflag:s20], $0x4000  }
0x68: {  	[sflag:s20] =	ssyncset.done $0x0  }
0x69: {  	s31 =	simm.s32 $0x1480;
	[sflag:s20] =	ssyncadd.s32 $0xFFFFC000  }
0x6a: {  	[spmem:s2] =	stream.indirect.scatter.add.f32 [tilespmem:s18], [sflag:$0x3], $0x80, s31, s16, $0xb8;
	[tilespmem:$0x1E400] =	vst v63  }
0x6b: {  	_ =	swait.ge [sflag:s14], $0x4000  }
0x6c: {  	[sflag:s14] =	ssyncset.done $0x0  }
0x6d: {  	s25 =	simm.s32 $0x180;
	s24 =	simm.s32 $0x400;
	[sflag:s14] =	ssyncadd.s32 $0xFFFFC000  }
.LBB2_4:
0x6e: {  	[tilespmem:s18], [sflag:$0x2] =	stream.indirect.gather [hbm4b:s1+s16], $0x80, s25, s16, $0xb8;
	[tilespmem:$0x1E400] =	vst v63  }
0x6f: {  	s25 =	smov.u32 s24  }
0x70: {  	p0 =	sne.s32 s24, $0x4800;
	s24 =	sadd.s32 $0x400, s24;
	_ =	swait.ge [sflag:s19], $0x4000  }
0x71: {  	s25 =	sshra.s32 s25, $0x2;
	[sflag:s19] =	ssyncset.done $0x0  }
0x72: {  	s26 =	sadd.s32 $0x1400, s25;
	[sflag:s19] =	ssyncadd.s32 $0xFFFFC000  }
0x73: {  	[spmem:s2] =	stream.indirect.scatter.add.f32 [tilespmem:s17], [sflag:$0x3], $0x80, s26, s16, $0xb8;
	[tilespmem:$0x1E400] =	vst v63  }
0x74: {  	_ =	swait.ge [sflag:s14], $0x4000  }
0x75: {  	[sflag:s14] =	ssyncset.done $0x0  }
0x76: {  	s26 =	sadd.s32 $0x100, s25;
	[sflag:s14] =	ssyncadd.s32 $0xFFFFC000  }
0x77: {  	[tilespmem:s17], [sflag:$0x1] =	stream.indirect.gather [hbm4b:s1+s16], $0x80, s26, s16, $0xb8;
	[tilespmem:$0x1E400] =	vst v63  }
0x78: {  	_ =	swait.ge [sflag:s20], $0x4000  }
0x79: {  	[sflag:s20] =	ssyncset.done $0x0  }
.Ltmp1:
0x7a: {  	s26 =	sadd.s32 $0x1480, s25;
	[sflag:s20] =	ssyncadd.s32 $0xFFFFC000;
	(pc) =	sbr.rel @p0 .LBB2_4-.Ltmp1, $4  }
0x7b: {  	[spmem:s2] =	stream.indirect.scatter.add.f32 [tilespmem:s18], [sflag:$0x3], $0x80, s26, s16, $0xb8;
	[tilespmem:$0x1E400] =	vst v63  }
0x7c: {  	_ =	swait.ge [sflag:s14], $0x4000  }
0x7d: {  	[sflag:s14] =	ssyncset.done $0x0  }
0x7e: {  	s25 =	sadd.s32 $0x180, s25;
	[sflag:s14] =	ssyncadd.s32 $0xFFFFC000  }
0x7f: {  	[tilespmem:s18], [sflag:$0x2] =	stream.indirect.gather [hbm4b:s1+s16], $0x80, s25, s16, $0xb8;
	[tilespmem:$0x1E400] =	vst v63  }
0x80: {  	_ =	swait.ge [sflag:s19], $0x4000  }
0x81: {  	[sflag:s19] =	ssyncset.done $0x0  }
0x82: {  	[sflag:s19] =	ssyncadd.s32 $0xFFFFC000  }
0x83: {  	[spmem:s2] =	stream.indirect.scatter.add.f32 [tilespmem:s17], [sflag:$0x3], $0x80, s21, s16, $0xb8;
	[tilespmem:$0x1E400] =	vst v63  }
0x84: {  	_ =	swait.ge [sflag:s14], $0x4000  }
0x85: {  	[sflag:s14] =	ssyncset.done $0x0  }
0x86: {  	[sflag:s14] =	ssyncadd.s32 $0xFFFFC000  }
0x87: {  	_ =	swait.ge [sflag:s20], $0x4000  }
0x88: {  	[sflag:s20] =	ssyncset.done $0x0  }
0x89: {  	[sflag:s20] =	ssyncadd.s32 $0xFFFFC000  }
0x8a: {  	[spmem:s2] =	stream.indirect.scatter.add.f32 [tilespmem:s18], [sflag:$0x3], $0x80, s22, s16, $0xb8;
	[tilespmem:$0x1E400] =	vst v63  }
0x8b: {  	_ =	swait.ge [sflag:s14], $0x4000  }
0x8c: {  	s23 =	sadd.s32 $0x1, s23;
	[sflag:s14] =	ssyncset.done $0x0  }
0x8d: {  	p0 =	sne.s32 s23, s8;
	[sflag:s14] =	ssyncadd.s32 $0xFFFFC000  }
.Ltmp2:
0x8e: {  	[bflag:$0x0] =	sbarrier.arrive $0xFFFF;
	(pc) =	sbr.rel @p0 .LBB2_1-.Ltmp2, $4  }
0x8f: {  	[hbm:s7], [sflag:s6] =	dma.local [spmem:s13], $0x2780  }
0x90: {  	_ =	swait.ge [sflag:s14], $0x2780  }
0x91: {  	[sflag:s14] =	ssyncset.done $0x0  }
0x92: {  	[sflag:s14] =	ssyncadd.s32 $0xFFFFD880  }
0x93: {  	_ =	sfence.sel $0x180000  }
0x94: {  	[bflag:$0x0] =	sbarrier.arrive $0xFFFF  }
0x95: {  	p0 =	sne.s32 s3, $0x0;
	_ =	strace $0x90000050  }
0x96: {  	s0 =	sadd.s32 @!p0 $0x100000, s0;
	[bflag:$0x2] =	sbarrier.arrive $0xFFFF  }
0x97: {  	[sflag:s0] =	ssyncadd.tile.s32 @!p0 $0x1;
	_ =	shalt  }
.Lfunc_end2:
_tile_overlayer_lowered:
.L_overlay_start_2:
0x98: {  	(tag) =	ssettag $0x2  }
0x99: {  	s0 =	rddreg [dreg:$0x0];
	s2 =	stileid.u32  }
0x9a: {  	s1 =	rddreg [dreg:$0x1];
	p0 =	sne.s32 s2, $0x0  }
0x9b: {  	s3 =	rddreg [dreg:$0x2];
	[bflag:$0x3] =	sbarrier.arrive $0xFFFF;
	s2 =	simm.s32 @!p0 $0x1C03  }
0x9c: {  	[timem:s3], [sflag:s2] =	dma.local @!p0 [hbm:s0], s1  }
0x9d: {  	s0 =	simm.s32 @!p0 $0x3  }
0x9e: {  	_ =	swait.ge @!p0 [sflag:s0], s1  }
0x9f: {  	s1 =	ssub.s32 @!p0 $0x0, s1;
	[sflag:s0] =	ssyncset.done @!p0 $0x0  }
0xa0: {  	[sflag:s0] =	ssyncadd.s32 @!p0 s1  }
0xa1: {  	[bflag:$0x3] =	sbarrier.arrive $0xFFFF  }
0xa2: {  	_ =	shalt  }

</sc_bundles>
